<compile_context>
chip_gen: v7x
topology: tpu7x:2x2x1
jax: 0.10.2.dev20260603
libtpu: 0.0.44.dev20260713+nightly
codegen_flags: <defaults>
</compile_context>

<pallas_src>
import functools

import jax
import jax.numpy as jnp
from jax import lax
from jax.experimental import pallas as pl
from jax.experimental.pallas import tpu as pltpu
from jax.experimental.pallas import tpu_sc as plsc

BATCH = 16384
EMBEDDING_DIM = 64
NUM_LOCATION = 1000000

_info = plsc.get_sparse_core_info()
_NC, _NS = _info.num_cores, _info.num_subcores
_L = 16
_B_PER_S = BATCH // _NS
_CH = 27776
_NMAIN = 36
_TAIL0 = _NMAIN * _CH
_NTAIL = NUM_LOCATION - _TAIL0
_NCHUNK = _NMAIN + 1
_NCPAD = 48
_SUPW = 5
_NSUP = 8
_CH1 = _SUPW * _CH
_CPS = EMBEDDING_DIM // _NC // _NS


@functools.partial(
    pl.kernel,
    mesh=plsc.VectorSubcoreMesh(core_axis_name="c", subcore_axis_name="s"),
    out_type=jax.ShapeDtypeStruct((8, 8, BATCH), jnp.float32),
    scratch_types=[
        pltpu.VMEM((_B_PER_S,), jnp.int32),
        pltpu.VMEM((_B_PER_S + _L,), jnp.int32),
        pltpu.VMEM((_B_PER_S + _L,), jnp.int32),
        pltpu.VMEM((_NSUP * _L,), jnp.int32),
        pltpu.VMEM((_NSUP * _L,), jnp.int32),
        pltpu.VMEM((_NCHUNK * _L,), jnp.int32),
        pltpu.VMEM((_NCHUNK * _L,), jnp.int32),
        pltpu.VMEM((_NCPAD,), jnp.int32),
        pltpu.VMEM((_NS * _B_PER_S + _L,), jnp.int32),
        pltpu.VMEM((_NS * _NCPAD,), jnp.int32),
        pltpu.VMEM((_NCPAD,), jnp.int32),
        pltpu.VMEM((_NCPAD,), jnp.int32),
        pltpu.VMEM((_NCPAD,), jnp.int32),
        pltpu.VMEM((_L,), jnp.int32),
        pltpu.VMEM((_L,), jnp.int32),
        pltpu.VMEM((_CH,), jnp.float32),
        pltpu.VMEM((_CH,), jnp.float32),
        pltpu.VMEM((_CH,), jnp.float32),
        pltpu.VMEM((BATCH,), jnp.float32),
        pltpu.VMEM((_NTAIL,), jnp.float32),
        pltpu.VMEM((_NTAIL,), jnp.float32),
        pltpu.VMEM_SHARED((_NS * _B_PER_S + _L,), jnp.int32),
        pltpu.VMEM_SHARED((_NS * _NCPAD,), jnp.int32),
        pltpu.SemaphoreType.DMA,
        pltpu.SemaphoreType.DMA,
        pltpu.SemaphoreType.DMA,
    ],
    compiler_params=pltpu.CompilerParams(
        use_tc_tiling_on_sc=True, needs_layout_passes=False
    ),
)
def _lookup_kernel(
    idx_hbm, t3_hbm, tail_hbm, out_hbm,
    idx_own, mybuf, supbuf, supcnt, supstart, mycnt, mystart, cnt_pk,
    glist_all, cnt_all, gtot_pk, gst_pk, mybase_pk, pos_stage, ent_stage,
    buf0, buf1, buf2, vals_v, tail0_v, tail1_v, glist_sh, cnt_sh, sem0, sem1, sem2,
):
    core = lax.axis_index("c")
    sid = lax.axis_index("s")
    iota = lax.broadcasted_iota(jnp.int32, (_L,), 0)
    bufs = (buf0, buf1, buf2)
    sems = (sem0, sem1, sem2)

    comp0 = core * (_NS * _CPS) + sid * _CPS
    col0 = t3_hbm.at[comp0 // 8, comp0 % 8]
    pltpu.async_copy(col0.at[pl.ds(0, _CH)], buf0, sem0)
    pltpu.async_copy(col0.at[pl.ds(_CH, _CH)], buf1, sem1)

    pltpu.sync_copy(idx_hbm.at[pl.ds(sid * _B_PER_S, _B_PER_S)], idx_own)
    pltpu.sync_copy(tail_hbm.at[comp0], tail0_v)
    pltpu.sync_copy(tail_hbm.at[comp0 + 1], tail1_v)
    b_base = sid * _B_PER_S

    def _super(k1, pos):
        lo = jnp.broadcast_to(k1 * _CH1, (_L,)).astype(jnp.int32)
        hi = jnp.minimum(lo + _CH1, NUM_LOCATION)
        pos_start = pos

        def _step(i, p):
            idx16 = idx_own[pl.ds(i * _L, _L)]
            m = (idx16 >= lo) & (idx16 < hi)
            ent16 = lax.shift_left(idx16 - lo, 14) | (b_base + i * _L + iota)
            ranks = plsc.cumsum(m.astype(jnp.int32))
            plsc.store_scatter(supbuf, [p + ranks - 1], ent16, mask=m)
            return p + jnp.max(ranks)

        pos = lax.fori_loop(0, _B_PER_S // _L, _step, pos)
        supcnt[pl.ds(k1 * _L, _L)] = jnp.broadcast_to(pos - pos_start, (_L,))
        supstart[pl.ds(k1 * _L, _L)] = jnp.broadcast_to(pos_start, (_L,))
        return pos

    lax.fori_loop(0, _NSUP, _super, jnp.int32(0))

    def _split_super(k1, pos):
        scnt16 = supcnt[pl.ds(k1 * _L, _L)]
        sst16 = supstart[pl.ds(k1 * _L, _L)]
        scnt = jnp.max(scnt16)
        sst = jnp.max(sst16)
        nvec = (scnt + _L - 1) // _L

        def _sub(j2, pos):
            k = k1 * _SUPW + j2
            lo = jnp.broadcast_to(j2 * _CH, (_L,)).astype(jnp.int32)
            hi = jnp.minimum(lo + _CH, NUM_LOCATION - k1 * _CH1)
            pos_start = pos

            def _step2(i, p):
                lane = i * _L + iota
                ent = plsc.load_gather(supbuf, [sst + lane])
                loc = lax.shift_right_logical(ent, 14)
                m = (lane < scnt16) & (loc >= lo) & (loc < hi)
                ent2 = lax.shift_left(loc - lo, 16) | (ent & 0x3FFF)
                ranks = plsc.cumsum(m.astype(jnp.int32))
                plsc.store_scatter(mybuf, [p + ranks - 1], ent2, mask=m)
                return p + jnp.max(ranks)

            pos = lax.fori_loop(0, nvec, _step2, pos)
            mycnt[pl.ds(k * _L, _L)] = jnp.broadcast_to(pos - pos_start, (_L,))
            mystart[pl.ds(k * _L, _L)] = jnp.broadcast_to(pos_start, (_L,))
            return pos

        return lax.fori_loop(
            0, jnp.minimum(_SUPW, _NCHUNK - k1 * _SUPW), _sub, pos)

    lax.fori_loop(0, _NSUP, _split_super, jnp.int32(0))
    for t in range(_NCPAD // _L):
        sel = jnp.minimum((t * _L + iota) * _L, (_NCHUNK - 1) * _L)
        cnt_pk[pl.ds(t * _L, _L)] = plsc.load_gather(mycnt, [sel])

    pltpu.sync_copy(cnt_pk, cnt_sh.at[pl.ds(sid * _NCPAD, _NCPAD)])
    plsc.subcore_barrier()
    pltpu.sync_copy(cnt_sh, cnt_all)

    def _offsets(k, gs):
        cnt16k = plsc.load_gather(cnt_all, [iota * _NCPAD + k])
        total = jnp.sum(cnt16k)
        myoff = jnp.sum(jnp.where(iota < sid, cnt16k, 0))
        k16 = jnp.broadcast_to(k, (_L,))
        plsc.store_scatter(gtot_pk, [k16], jnp.broadcast_to(total, (_L,)))
        plsc.store_scatter(gst_pk, [k16], jnp.broadcast_to(gs, (_L,)))
        plsc.store_scatter(
            mybase_pk, [k16], jnp.broadcast_to(gs + myoff, (_L,)))
        return gs + total

    lax.fori_loop(0, _NCHUNK, _offsets, jnp.int32(0))

    def _scatter_mine(k, _):
        k16 = jnp.broadcast_to(k, (_L,))
        base16 = plsc.load_gather(mybase_pk, [k16])
        cntm16 = plsc.load_gather(mycnt, [k16 * _L])
        stm = jnp.max(plsc.load_gather(mystart, [k16 * _L]))
        cntm = jnp.max(cntm16)

        def _pub(jv, _2):
            lane = jv * _L + iota
            ent16 = plsc.load_gather(mybuf, [stm + lane])
            lmask = lane < cntm16
            pos16 = jnp.where(lmask, base16 + lane, _NS * _B_PER_S)
            pos_stage[pl.ds(0, _L)] = pos16
            ent_stage[pl.ds(0, _L)] = ent16
            pltpu.sync_copy(ent_stage, glist_sh.at[pos_stage])
            return _2

        lax.fori_loop(0, (cntm + _L - 1) // _L, _pub, 0)
        return _

    lax.fori_loop(0, _NCHUNK, _scatter_mine, 0)
    plsc.subcore_barrier()
    pltpu.sync_copy(glist_sh, glist_all)

    def _extract_bucket(k, src_load):
        k16 = jnp.broadcast_to(k, (_L,))
        cnt16 = plsc.load_gather(gtot_pk, [k16])
        st16 = plsc.load_gather(gst_pk, [k16])
        cnt = jnp.max(cnt16)
        st = jnp.max(st16)

        def _ext(jv, _2):
            lane = jv * _L + iota
            ent16 = plsc.load_gather(glist_all, [st + lane])
            lmask = lane < cnt16
            off16 = lax.shift_right_logical(ent16, 16)
            b16 = ent16 & 0xFFFF
            v = src_load(off16, lmask)
            plsc.store_scatter(vals_v, [b16], v, mask=lmask)
            return _2

        lax.fori_loop(0, (cnt + _L - 1) // _L, _ext, 0)

    for j in range(_CPS):
        comp = core * (_NS * _CPS) + sid * _CPS + j
        g = comp // 8
        s = comp % 8
        col = t3_hbm.at[g, s]
        if j > 0:
            pltpu.async_copy(col.at[pl.ds(0, _CH)], buf0, sem0)
            pltpu.async_copy(col.at[pl.ds(_CH, _CH)], buf1, sem1)

        def _chunk_trip(k3, _, col=col):
            for slot in range(3):
                k = k3 * 3 + slot

                @pl.when(k + 2 < _NMAIN)
                def _prefetch(k=k, slot=slot, col=col):
                    pltpu.async_copy(
                        col.at[pl.ds((k + 2) * _CH, _CH)],
                        bufs[(slot + 2) % 3], sems[(slot + 2) % 3],
                    )

                pltpu.make_async_copy(
                    col.at[pl.ds(k * _CH, _CH)], bufs[slot], sems[slot]
                ).wait()
                _extract_bucket(
                    k,
                    lambda o16, m, slot=slot: plsc.load_gather(
                        bufs[slot], [o16], mask=m),
                )
            return _

        lax.fori_loop(0, _NMAIN // 3, _chunk_trip, 0)
        tail_j = (tail0_v, tail1_v)[j]
        _extract_bucket(
            _NMAIN,
            lambda o16, m, tail_j=tail_j: plsc.load_gather(
                tail_j, [o16], mask=m),
        )
        pltpu.sync_copy(vals_v, out_hbm.at[g, s])


def kernel(x, embedding_location):
    location_idx = x[:, 0]
    t3 = embedding_location.T.reshape(8, 8, NUM_LOCATION)
    tail = embedding_location[_TAIL0:, :].T
    out_t = _lookup_kernel(location_idx, t3, tail)
    return out_t.reshape(EMBEDDING_DIM, BATCH).T

# --- scband reference (transcript-rebuilt; emitter-appended) ---
"""Pipeline reference for scband-user-db-16071767622199 (READ-ONLY COPY).

The authoritative reference and input builder live on the scoring server;
editing this copy changes nothing except your own understanding.
"""

import jax, jax.numpy as jnp
import numpy as np

NUM_LOCATION = 1000000
EMBEDDING_DIM = 64
BATCH = 16384
N_FIELDS = 26

def setup_inputs(seed: int = 0) -> dict:
    key = jax.random.key(seed)
    k1, k2 = jax.random.split(key)
    x = jax.random.randint(k1, (BATCH, N_FIELDS), 0, NUM_LOCATION, dtype=jnp.int64) if jax.config.jax_enable_x64 else jax.random.randint(k1, (BATCH, N_FIELDS), 0, NUM_LOCATION, dtype=jnp.int32)
    # embedding table, nn.Embedding default init is N(0, 1)
    embedding_location = jax.random.normal(k2, (NUM_LOCATION, EMBEDDING_DIM), dtype=jnp.float32)
    return {"x": x, "embedding_location": embedding_location}

def reference(x, embedding_location):
    # forward: take column 0 as location indices, embedding lookup
    location_idx = x[:, 0]
    location_emb = jnp.take(embedding_location, location_idx, axis=0)
    return location_emb

if __name__ == "__main__":
    import jax
    _d = setup_inputs()
    print(jax.jit(kernel)(*tuple(_d.values())))

</pallas_src>

<mosaic_0001>
#map = affine_map<(d0, d1) -> (0)>
#map1 = affine_map<(d0, d1) -> (0, 0, 0)>
#map2 = affine_map<(d0, d1) -> (0, 0)>
module attributes {stable_mosaic.version = 14 : i64} {
  func.func @_lookup_kernel(%arg0: i32, %arg1: i32, %arg2: memref<16384xi32, #tpu.memory_space<hbm>>, %arg3: memref<8x8x1000000xf32, #tpu.memory_space<hbm>>, %arg4: memref<64x64xf32, #tpu.memory_space<hbm>>, %arg5: memref<8x8x16384xf32, #tpu.memory_space<hbm>>, %arg6: memref<1024xi32, #tpu.memory_space<vmem>>, %arg7: memref<1040xi32, #tpu.memory_space<vmem>>, %arg8: memref<1040xi32, #tpu.memory_space<vmem>>, %arg9: memref<128xi32, #tpu.memory_space<vmem>>, %arg10: memref<128xi32, #tpu.memory_space<vmem>>, %arg11: memref<592xi32, #tpu.memory_space<vmem>>, %arg12: memref<592xi32, #tpu.memory_space<vmem>>, %arg13: memref<48xi32, #tpu.memory_space<vmem>>, %arg14: memref<16400xi32, #tpu.memory_space<vmem>>, %arg15: memref<768xi32, #tpu.memory_space<vmem>>, %arg16: memref<48xi32, #tpu.memory_space<vmem>>, %arg17: memref<48xi32, #tpu.memory_space<vmem>>, %arg18: memref<48xi32, #tpu.memory_space<vmem>>, %arg19: memref<16xi32, #tpu.memory_space<vmem>>, %arg20: memref<16xi32, #tpu.memory_space<vmem>>, %arg21: memref<27776xf32, #tpu.memory_space<vmem>>, %arg22: memref<27776xf32, #tpu.memory_space<vmem>>, %arg23: memref<27776xf32, #tpu.memory_space<vmem>>, %arg24: memref<16384xf32, #tpu.memory_space<vmem>>, %arg25: memref<64xf32, #tpu.memory_space<vmem>>, %arg26: memref<64xf32, #tpu.memory_space<vmem>>, %arg27: memref<16400xi32, #tpu.memory_space<vmem_shared>>, %arg28: memref<768xi32, #tpu.memory_space<vmem_shared>>, %arg29: memref<!tpu.dma_semaphore, #tpu.memory_space<semaphore_mem>>, %arg30: memref<!tpu.dma_semaphore, #tpu.memory_space<semaphore_mem>>, %arg31: memref<!tpu.dma_semaphore, #tpu.memory_space<semaphore_mem>>) attributes {dimension_semantics = [#tpu.dimension_semantics<core_parallel>, #tpu.dimension_semantics<subcore_parallel>], iteration_bounds = array<i64: 2, 16>, scalar_prefetch = 0 : i64, scratch_operands = 26 : i64, tpu.core_type = #tpu.core_type<sc_vector_subcore>, window_params = [{transform_indices = #map}, {transform_indices = #map1}, {transform_indices = #map2}, {transform_indices = #map1}]} {
    %iota3A = tpu.iota {dimensions = array<i32: 0>} : vector<16xi32>
    %mul3A = arith.constant 32 : i32
    %mul3A_0 = arith.muli %arg0, %mul3A : i32
    %mul3A_1 = arith.constant 2 : i32
    %mul3A_2 = arith.muli %arg1, %mul3A_1 : i32
    %add3A = arith.addi %mul3A_0, %mul3A_2 : i32
    %jit3A = arith.constant 8 : i32
    %div3A = arith.divsi %add3A, %jit3A : i32
    %sign3A = arith.constant 0 : i32
    %sign3A_3 = arith.cmpi sgt, %add3A, %sign3A : i32
    %sign3A_4 = arith.extui %sign3A_3 : i1 to i32
    %sign3A_5 = arith.constant 0 : i32
    %sign3A_6 = arith.cmpi slt, %add3A, %sign3A_5 : i32
    %sign3A_7 = arith.extui %sign3A_6 : i1 to i32
    %sign3A_8 = arith.subi %sign3A_4, %sign3A_7 : i32
    %sign3A_9 = arith.constant 0 : i32
    %sign3A_10 = arith.cmpi sgt, %jit3A, %sign3A_9 : i32
    %sign3A_11 = arith.extui %sign3A_10 : i1 to i32
    %sign3A_12 = arith.constant 0 : i32
    %sign3A_13 = arith.cmpi slt, %jit3A, %sign3A_12 : i32
    %sign3A_14 = arith.extui %sign3A_13 : i1 to i32
    %sign3A_15 = arith.subi %sign3A_11, %sign3A_14 : i32
    %ne3A = arith.cmpi ne, %sign3A_8, %sign3A_15 : i32
    %rem3A = arith.remsi %add3A, %jit3A : i32
    %ne3A_16 = arith.constant 0 : i32
    %ne3A_17 = arith.cmpi ne, %rem3A, %ne3A_16 : i32
    %and3A = arith.andi %ne3A, %ne3A_17 : i1
    %sub3A = arith.constant 1 : i32
    %sub3A_18 = arith.subi %div3A, %sub3A : i32
    %select_n3A = arith.select %and3A, %sub3A_18, %div3A : i32
    %jit3A_19 = arith.constant 8 : i32
    %eq3A = arith.constant 0 : i32
    %eq3A_20 = arith.cmpi eq, %jit3A_19, %eq3A : i32
    %jit3A_21 = arith.constant 1 : i32
    %select_n3A_22 = arith.select %eq3A_20, %jit3A_21, %jit3A_19 : i32
    %rem3A_23 = arith.remsi %add3A, %select_n3A_22 : i32
    %ne3A_24 = arith.constant 0 : i32
    %ne3A_25 = arith.cmpi ne, %rem3A_23, %ne3A_24 : i32
    %lt3A = arith.constant 0 : i32
    %lt3A_26 = arith.cmpi slt, %rem3A_23, %lt3A : i32
    %lt3A_27 = arith.constant 0 : i32
    %lt3A_28 = arith.cmpi slt, %select_n3A_22, %lt3A_27 : i32
    %ne3A_29 = arith.xori %lt3A_26, %lt3A_28 : i1
    %and3A_30 = arith.andi %ne3A_29, %ne3A_25 : i1
    %add3A_31 = arith.addi %rem3A_23, %select_n3A_22 : i32
    %select_n3A_32 = arith.select %and3A_30, %add3A_31, %rem3A_23 : i32
    %dma_start3A = arith.constant 0 : i32
    %dma_start3A_33 = tpu.memref_slice %arg3[%select_n3A, %select_n3A_32, %dma_start3A] : memref<8x8x1000000xf32, #tpu.memory_space<hbm>> -> memref<1x1x1000000xf32, #tpu.memory_space<hbm>>
    %dma_start3A_34 = tpu.memref_squeeze %dma_start3A_33 : memref<1x1x1000000xf32, #tpu.memory_space<hbm>> -> memref<1000000xf32, #tpu.memory_space<hbm>>
    %dma_start3A_35 = arith.constant 0 : i32
    %dma_start3A_36 = tpu.memref_slice %dma_start3A_34[%dma_start3A_35] : memref<1000000xf32, #tpu.memory_space<hbm>> -> memref<27776xf32, #tpu.memory_space<hbm>>
    %dma_start3A_37 = arith.constant 0 : i32
    %dma_start3A_38 = tpu.memref_slice %arg3[%select_n3A, %select_n3A_32, %dma_start3A_37] : memref<8x8x1000000xf32, #tpu.memory_space<hbm>> -> memref<1x1x1000000xf32, #tpu.memory_space<hbm>>
    %dma_start3A_39 = tpu.memref_squeeze %dma_start3A_38 : memref<1x1x1000000xf32, #tpu.memory_space<hbm>> -> memref<1000000xf32, #tpu.memory_space<hbm>>
    %dma_start3A_40 = arith.constant 0 : i32
    %dma_start3A_41 = tpu.memref_slice %dma_start3A_39[%dma_start3A_40] : memref<1000000xf32, #tpu.memory_space<hbm>> -> memref<27776xf32, #tpu.memory_space<hbm>>
    tpu.enqueue_dma source(%dma_start3A_41 : memref<27776xf32, #tpu.memory_space<hbm>>) target(%arg21 : memref<27776xf32, #tpu.memory_space<vmem>>) target_semaphore(%arg29 : memref<!tpu.dma_semaphore, #tpu.memory_space<semaphore_mem>>)
    %dma_start3A_42 = arith.constant 0 : i32
    %dma_start3A_43 = tpu.memref_slice %arg3[%select_n3A, %select_n3A_32, %dma_start3A_42] : memref<8x8x1000000xf32, #tpu.memory_space<hbm>> -> memref<1x1x1000000xf32, #tpu.memory_space<hbm>>
    %dma_start3A_44 = tpu.memref_squeeze %dma_start3A_43 : memref<1x1x1000000xf32, #tpu.memory_space<hbm>> -> memref<1000000xf32, #tpu.memory_space<hbm>>
    %dma_start3A_45 = arith.constant 27776 : i32
    %dma_start3A_46 = tpu.memref_slice %dma_start3A_44[%dma_start3A_45] : memref<1000000xf32, #tpu.memory_space<hbm>> -> memref<27776xf32, #tpu.memory_space<hbm>>
    %dma_start3A_47 = arith.constant 0 : i32
    %dma_start3A_48 = tpu.memref_slice %arg3[%select_n3A, %select_n3A_32, %dma_start3A_47] : memref<8x8x1000000xf32, #tpu.memory_space<hbm>> -> memref<1x1x1000000xf32, #tpu.memory_space<hbm>>
    %dma_start3A_49 = tpu.memref_squeeze %dma_start3A_48 : memref<1x1x1000000xf32, #tpu.memory_space<hbm>> -> memref<1000000xf32, #tpu.memory_space<hbm>>
    %dma_start3A_50 = arith.constant 27776 : i32
    %dma_start3A_51 = tpu.memref_slice %dma_start3A_49[%dma_start3A_50] : memref<1000000xf32, #tpu.memory_space<hbm>> -> memref<27776xf32, #tpu.memory_space<hbm>>
    tpu.enqueue_dma source(%dma_start3A_51 : memref<27776xf32, #tpu.memory_space<hbm>>) target(%arg22 : memref<27776xf32, #tpu.memory_space<vmem>>) target_semaphore(%arg30 : memref<!tpu.dma_semaphore, #tpu.memory_space<semaphore_mem>>)
    %mul3A_52 = arith.constant 1024 : i32
    %mul3A_53 = arith.muli %arg1, %mul3A_52 : i32
    "tpu.region"() ({
      %run_scoped3A = tpu.sem_alloc : memref<!tpu.dma_semaphore, #tpu.memory_space<semaphore_mem>>
      %dma_start3A_359 = tpu.memref_slice %arg2[%mul3A_53] : memref<16384xi32, #tpu.memory_space<hbm>> -> memref<1024xi32, #tpu.memory_space<hbm>>
      %dma_start3A_360 = tpu.memref_slice %arg2[%mul3A_53] : memref<16384xi32, #tpu.memory_space<hbm>> -> memref<1024xi32, #tpu.memory_space<hbm>>
      tpu.enqueue_dma source(%dma_start3A_360 : memref<1024xi32, #tpu.memory_space<hbm>>) target(%arg6 : memref<1024xi32, #tpu.memory_space<vmem>>) target_semaphore(%run_scoped3A : memref<!tpu.dma_semaphore, #tpu.memory_space<semaphore_mem>>)
      %dma_wait3A = tpu.memref_slice %arg2[%mul3A_53] : memref<16384xi32, #tpu.memory_space<hbm>> -> memref<1024xi32, #tpu.memory_space<hbm>>
      %dma_wait3A_361 = tpu.memref_slice %arg2[%mul3A_53] : memref<16384xi32, #tpu.memory_space<hbm>> -> memref<1024xi32, #tpu.memory_space<hbm>>
      tpu.wait_dma2 semaphore(%run_scoped3A : memref<!tpu.dma_semaphore, #tpu.memory_space<semaphore_mem>>) src(%dma_wait3A_361 : memref<1024xi32, #tpu.memory_space<hbm>>) dst(%arg6 : memref<1024xi32, #tpu.memory_space<vmem>>)
      tpu.yield
    }) : () -> ()
    "tpu.region"() ({
      %run_scoped3A = tpu.sem_alloc : memref<!tpu.dma_semaphore, #tpu.memory_space<semaphore_mem>>
      %dma_start3A_359 = arith.constant 0 : i32
      %dma_start3A_360 = tpu.memref_slice %arg4[%add3A, %dma_start3A_359] : memref<64x64xf32, #tpu.memory_space<hbm>> -> memref<1x64xf32, #tpu.memory_space<hbm>>
      %dma_start3A_361 = tpu.memref_squeeze %dma_start3A_360 : memref<1x64xf32, #tpu.memory_space<hbm>> -> memref<64xf32, #tpu.memory_space<hbm>>
      %dma_start3A_362 = arith.constant 0 : i32
      %dma_start3A_363 = tpu.memref_slice %arg4[%add3A, %dma_start3A_362] : memref<64x64xf32, #tpu.memory_space<hbm>> -> memref<1x64xf32, #tpu.memory_space<hbm>>
      %dma_start3A_364 = tpu.memref_squeeze %dma_start3A_363 : memref<1x64xf32, #tpu.memory_space<hbm>> -> memref<64xf32, #tpu.memory_space<hbm>>
      tpu.enqueue_dma source(%dma_start3A_364 : memref<64xf32, #tpu.memory_space<hbm>>) target(%arg25 : memref<64xf32, #tpu.memory_space<vmem>>) target_semaphore(%run_scoped3A : memref<!tpu.dma_semaphore, #tpu.memory_space<semaphore_mem>>)
      %dma_wait3A = arith.constant 0 : i32
      %dma_wait3A_365 = tpu.memref_slice %arg4[%add3A, %dma_wait3A] : memref<64x64xf32, #tpu.memory_space<hbm>> -> memref<1x64xf32, #tpu.memory_space<hbm>>
      %dma_wait3A_366 = tpu.memref_squeeze %dma_wait3A_365 : memref<1x64xf32, #tpu.memory_space<hbm>> -> memref<64xf32, #tpu.memory_space<hbm>>
      %dma_wait3A_367 = arith.constant 0 : i32
      %dma_wait3A_368 = tpu.memref_slice %arg4[%add3A, %dma_wait3A_367] : memref<64x64xf32, #tpu.memory_space<hbm>> -> memref<1x64xf32, #tpu.memory_space<hbm>>
      %dma_wait3A_369 = tpu.memref_squeeze %dma_wait3A_368 : memref<1x64xf32, #tpu.memory_space<hbm>> -> memref<64xf32, #tpu.memory_space<hbm>>
      tpu.wait_dma2 semaphore(%run_scoped3A : memref<!tpu.dma_semaphore, #tpu.memory_space<semaphore_mem>>) src(%dma_wait3A_369 : memref<64xf32, #tpu.memory_space<hbm>>) dst(%arg25 : memref<64xf32, #tpu.memory_space<vmem>>)
      tpu.yield
    }) : () -> ()
    %add3A_54 = arith.constant 1 : i32
    %add3A_55 = arith.addi %add3A, %add3A_54 : i32
    "tpu.region"() ({
      %run_scoped3A = tpu.sem_alloc : memref<!tpu.dma_semaphore, #tpu.memory_space<semaphore_mem>>
      %dma_start3A_359 = arith.constant 0 : i32
      %dma_start3A_360 = tpu.memref_slice %arg4[%add3A_55, %dma_start3A_359] : memref<64x64xf32, #tpu.memory_space<hbm>> -> memref<1x64xf32, #tpu.memory_space<hbm>>
      %dma_start3A_361 = tpu.memref_squeeze %dma_start3A_360 : memref<1x64xf32, #tpu.memory_space<hbm>> -> memref<64xf32, #tpu.memory_space<hbm>>
      %dma_start3A_362 = arith.constant 0 : i32
      %dma_start3A_363 = tpu.memref_slice %arg4[%add3A_55, %dma_start3A_362] : memref<64x64xf32, #tpu.memory_space<hbm>> -> memref<1x64xf32, #tpu.memory_space<hbm>>
      %dma_start3A_364 = tpu.memref_squeeze %dma_start3A_363 : memref<1x64xf32, #tpu.memory_space<hbm>> -> memref<64xf32, #tpu.memory_space<hbm>>
      tpu.enqueue_dma source(%dma_start3A_364 : memref<64xf32, #tpu.memory_space<hbm>>) target(%arg26 : memref<64xf32, #tpu.memory_space<vmem>>) target_semaphore(%run_scoped3A : memref<!tpu.dma_semaphore, #tpu.memory_space<semaphore_mem>>)
      %dma_wait3A = arith.constant 0 : i32
      %dma_wait3A_365 = tpu.memref_slice %arg4[%add3A_55, %dma_wait3A] : memref<64x64xf32, #tpu.memory_space<hbm>> -> memref<1x64xf32, #tpu.memory_space<hbm>>
      %dma_wait3A_366 = tpu.memref_squeeze %dma_wait3A_365 : memref<1x64xf32, #tpu.memory_space<hbm>> -> memref<64xf32, #tpu.memory_space<hbm>>
      %dma_wait3A_367 = arith.constant 0 : i32
      %dma_wait3A_368 = tpu.memref_slice %arg4[%add3A_55, %dma_wait3A_367] : memref<64x64xf32, #tpu.memory_space<hbm>> -> memref<1x64xf32, #tpu.memory_space<hbm>>
      %dma_wait3A_369 = tpu.memref_squeeze %dma_wait3A_368 : memref<1x64xf32, #tpu.memory_space<hbm>> -> memref<64xf32, #tpu.memory_space<hbm>>
      tpu.wait_dma2 semaphore(%run_scoped3A : memref<!tpu.dma_semaphore, #tpu.memory_space<semaphore_mem>>) src(%dma_wait3A_369 : memref<64xf32, #tpu.memory_space<hbm>>) dst(%arg26 : memref<64xf32, #tpu.memory_space<vmem>>)
      tpu.yield
    }) : () -> ()
    %mul3A_56 = arith.constant 1024 : i32
    %mul3A_57 = arith.muli %arg1, %mul3A_56 : i32
    %scan3A = arith.constant 0 : i32
    %scan3A_58 = arith.constant 0 : i32
    %scan3A_59 = arith.constant 8 : i32
    %scan3A_60 = arith.addi %scan3A_58, %scan3A_59 : i32
    %scan3A_61 = arith.constant 1 : i32
    %scan3A_62 = scf.for %scan3A_359 = %scan3A_58 to %scan3A_60 step %scan3A_61 iter_args(%scan3A_360 = %scan3A) -> (i32)  : i32 {
      %mul3A_361 = arith.constant 138880 : i32
      %mul3A_362 = arith.muli %scan3A_359, %mul3A_361 : i32
      %broadcast_in_dim3A_363 = vector.broadcast %mul3A_362 : i32 to vector<16xi32>
      %add3A_364 = arith.constant 138880 : i32
      %add3A_365 = vector.broadcast %add3A_364 : i32 to vector<16xi32>
      %add3A_366 = arith.addi %broadcast_in_dim3A_363, %add3A_365 : vector<16xi32>
      %min3A_367 = arith.constant 1000000 : i32
      %min3A_368 = vector.broadcast %min3A_367 : i32 to vector<16xi32>
      %min3A_369 = arith.minsi %add3A_366, %min3A_368 : vector<16xi32>
      %scan3A_370 = arith.constant 0 : i32
      %scan3A_371 = arith.constant 64 : i32
      %scan3A_372 = arith.addi %scan3A_370, %scan3A_371 : i32
      %scan3A_373 = arith.constant 1 : i32
      %scan3A_374 = scf.for %scan3A_387 = %scan3A_370 to %scan3A_372 step %scan3A_373 iter_args(%scan3A_388 = %scan3A_360) -> (i32)  : i32 {
        %mul3A_389 = arith.constant 16 : i32
        %mul3A_390 = arith.muli %scan3A_387, %mul3A_389 : i32
        %get3A = arith.index_cast %mul3A_390 : i32 to index
        %get3A_391 = tpu.vector_load %arg6[%get3A] {strides = array<i32>} : memref<1024xi32, #tpu.memory_space<vmem>>, vector<16xi32>,
        %ge3A = arith.cmpi sge, %get3A_391, %broadcast_in_dim3A_363 : vector<16xi32>
        %lt3A_392 = arith.cmpi slt, %get3A_391, %min3A_369 : vector<16xi32>
        %and3A_393 = arith.andi %ge3A, %lt3A_392 : vector<16xi1>
        %sub3A_394 = arith.subi %get3A_391, %broadcast_in_dim3A_363 : vector<16xi32>
        %shift_left3A = arith.constant 14 : i32
        %shift_left3A_395 = vector.broadcast %shift_left3A : i32 to vector<16xi32>
        %shift_left3A_396 = arith.shli %sub3A_394, %shift_left3A_395 : vector<16xi32>
        %mul3A_397 = arith.constant 16 : i32
        %mul3A_398 = arith.muli %scan3A_387, %mul3A_397 : i32
        %add3A_399 = arith.addi %mul3A_57, %mul3A_398 : i32
        %add3A_400 = vector.broadcast %add3A_399 : i32 to vector<16xi32>
        %add3A_401 = arith.addi %add3A_400, %iota3A : vector<16xi32>
        %or3A = arith.ori %shift_left3A_396, %add3A_401 : vector<16xi32>
        %convert_element_type3A = arith.extui %and3A_393 : vector<16xi1> to vector<16xi32>
        %broadcast_in_dim3A_402 = arith.constant true
        %broadcast_in_dim3A_403 = vector.broadcast %broadcast_in_dim3A_402 : i1 to vector<16xi1>
        %masked_cumsum3A = tpu.scan <sum>, %convert_element_type3A masked %broadcast_in_dim3A_403 : vector<16xi32>, vector<16xi1> -> vector<16xi32>
        %add3A_404 = vector.broadcast %scan3A_388 : i32 to vector<16xi32>
        %add3A_405 = arith.addi %add3A_404, %masked_cumsum3A : vector<16xi32>
        %sub3A_406 = arith.constant 1 : i32
        %sub3A_407 = vector.broadcast %sub3A_406 : i32 to vector<16xi32>
        %sub3A_408 = arith.subi %add3A_405, %sub3A_407 : vector<16xi32>
        tpu.vector_store_idx %arg8[%sub3A_408], %or3A masked %and3A_393 : memref<1040xi32, #tpu.memory_space<vmem>>[vector<16xi32>], vector<16xi32>, vector<16xi1>
        %reduce_max3A_409 = arith.constant true
        %reduce_max3A_410 = vector.broadcast %reduce_max3A_409 : i1 to vector<16xi1>
        %reduce_max3A_411 = arith.constant -2147483648 : i32
        %reduce_max3A_412 = vector.broadcast %reduce_max3A_411 : i32 to vector<16xi32>
        %reduce_max3A_413 = arith.xori %masked_cumsum3A, %reduce_max3A_412 : vector<16xi32>
        %reduce_max3A_414 = tpu.scan <max>, %reduce_max3A_413 masked %reduce_max3A_410 : vector<16xi32>, vector<16xi1> -> vector<16xi32>
        %reduce_max3A_415 = arith.xori %reduce_max3A_414, %reduce_max3A_412 : vector<16xi32>
        %reduce_max3A_416 = vector.extract %reduce_max3A_415[15] : i32 from vector<16xi32>
        %add3A_417 = arith.addi %scan3A_388, %reduce_max3A_416 : i32
        scf.yield %add3A_417 : i32
      }
      %scan3A_375 = arith.constant 64 : i32
      %sub3A_376 = arith.subi %scan3A_374, %scan3A_360 : i32
      %broadcast_in_dim3A_377 = vector.broadcast %sub3A_376 : i32 to vector<16xi32>
      %mul3A_378 = arith.constant 16 : i32
      %mul3A_379 = arith.muli %scan3A_359, %mul3A_378 : i32
      %swap3A_380 = arith.index_cast %mul3A_379 : i32 to index
      %swap3A_381 = tpu.vector_load %arg9[%swap3A_380] {strides = array<i32>} : memref<128xi32, #tpu.memory_space<vmem>>, vector<16xi32>,
      tpu.vector_store %arg9[%swap3A_380], %broadcast_in_dim3A_377 {strides = array<i32>} : memref<128xi32, #tpu.memory_space<vmem>>, vector<16xi32>,
      %broadcast_in_dim3A_382 = vector.broadcast %scan3A_360 : i32 to vector<16xi32>
      %mul3A_383 = arith.constant 16 : i32
      %mul3A_384 = arith.muli %scan3A_359, %mul3A_383 : i32
      %swap3A_385 = arith.index_cast %mul3A_384 : i32 to index
      %swap3A_386 = tpu.vector_load %arg10[%swap3A_385] {strides = array<i32>} : memref<128xi32, #tpu.memory_space<vmem>>, vector<16xi32>,
      tpu.vector_store %arg10[%swap3A_385], %broadcast_in_dim3A_382 {strides = array<i32>} : memref<128xi32, #tpu.memory_space<vmem>>, vector<16xi32>,
      scf.yield %scan3A_374 : i32
    }
    %scan3A_63 = arith.constant 8 : i32
    %scan3A_64 = arith.constant 0 : i32
    %scan3A_65 = arith.constant 0 : i32
    %scan3A_66 = arith.constant 8 : i32
    %scan3A_67 = arith.addi %scan3A_65, %scan3A_66 : i32
    %scan3A_68 = arith.constant 1 : i32
    %scan3A_69 = scf.for %scan3A_359 = %scan3A_65 to %scan3A_67 step %scan3A_68 iter_args(%scan3A_360 = %scan3A_64) -> (i32)  : i32 {
      %mul3A_361 = arith.constant 16 : i32
      %mul3A_362 = arith.muli %scan3A_359, %mul3A_361 : i32
      %get3A = arith.index_cast %mul3A_362 : i32 to index
      %get3A_363 = tpu.vector_load %arg9[%get3A] {strides = array<i32>} : memref<128xi32, #tpu.memory_space<vmem>>, vector<16xi32>,
      %mul3A_364 = arith.constant 16 : i32
      %mul3A_365 = arith.muli %scan3A_359, %mul3A_364 : i32
      %get3A_366 = arith.index_cast %mul3A_365 : i32 to index
      %get3A_367 = tpu.vector_load %arg10[%get3A_366] {strides = array<i32>} : memref<128xi32, #tpu.memory_space<vmem>>, vector<16xi32>,
      %reduce_max3A_368 = arith.constant true
      %reduce_max3A_369 = vector.broadcast %reduce_max3A_368 : i1 to vector<16xi1>
      %reduce_max3A_370 = arith.constant -2147483648 : i32
      %reduce_max3A_371 = vector.broadcast %reduce_max3A_370 : i32 to vector<16xi32>
      %reduce_max3A_372 = arith.xori %get3A_363, %reduce_max3A_371 : vector<16xi32>
      %reduce_max3A_373 = tpu.scan <max>, %reduce_max3A_372 masked %reduce_max3A_369 : vector<16xi32>, vector<16xi1> -> vector<16xi32>
      %reduce_max3A_374 = arith.xori %reduce_max3A_373, %reduce_max3A_371 : vector<16xi32>
      %reduce_max3A_375 = vector.extract %reduce_max3A_374[15] : i32 from vector<16xi32>
      %reduce_max3A_376 = arith.constant true
      %reduce_max3A_377 = vector.broadcast %reduce_max3A_376 : i1 to vector<16xi1>
      %reduce_max3A_378 = arith.constant -2147483648 : i32
      %reduce_max3A_379 = vector.broadcast %reduce_max3A_378 : i32 to vector<16xi32>
      %reduce_max3A_380 = arith.xori %get3A_367, %reduce_max3A_379 : vector<16xi32>
      %reduce_max3A_381 = tpu.scan <max>, %reduce_max3A_380 masked %reduce_max3A_377 : vector<16xi32>, vector<16xi1> -> vector<16xi32>
      %reduce_max3A_382 = arith.xori %reduce_max3A_381, %reduce_max3A_379 : vector<16xi32>
      %reduce_max3A_383 = vector.extract %reduce_max3A_382[15] : i32 from vector<16xi32>
      %add3A_384 = arith.constant 16 : i32
      %add3A_385 = arith.addi %reduce_max3A_375, %add3A_384 : i32
      %sub3A_386 = arith.constant 1 : i32
      %sub3A_387 = arith.subi %add3A_385, %sub3A_386 : i32
      %jit3A_388 = arith.constant 16 : i32
      %div3A_389 = arith.divsi %sub3A_387, %jit3A_388 : i32
      %sign3A_390 = arith.constant 0 : i32
      %sign3A_391 = arith.cmpi sgt, %sub3A_387, %sign3A_390 : i32
      %sign3A_392 = arith.extui %sign3A_391 : i1 to i32
      %sign3A_393 = arith.constant 0 : i32
      %sign3A_394 = arith.cmpi slt, %sub3A_387, %sign3A_393 : i32
      %sign3A_395 = arith.extui %sign3A_394 : i1 to i32
      %sign3A_396 = arith.subi %sign3A_392, %sign3A_395 : i32
      %sign3A_397 = arith.constant 0 : i32
      %sign3A_398 = arith.cmpi sgt, %jit3A_388, %sign3A_397 : i32
      %sign3A_399 = arith.extui %sign3A_398 : i1 to i32
      %sign3A_400 = arith.constant 0 : i32
      %sign3A_401 = arith.cmpi slt, %jit3A_388, %sign3A_400 : i32
      %sign3A_402 = arith.extui %sign3A_401 : i1 to i32
      %sign3A_403 = arith.subi %sign3A_399, %sign3A_402 : i32
      %ne3A_404 = arith.cmpi ne, %sign3A_396, %sign3A_403 : i32
      %rem3A_405 = arith.remsi %sub3A_387, %jit3A_388 : i32
      %ne3A_406 = arith.constant 0 : i32
      %ne3A_407 = arith.cmpi ne, %rem3A_405, %ne3A_406 : i32
      %and3A_408 = arith.andi %ne3A_404, %ne3A_407 : i1
      %sub3A_409 = arith.constant 1 : i32
      %sub3A_410 = arith.subi %div3A_389, %sub3A_409 : i32
      %select_n3A_411 = arith.select %and3A_408, %sub3A_410, %div3A_389 : i32
      %mul3A_412 = arith.constant 5 : i32
      %mul3A_413 = arith.muli %scan3A_359, %mul3A_412 : i32
      %sub3A_414 = arith.constant 37 : i32
      %sub3A_415 = arith.subi %sub3A_414, %mul3A_413 : i32
      %min3A_416 = arith.constant 5 : i32
      %min3A_417 = arith.minsi %min3A_416, %sub3A_415 : i32
      %while3A_418 = arith.constant 0 : i32
      %while3A_419 = arith.subi %min3A_417, %while3A_418 : i32
      %while3A_420 = arith.addi %while3A_418, %while3A_419 : i32
      %while3A_421 = arith.constant 1 : i32
      %while3A_422 = arith.divsi %while3A_419, %while3A_421 : i32
      %while3A_423 = arith.muli %while3A_422, %while3A_421 : i32
      %while3A_424 = arith.addi %while3A_418, %while3A_423 : i32
      %while3A_425 = arith.constant 1 : i32
      %while3A_426 = scf.for %while3A_429 = %while3A_418 to %while3A_424 step %while3A_425 iter_args(%while3A_430 = %scan3A_360) -> (i32)  : i32 {
        %mul3A_431 = arith.constant 5 : i32
        %mul3A_432 = arith.muli %scan3A_359, %mul3A_431 : i32
        %add3A_433 = arith.addi %mul3A_432, %while3A_429 : i32
        %mul3A_434 = arith.constant 27776 : i32
        %mul3A_435 = arith.muli %while3A_429, %mul3A_434 : i32
        %broadcast_in_dim3A_436 = vector.broadcast %mul3A_435 : i32 to vector<16xi32>
        %add3A_437 = arith.constant 27776 : i32
        %add3A_438 = vector.broadcast %add3A_437 : i32 to vector<16xi32>
        %add3A_439 = arith.addi %broadcast_in_dim3A_436, %add3A_438 : vector<16xi32>
        %mul3A_440 = arith.constant 138880 : i32
        %mul3A_441 = arith.muli %scan3A_359, %mul3A_440 : i32
        %sub3A_442 = arith.constant 1000000 : i32
        %sub3A_443 = arith.subi %sub3A_442, %mul3A_441 : i32
        %min3A_444 = vector.broadcast %sub3A_443 : i32 to vector<16xi32>
        %min3A_445 = arith.minsi %add3A_439, %min3A_444 : vector<16xi32>
        %while3A_446 = arith.constant 0 : i32
        %while3A_447 = arith.subi %select_n3A_411, %while3A_446 : i32
        %while3A_448 = arith.addi %while3A_446, %while3A_447 : i32
        %while3A_449 = arith.constant 1 : i32
        %while3A_450 = arith.divsi %while3A_447, %while3A_449 : i32
        %while3A_451 = arith.muli %while3A_450, %while3A_449 : i32
        %while3A_452 = arith.addi %while3A_446, %while3A_451 : i32
        %while3A_453 = arith.constant 1 : i32
        %while3A_454 = scf.for %while3A_468 = %while3A_446 to %while3A_452 step %while3A_453 iter_args(%while3A_469 = %while3A_430) -> (i32)  : i32 {
          %mul3A_470 = arith.constant 16 : i32
          %mul3A_471 = arith.muli %while3A_468, %mul3A_470 : i32
          %add3A_472 = vector.broadcast %mul3A_471 : i32 to vector<16xi32>
          %add3A_473 = arith.addi %add3A_472, %iota3A : vector<16xi32>
          %add3A_474 = vector.broadcast %reduce_max3A_383 : i32 to vector<16xi32>
          %add3A_475 = arith.addi %add3A_474, %add3A_473 : vector<16xi32>
          %gather3A_476 = tpu.vector_load_idx %arg8[%add3A_475] : memref<1040xi32, #tpu.memory_space<vmem>>[vector<16xi32>], vector<16xi32>,
          %shift_right_logical3A = arith.constant 14 : i32
          %shift_right_logical3A_477 = vector.broadcast %shift_right_logical3A : i32 to vector<16xi32>
          %shift_right_logical3A_478 = arith.shrui %gather3A_476, %shift_right_logical3A_477 : vector<16xi32>
          %lt3A_479 = arith.cmpi slt, %add3A_473, %get3A_363 : vector<16xi32>
          %ge3A = arith.cmpi sge, %shift_right_logical3A_478, %broadcast_in_dim3A_436 : vector<16xi32>
          %and3A_480 = arith.andi %lt3A_479, %ge3A : vector<16xi1>
          %lt3A_481 = arith.cmpi slt, %shift_right_logical3A_478, %min3A_445 : vector<16xi32>
          %and3A_482 = arith.andi %and3A_480, %lt3A_481 : vector<16xi1>
          %sub3A_483 = arith.subi %shift_right_logical3A_478, %broadcast_in_dim3A_436 : vector<16xi32>
          %shift_left3A = arith.constant 16 : i32
          %shift_left3A_484 = vector.broadcast %shift_left3A : i32 to vector<16xi32>
          %shift_left3A_485 = arith.shli %sub3A_483, %shift_left3A_484 : vector<16xi32>
          %and3A_486 = arith.constant 16383 : i32
          %and3A_487 = vector.broadcast %and3A_486 : i32 to vector<16xi32>
          %and3A_488 = arith.andi %gather3A_476, %and3A_487 : vector<16xi32>
          %or3A = arith.ori %shift_left3A_485, %and3A_488 : vector<16xi32>
          %convert_element_type3A = arith.extui %and3A_482 : vector<16xi1> to vector<16xi32>
          %broadcast_in_dim3A_489 = arith.constant true
          %broadcast_in_dim3A_490 = vector.broadcast %broadcast_in_dim3A_489 : i1 to vector<16xi1>
          %masked_cumsum3A = tpu.scan <sum>, %convert_element_type3A masked %broadcast_in_dim3A_490 : vector<16xi32>, vector<16xi1> -> vector<16xi32>
          %add3A_491 = vector.broadcast %while3A_469 : i32 to vector<16xi32>
          %add3A_492 = arith.addi %add3A_491, %masked_cumsum3A : vector<16xi32>
          %sub3A_493 = arith.constant 1 : i32
          %sub3A_494 = vector.broadcast %sub3A_493 : i32 to vector<16xi32>
          %sub3A_495 = arith.subi %add3A_492, %sub3A_494 : vector<16xi32>
          tpu.vector_store_idx %arg7[%sub3A_495], %or3A masked %and3A_482 : memref<1040xi32, #tpu.memory_space<vmem>>[vector<16xi32>], vector<16xi32>, vector<16xi1>
          %reduce_max3A_496 = arith.constant true
          %reduce_max3A_497 = vector.broadcast %reduce_max3A_496 : i1 to vector<16xi1>
          %reduce_max3A_498 = arith.constant -2147483648 : i32
          %reduce_max3A_499 = vector.broadcast %reduce_max3A_498 : i32 to vector<16xi32>
          %reduce_max3A_500 = arith.xori %masked_cumsum3A, %reduce_max3A_499 : vector<16xi32>
          %reduce_max3A_501 = tpu.scan <max>, %reduce_max3A_500 masked %reduce_max3A_497 : vector<16xi32>, vector<16xi1> -> vector<16xi32>
          %reduce_max3A_502 = arith.xori %reduce_max3A_501, %reduce_max3A_499 : vector<16xi32>
          %reduce_max3A_503 = vector.extract %reduce_max3A_502[15] : i32 from vector<16xi32>
          %add3A_504 = arith.addi %while3A_469, %reduce_max3A_503 : i32
          scf.yield %add3A_504 : i32
        }
        %while3A_455 = arith.constant 1 : i32
        %while3A_456 = scf.for %while3A_468 = %while3A_452 to %while3A_448 step %while3A_455 iter_args(%while3A_469 = %while3A_454) -> (i32)  : i32 {
          %mul3A_470 = arith.constant 16 : i32
          %mul3A_471 = arith.muli %while3A_468, %mul3A_470 : i32
          %add3A_472 = vector.broadcast %mul3A_471 : i32 to vector<16xi32>
          %add3A_473 = arith.addi %add3A_472, %iota3A : vector<16xi32>
          %add3A_474 = vector.broadcast %reduce_max3A_383 : i32 to vector<16xi32>
          %add3A_475 = arith.addi %add3A_474, %add3A_473 : vector<16xi32>
          %gather3A_476 = tpu.vector_load_idx %arg8[%add3A_475] : memref<1040xi32, #tpu.memory_space<vmem>>[vector<16xi32>], vector<16xi32>,
          %shift_right_logical3A = arith.constant 14 : i32
          %shift_right_logical3A_477 = vector.broadcast %shift_right_logical3A : i32 to vector<16xi32>
          %shift_right_logical3A_478 = arith.shrui %gather3A_476, %shift_right_logical3A_477 : vector<16xi32>
          %lt3A_479 = arith.cmpi slt, %add3A_473, %get3A_363 : vector<16xi32>
          %ge3A = arith.cmpi sge, %shift_right_logical3A_478, %broadcast_in_dim3A_436 : vector<16xi32>
          %and3A_480 = arith.andi %lt3A_479, %ge3A : vector<16xi1>
          %lt3A_481 = arith.cmpi slt, %shift_right_logical3A_478, %min3A_445 : vector<16xi32>
          %and3A_482 = arith.andi %and3A_480, %lt3A_481 : vector<16xi1>
          %sub3A_483 = arith.subi %shift_right_logical3A_478, %broadcast_in_dim3A_436 : vector<16xi32>
          %shift_left3A = arith.constant 16 : i32
          %shift_left3A_484 = vector.broadcast %shift_left3A : i32 to vector<16xi32>
          %shift_left3A_485 = arith.shli %sub3A_483, %shift_left3A_484 : vector<16xi32>
          %and3A_486 = arith.constant 16383 : i32
          %and3A_487 = vector.broadcast %and3A_486 : i32 to vector<16xi32>
          %and3A_488 = arith.andi %gather3A_476, %and3A_487 : vector<16xi32>
          %or3A = arith.ori %shift_left3A_485, %and3A_488 : vector<16xi32>
          %convert_element_type3A = arith.extui %and3A_482 : vector<16xi1> to vector<16xi32>
          %broadcast_in_dim3A_489 = arith.constant true
          %broadcast_in_dim3A_490 = vector.broadcast %broadcast_in_dim3A_489 : i1 to vector<16xi1>
          %masked_cumsum3A = tpu.scan <sum>, %convert_element_type3A masked %broadcast_in_dim3A_490 : vector<16xi32>, vector<16xi1> -> vector<16xi32>
          %add3A_491 = vector.broadcast %while3A_469 : i32 to vector<16xi32>
          %add3A_492 = arith.addi %add3A_491, %masked_cumsum3A : vector<16xi32>
          %sub3A_493 = arith.constant 1 : i32
          %sub3A_494 = vector.broadcast %sub3A_493 : i32 to vector<16xi32>
          %sub3A_495 = arith.subi %add3A_492, %sub3A_494 : vector<16xi32>
          tpu.vector_store_idx %arg7[%sub3A_495], %or3A masked %and3A_482 : memref<1040xi32, #tpu.memory_space<vmem>>[vector<16xi32>], vector<16xi32>, vector<16xi1>
          %reduce_max3A_496 = arith.constant true
          %reduce_max3A_497 = vector.broadcast %reduce_max3A_496 : i1 to vector<16xi1>
          %reduce_max3A_498 = arith.constant -2147483648 : i32
          %reduce_max3A_499 = vector.broadcast %reduce_max3A_498 : i32 to vector<16xi32>
          %reduce_max3A_500 = arith.xori %masked_cumsum3A, %reduce_max3A_499 : vector<16xi32>
          %reduce_max3A_501 = tpu.scan <max>, %reduce_max3A_500 masked %reduce_max3A_497 : vector<16xi32>, vector<16xi1> -> vector<16xi32>
          %reduce_max3A_502 = arith.xori %reduce_max3A_501, %reduce_max3A_499 : vector<16xi32>
          %reduce_max3A_503 = vector.extract %reduce_max3A_502[15] : i32 from vector<16xi32>
          %add3A_504 = arith.addi %while3A_469, %reduce_max3A_503 : i32
          scf.yield %add3A_504 : i32
        }
        %sub3A_457 = arith.subi %while3A_456, %while3A_430 : i32
        %broadcast_in_dim3A_458 = vector.broadcast %sub3A_457 : i32 to vector<16xi32>
        %mul3A_459 = arith.constant 16 : i32
        %mul3A_460 = arith.muli %add3A_433, %mul3A_459 : i32
        %swap3A_461 = arith.index_cast %mul3A_460 : i32 to index
        %swap3A_462 = tpu.vector_load %arg11[%swap3A_461] {strides = array<i32>} : memref<592xi32, #tpu.memory_space<vmem>>, vector<16xi32>,
        tpu.vector_store %arg11[%swap3A_461], %broadcast_in_dim3A_458 {strides = array<i32>} : memref<592xi32, #tpu.memory_space<vmem>>, vector<16xi32>,
        %broadcast_in_dim3A_463 = vector.broadcast %while3A_430 : i32 to vector<16xi32>
        %mul3A_464 = arith.constant 16 : i32
        %mul3A_465 = arith.muli %add3A_433, %mul3A_464 : i32
        %swap3A_466 = arith.index_cast %mul3A_465 : i32 to index
        %swap3A_467 = tpu.vector_load %arg12[%swap3A_466] {strides = array<i32>} : memref<592xi32, #tpu.memory_space<vmem>>, vector<16xi32>,
        tpu.vector_store %arg12[%swap3A_466], %broadcast_in_dim3A_463 {strides = array<i32>} : memref<592xi32, #tpu.memory_space<vmem>>, vector<16xi32>,
        scf.yield %while3A_456 : i32
      }
      %while3A_427 = arith.constant 1 : i32
      %while3A_428 = scf.for %while3A_429 = %while3A_424 to %while3A_420 step %while3A_427 iter_args(%while3A_430 = %while3A_426) -> (i32)  : i32 {
        %mul3A_431 = arith.constant 5 : i32
        %mul3A_432 = arith.muli %scan3A_359, %mul3A_431 : i32
        %add3A_433 = arith.addi %mul3A_432, %while3A_429 : i32
        %mul3A_434 = arith.constant 27776 : i32
        %mul3A_435 = arith.muli %while3A_429, %mul3A_434 : i32
        %broadcast_in_dim3A_436 = vector.broadcast %mul3A_435 : i32 to vector<16xi32>
        %add3A_437 = arith.constant 27776 : i32
        %add3A_438 = vector.broadcast %add3A_437 : i32 to vector<16xi32>
        %add3A_439 = arith.addi %broadcast_in_dim3A_436, %add3A_438 : vector<16xi32>
        %mul3A_440 = arith.constant 138880 : i32
        %mul3A_441 = arith.muli %scan3A_359, %mul3A_440 : i32
        %sub3A_442 = arith.constant 1000000 : i32
        %sub3A_443 = arith.subi %sub3A_442, %mul3A_441 : i32
        %min3A_444 = vector.broadcast %sub3A_443 : i32 to vector<16xi32>
        %min3A_445 = arith.minsi %add3A_439, %min3A_444 : vector<16xi32>
        %while3A_446 = arith.constant 0 : i32
        %while3A_447 = arith.subi %select_n3A_411, %while3A_446 : i32
        %while3A_448 = arith.addi %while3A_446, %while3A_447 : i32
        %while3A_449 = arith.constant 1 : i32
        %while3A_450 = arith.divsi %while3A_447, %while3A_449 : i32
        %while3A_451 = arith.muli %while3A_450, %while3A_449 : i32
        %while3A_452 = arith.addi %while3A_446, %while3A_451 : i32
        %while3A_453 = arith.constant 1 : i32
        %while3A_454 = scf.for %while3A_468 = %while3A_446 to %while3A_452 step %while3A_453 iter_args(%while3A_469 = %while3A_430) -> (i32)  : i32 {
          %mul3A_470 = arith.constant 16 : i32
          %mul3A_471 = arith.muli %while3A_468, %mul3A_470 : i32
          %add3A_472 = vector.broadcast %mul3A_471 : i32 to vector<16xi32>
          %add3A_473 = arith.addi %add3A_472, %iota3A : vector<16xi32>
          %add3A_474 = vector.broadcast %reduce_max3A_383 : i32 to vector<16xi32>
          %add3A_475 = arith.addi %add3A_474, %add3A_473 : vector<16xi32>
          %gather3A_476 = tpu.vector_load_idx %arg8[%add3A_475] : memref<1040xi32, #tpu.memory_space<vmem>>[vector<16xi32>], vector<16xi32>,
          %shift_right_logical3A = arith.constant 14 : i32
          %shift_right_logical3A_477 = vector.broadcast %shift_right_logical3A : i32 to vector<16xi32>
          %shift_right_logical3A_478 = arith.shrui %gather3A_476, %shift_right_logical3A_477 : vector<16xi32>
          %lt3A_479 = arith.cmpi slt, %add3A_473, %get3A_363 : vector<16xi32>
          %ge3A = arith.cmpi sge, %shift_right_logical3A_478, %broadcast_in_dim3A_436 : vector<16xi32>
          %and3A_480 = arith.andi %lt3A_479, %ge3A : vector<16xi1>
          %lt3A_481 = arith.cmpi slt, %shift_right_logical3A_478, %min3A_445 : vector<16xi32>
          %and3A_482 = arith.andi %and3A_480, %lt3A_481 : vector<16xi1>
          %sub3A_483 = arith.subi %shift_right_logical3A_478, %broadcast_in_dim3A_436 : vector<16xi32>
          %shift_left3A = arith.constant 16 : i32
          %shift_left3A_484 = vector.broadcast %shift_left3A : i32 to vector<16xi32>
          %shift_left3A_485 = arith.shli %sub3A_483, %shift_left3A_484 : vector<16xi32>
          %and3A_486 = arith.constant 16383 : i32
          %and3A_487 = vector.broadcast %and3A_486 : i32 to vector<16xi32>
          %and3A_488 = arith.andi %gather3A_476, %and3A_487 : vector<16xi32>
          %or3A = arith.ori %shift_left3A_485, %and3A_488 : vector<16xi32>
          %convert_element_type3A = arith.extui %and3A_482 : vector<16xi1> to vector<16xi32>
          %broadcast_in_dim3A_489 = arith.constant true
          %broadcast_in_dim3A_490 = vector.broadcast %broadcast_in_dim3A_489 : i1 to vector<16xi1>
          %masked_cumsum3A = tpu.scan <sum>, %convert_element_type3A masked %broadcast_in_dim3A_490 : vector<16xi32>, vector<16xi1> -> vector<16xi32>
          %add3A_491 = vector.broadcast %while3A_469 : i32 to vector<16xi32>
          %add3A_492 = arith.addi %add3A_491, %masked_cumsum3A : vector<16xi32>
          %sub3A_493 = arith.constant 1 : i32
          %sub3A_494 = vector.broadcast %sub3A_493 : i32 to vector<16xi32>
          %sub3A_495 = arith.subi %add3A_492, %sub3A_494 : vector<16xi32>
          tpu.vector_store_idx %arg7[%sub3A_495], %or3A masked %and3A_482 : memref<1040xi32, #tpu.memory_space<vmem>>[vector<16xi32>], vector<16xi32>, vector<16xi1>
          %reduce_max3A_496 = arith.constant true
          %reduce_max3A_497 = vector.broadcast %reduce_max3A_496 : i1 to vector<16xi1>
          %reduce_max3A_498 = arith.constant -2147483648 : i32
          %reduce_max3A_499 = vector.broadcast %reduce_max3A_498 : i32 to vector<16xi32>
          %reduce_max3A_500 = arith.xori %masked_cumsum3A, %reduce_max3A_499 : vector<16xi32>
          %reduce_max3A_501 = tpu.scan <max>, %reduce_max3A_500 masked %reduce_max3A_497 : vector<16xi32>, vector<16xi1> -> vector<16xi32>
          %reduce_max3A_502 = arith.xori %reduce_max3A_501, %reduce_max3A_499 : vector<16xi32>
          %reduce_max3A_503 = vector.extract %reduce_max3A_502[15] : i32 from vector<16xi32>
          %add3A_504 = arith.addi %while3A_469, %reduce_max3A_503 : i32
          scf.yield %add3A_504 : i32
        }
        %while3A_455 = arith.constant 1 : i32
        %while3A_456 = scf.for %while3A_468 = %while3A_452 to %while3A_448 step %while3A_455 iter_args(%while3A_469 = %while3A_454) -> (i32)  : i32 {
          %mul3A_470 = arith.constant 16 : i32
          %mul3A_471 = arith.muli %while3A_468, %mul3A_470 : i32
          %add3A_472 = vector.broadcast %mul3A_471 : i32 to vector<16xi32>
          %add3A_473 = arith.addi %add3A_472, %iota3A : vector<16xi32>
          %add3A_474 = vector.broadcast %reduce_max3A_383 : i32 to vector<16xi32>
          %add3A_475 = arith.addi %add3A_474, %add3A_473 : vector<16xi32>
          %gather3A_476 = tpu.vector_load_idx %arg8[%add3A_475] : memref<1040xi32, #tpu.memory_space<vmem>>[vector<16xi32>], vector<16xi32>,
          %shift_right_logical3A = arith.constant 14 : i32
          %shift_right_logical3A_477 = vector.broadcast %shift_right_logical3A : i32 to vector<16xi32>
          %shift_right_logical3A_478 = arith.shrui %gather3A_476, %shift_right_logical3A_477 : vector<16xi32>
          %lt3A_479 = arith.cmpi slt, %add3A_473, %get3A_363 : vector<16xi32>
          %ge3A = arith.cmpi sge, %shift_right_logical3A_478, %broadcast_in_dim3A_436 : vector<16xi32>
          %and3A_480 = arith.andi %lt3A_479, %ge3A : vector<16xi1>
          %lt3A_481 = arith.cmpi slt, %shift_right_logical3A_478, %min3A_445 : vector<16xi32>
          %and3A_482 = arith.andi %and3A_480, %lt3A_481 : vector<16xi1>
          %sub3A_483 = arith.subi %shift_right_logical3A_478, %broadcast_in_dim3A_436 : vector<16xi32>
          %shift_left3A = arith.constant 16 : i32
          %shift_left3A_484 = vector.broadcast %shift_left3A : i32 to vector<16xi32>
          %shift_left3A_485 = arith.shli %sub3A_483, %shift_left3A_484 : vector<16xi32>
          %and3A_486 = arith.constant 16383 : i32
          %and3A_487 = vector.broadcast %and3A_486 : i32 to vector<16xi32>
          %and3A_488 = arith.andi %gather3A_476, %and3A_487 : vector<16xi32>
          %or3A = arith.ori %shift_left3A_485, %and3A_488 : vector<16xi32>
          %convert_element_type3A = arith.extui %and3A_482 : vector<16xi1> to vector<16xi32>
          %broadcast_in_dim3A_489 = arith.constant true
          %broadcast_in_dim3A_490 = vector.broadcast %broadcast_in_dim3A_489 : i1 to vector<16xi1>
          %masked_cumsum3A = tpu.scan <sum>, %convert_element_type3A masked %broadcast_in_dim3A_490 : vector<16xi32>, vector<16xi1> -> vector<16xi32>
          %add3A_491 = vector.broadcast %while3A_469 : i32 to vector<16xi32>
          %add3A_492 = arith.addi %add3A_491, %masked_cumsum3A : vector<16xi32>
          %sub3A_493 = arith.constant 1 : i32
          %sub3A_494 = vector.broadcast %sub3A_493 : i32 to vector<16xi32>
          %sub3A_495 = arith.subi %add3A_492, %sub3A_494 : vector<16xi32>
          tpu.vector_store_idx %arg7[%sub3A_495], %or3A masked %and3A_482 : memref<1040xi32, #tpu.memory_space<vmem>>[vector<16xi32>], vector<16xi32>, vector<16xi1>
          %reduce_max3A_496 = arith.constant true
          %reduce_max3A_497 = vector.broadcast %reduce_max3A_496 : i1 to vector<16xi1>
          %reduce_max3A_498 = arith.constant -2147483648 : i32
          %reduce_max3A_499 = vector.broadcast %reduce_max3A_498 : i32 to vector<16xi32>
          %reduce_max3A_500 = arith.xori %masked_cumsum3A, %reduce_max3A_499 : vector<16xi32>
          %reduce_max3A_501 = tpu.scan <max>, %reduce_max3A_500 masked %reduce_max3A_497 : vector<16xi32>, vector<16xi1> -> vector<16xi32>
          %reduce_max3A_502 = arith.xori %reduce_max3A_501, %reduce_max3A_499 : vector<16xi32>
          %reduce_max3A_503 = vector.extract %reduce_max3A_502[15] : i32 from vector<16xi32>
          %add3A_504 = arith.addi %while3A_469, %reduce_max3A_503 : i32
          scf.yield %add3A_504 : i32
        }
        %sub3A_457 = arith.subi %while3A_456, %while3A_430 : i32
        %broadcast_in_dim3A_458 = vector.broadcast %sub3A_457 : i32 to vector<16xi32>
        %mul3A_459 = arith.constant 16 : i32
        %mul3A_460 = arith.muli %add3A_433, %mul3A_459 : i32
        %swap3A_461 = arith.index_cast %mul3A_460 : i32 to index
        %swap3A_462 = tpu.vector_load %arg11[%swap3A_461] {strides = array<i32>} : memref<592xi32, #tpu.memory_space<vmem>>, vector<16xi32>,
        tpu.vector_store %arg11[%swap3A_461], %broadcast_in_dim3A_458 {strides = array<i32>} : memref<592xi32, #tpu.memory_space<vmem>>, vector<16xi32>,
        %broadcast_in_dim3A_463 = vector.broadcast %while3A_430 : i32 to vector<16xi32>
        %mul3A_464 = arith.constant 16 : i32
        %mul3A_465 = arith.muli %add3A_433, %mul3A_464 : i32
        %swap3A_466 = arith.index_cast %mul3A_465 : i32 to index
        %swap3A_467 = tpu.vector_load %arg12[%swap3A_466] {strides = array<i32>} : memref<592xi32, #tpu.memory_space<vmem>>, vector<16xi32>,
        tpu.vector_store %arg12[%swap3A_466], %broadcast_in_dim3A_463 {strides = array<i32>} : memref<592xi32, #tpu.memory_space<vmem>>, vector<16xi32>,
        scf.yield %while3A_456 : i32
      }
      scf.yield %while3A_428 : i32
    }
    %scan3A_70 = arith.constant 8 : i32
    %add3A_71 = arith.constant 0 : i32
    %add3A_72 = vector.broadcast %add3A_71 : i32 to vector<16xi32>
    %add3A_73 = arith.addi %add3A_72, %iota3A : vector<16xi32>
    %mul3A_74 = arith.constant 16 : i32
    %mul3A_75 = vector.broadcast %mul3A_74 : i32 to vector<16xi32>
    %mul3A_76 = arith.muli %add3A_73, %mul3A_75 : vector<16xi32>
    %min3A = arith.constant 576 : i32
    %min3A_77 = vector.broadcast %min3A : i32 to vector<16xi32>
    %min3A_78 = arith.minsi %mul3A_76, %min3A_77 : vector<16xi32>
    %gather3A = tpu.vector_load_idx %arg11[%min3A_78] : memref<592xi32, #tpu.memory_space<vmem>>[vector<16xi32>], vector<16xi32>,
    %swap3A = arith.constant 0 : index
    %swap3A_79 = tpu.vector_load %arg13[%swap3A] {strides = array<i32>} : memref<48xi32, #tpu.memory_space<vmem>>, vector<16xi32>,
    tpu.vector_store %arg13[%swap3A], %gather3A {strides = array<i32>} : memref<48xi32, #tpu.memory_space<vmem>>, vector<16xi32>,
    %add3A_80 = arith.constant 16 : i32
    %add3A_81 = vector.broadcast %add3A_80 : i32 to vector<16xi32>
    %add3A_82 = arith.addi %add3A_81, %iota3A : vector<16xi32>
    %mul3A_83 = arith.constant 16 : i32
    %mul3A_84 = vector.broadcast %mul3A_83 : i32 to vector<16xi32>
    %mul3A_85 = arith.muli %add3A_82, %mul3A_84 : vector<16xi32>
    %min3A_86 = arith.constant 576 : i32
    %min3A_87 = vector.broadcast %min3A_86 : i32 to vector<16xi32>
    %min3A_88 = arith.minsi %mul3A_85, %min3A_87 : vector<16xi32>
    %gather3A_89 = tpu.vector_load_idx %arg11[%min3A_88] : memref<592xi32, #tpu.memory_space<vmem>>[vector<16xi32>], vector<16xi32>,
    %swap3A_90 = arith.constant 16 : index
    %swap3A_91 = tpu.vector_load %arg13[%swap3A_90] {strides = array<i32>} : memref<48xi32, #tpu.memory_space<vmem>>, vector<16xi32>,
    tpu.vector_store %arg13[%swap3A_90], %gather3A_89 {strides = array<i32>} : memref<48xi32, #tpu.memory_space<vmem>>, vector<16xi32>,
    %add3A_92 = arith.constant 32 : i32
    %add3A_93 = vector.broadcast %add3A_92 : i32 to vector<16xi32>
    %add3A_94 = arith.addi %add3A_93, %iota3A : vector<16xi32>
    %mul3A_95 = arith.constant 16 : i32
    %mul3A_96 = vector.broadcast %mul3A_95 : i32 to vector<16xi32>
    %mul3A_97 = arith.muli %add3A_94, %mul3A_96 : vector<16xi32>
    %min3A_98 = arith.constant 576 : i32
    %min3A_99 = vector.broadcast %min3A_98 : i32 to vector<16xi32>
    %min3A_100 = arith.minsi %mul3A_97, %min3A_99 : vector<16xi32>
    %gather3A_101 = tpu.vector_load_idx %arg11[%min3A_100] : memref<592xi32, #tpu.memory_space<vmem>>[vector<16xi32>], vector<16xi32>,
    %swap3A_102 = arith.constant 32 : index
    %swap3A_103 = tpu.vector_load %arg13[%swap3A_102] {strides = array<i32>} : memref<48xi32, #tpu.memory_space<vmem>>, vector<16xi32>,
    tpu.vector_store %arg13[%swap3A_102], %gather3A_101 {strides = array<i32>} : memref<48xi32, #tpu.memory_space<vmem>>, vector<16xi32>,
    %mul3A_104 = arith.constant 48 : i32
    %mul3A_105 = arith.muli %arg1, %mul3A_104 : i32
    "tpu.region"() ({
      %run_scoped3A = tpu.sem_alloc : memref<!tpu.dma_semaphore, #tpu.memory_space<semaphore_mem>>
      %dma_start3A_359 = tpu.memref_slice %arg28[%mul3A_105] : memref<768xi32, #tpu.memory_space<vmem_shared>> -> memref<48xi32, #tpu.memory_space<vmem_shared>>
      %dma_start3A_360 = tpu.memref_slice %arg28[%mul3A_105] : memref<768xi32, #tpu.memory_space<vmem_shared>> -> memref<48xi32, #tpu.memory_space<vmem_shared>>
      tpu.enqueue_dma source(%arg13 : memref<48xi32, #tpu.memory_space<vmem>>) target(%dma_start3A_360 : memref<48xi32, #tpu.memory_space<vmem_shared>>) target_semaphore(%run_scoped3A : memref<!tpu.dma_semaphore, #tpu.memory_space<semaphore_mem>>)
      %dma_wait3A = tpu.memref_slice %arg28[%mul3A_105] : memref<768xi32, #tpu.memory_space<vmem_shared>> -> memref<48xi32, #tpu.memory_space<vmem_shared>>
      %dma_wait3A_361 = tpu.memref_slice %arg28[%mul3A_105] : memref<768xi32, #tpu.memory_space<vmem_shared>> -> memref<48xi32, #tpu.memory_space<vmem_shared>>
      tpu.wait_dma2 semaphore(%run_scoped3A : memref<!tpu.dma_semaphore, #tpu.memory_space<semaphore_mem>>) src(%arg13 : memref<48xi32, #tpu.memory_space<vmem>>) dst(%dma_wait3A_361 : memref<48xi32, #tpu.memory_space<vmem_shared>>)
      tpu.yield
    }) : () -> ()
    %barrier3A = arith.constant 0 : index
    tpu.barrier barrier_id(%barrier3A)
    "tpu.region"() ({
      %run_scoped3A = tpu.sem_alloc : memref<!tpu.dma_semaphore, #tpu.memory_space<semaphore_mem>>
      tpu.enqueue_dma source(%arg28 : memref<768xi32, #tpu.memory_space<vmem_shared>>) target(%arg15 : memref<768xi32, #tpu.memory_space<vmem>>) target_semaphore(%run_scoped3A : memref<!tpu.dma_semaphore, #tpu.memory_space<semaphore_mem>>)
      tpu.wait_dma2 semaphore(%run_scoped3A : memref<!tpu.dma_semaphore, #tpu.memory_space<semaphore_mem>>) src(%arg28 : memref<768xi32, #tpu.memory_space<vmem_shared>>) dst(%arg15 : memref<768xi32, #tpu.memory_space<vmem>>)
      tpu.yield
    }) : () -> ()
    %scan3A_106 = arith.constant 0 : i32
    %scan3A_107 = arith.constant 0 : i32
    %scan3A_108 = arith.constant 37 : i32
    %scan3A_109 = arith.addi %scan3A_107, %scan3A_108 : i32
    %scan3A_110 = arith.constant 1 : i32
    %scan3A_111 = scf.for %scan3A_359 = %scan3A_107 to %scan3A_109 step %scan3A_110 iter_args(%scan3A_360 = %scan3A_106) -> (i32)  : i32 {
      %mul3A_361 = arith.constant 48 : i32
      %mul3A_362 = vector.broadcast %mul3A_361 : i32 to vector<16xi32>
      %mul3A_363 = arith.muli %iota3A, %mul3A_362 : vector<16xi32>
      %add3A_364 = vector.broadcast %scan3A_359 : i32 to vector<16xi32>
      %add3A_365 = arith.addi %mul3A_363, %add3A_364 : vector<16xi32>
      %gather3A_366 = tpu.vector_load_idx %arg15[%add3A_365] : memref<768xi32, #tpu.memory_space<vmem>>[vector<16xi32>], vector<16xi32>,
      %reduce_sum3A = arith.constant true
      %reduce_sum3A_367 = vector.broadcast %reduce_sum3A : i1 to vector<16xi1>
      %reduce_sum3A_368 = tpu.scan <sum>, %gather3A_366 masked %reduce_sum3A_367 : vector<16xi32>, vector<16xi1> -> vector<16xi32>
      %reduce_sum3A_369 = vector.extract %reduce_sum3A_368[15] : i32 from vector<16xi32>
      %lt3A_370 = vector.broadcast %arg1 : i32 to vector<16xi32>
      %lt3A_371 = arith.cmpi slt, %iota3A, %lt3A_370 : vector<16xi32>
      %jit3A_372 = arith.constant 0 : i32
      %broadcast_in_dim3A_373 = vector.broadcast %jit3A_372 : i32 to vector<16xi32>
      %select_n3A_374 = arith.select %lt3A_371, %gather3A_366, %broadcast_in_dim3A_373 : vector<16xi1>, vector<16xi32>
      %reduce_sum3A_375 = arith.constant true
      %reduce_sum3A_376 = vector.broadcast %reduce_sum3A_375 : i1 to vector<16xi1>
      %reduce_sum3A_377 = tpu.scan <sum>, %select_n3A_374 masked %reduce_sum3A_376 : vector<16xi32>, vector<16xi1> -> vector<16xi32>
      %reduce_sum3A_378 = vector.extract %reduce_sum3A_377[15] : i32 from vector<16xi32>
      %broadcast_in_dim3A_379 = vector.broadcast %scan3A_359 : i32 to vector<16xi32>
      %broadcast_in_dim3A_380 = vector.broadcast %reduce_sum3A_369 : i32 to vector<16xi32>
      tpu.vector_store_idx %arg16[%broadcast_in_dim3A_379], %broadcast_in_dim3A_380 : memref<48xi32, #tpu.memory_space<vmem>>[vector<16xi32>], vector<16xi32>,
      %broadcast_in_dim3A_381 = vector.broadcast %scan3A_360 : i32 to vector<16xi32>
      tpu.vector_store_idx %arg17[%broadcast_in_dim3A_379], %broadcast_in_dim3A_381 : memref<48xi32, #tpu.memory_space<vmem>>[vector<16xi32>], vector<16xi32>,
      %add3A_382 = arith.addi %scan3A_360, %reduce_sum3A_378 : i32
      %broadcast_in_dim3A_383 = vector.broadcast %add3A_382 : i32 to vector<16xi32>
      tpu.vector_store_idx %arg18[%broadcast_in_dim3A_379], %broadcast_in_dim3A_383 : memref<48xi32, #tpu.memory_space<vmem>>[vector<16xi32>], vector<16xi32>,
      %add3A_384 = arith.addi %scan3A_360, %reduce_sum3A_369 : i32
      scf.yield %add3A_384 : i32
    }
    %scan3A_112 = arith.constant 37 : i32
    %scan3A_113 = arith.constant 0 : i32
    %scan3A_114 = arith.constant 0 : i32
    %scan3A_115 = arith.constant 37 : i32
    %scan3A_116 = arith.addi %scan3A_114, %scan3A_115 : i32
    %scan3A_117 = arith.constant 1 : i32
    scf.for %scan3A_359 = %scan3A_114 to %scan3A_116 step %scan3A_117  : i32 {
      %broadcast_in_dim3A_360 = vector.broadcast %scan3A_359 : i32 to vector<16xi32>
      %gather3A_361 = tpu.vector_load_idx %arg18[%broadcast_in_dim3A_360] : memref<48xi32, #tpu.memory_space<vmem>>[vector<16xi32>], vector<16xi32>,
      %mul3A_362 = arith.constant 16 : i32
      %mul3A_363 = vector.broadcast %mul3A_362 : i32 to vector<16xi32>
      %mul3A_364 = arith.muli %broadcast_in_dim3A_360, %mul3A_363 : vector<16xi32>
      %gather3A_365 = tpu.vector_load_idx %arg11[%mul3A_364] : memref<592xi32, #tpu.memory_space<vmem>>[vector<16xi32>], vector<16xi32>,
      %mul3A_366 = arith.constant 16 : i32
      %mul3A_367 = vector.broadcast %mul3A_366 : i32 to vector<16xi32>
      %mul3A_368 = arith.muli %broadcast_in_dim3A_360, %mul3A_367 : vector<16xi32>
      %gather3A_369 = tpu.vector_load_idx %arg12[%mul3A_368] : memref<592xi32, #tpu.memory_space<vmem>>[vector<16xi32>], vector<16xi32>,
      %reduce_max3A_370 = arith.constant true
      %reduce_max3A_371 = vector.broadcast %reduce_max3A_370 : i1 to vector<16xi1>
      %reduce_max3A_372 = arith.constant -2147483648 : i32
      %reduce_max3A_373 = vector.broadcast %reduce_max3A_372 : i32 to vector<16xi32>
      %reduce_max3A_374 = arith.xori %gather3A_369, %reduce_max3A_373 : vector<16xi32>
      %reduce_max3A_375 = tpu.scan <max>, %reduce_max3A_374 masked %reduce_max3A_371 : vector<16xi32>, vector<16xi1> -> vector<16xi32>
      %reduce_max3A_376 = arith.xori %reduce_max3A_375, %reduce_max3A_373 : vector<16xi32>
      %reduce_max3A_377 = vector.extract %reduce_max3A_376[15] : i32 from vector<16xi32>
      %reduce_max3A_378 = arith.constant true
      %reduce_max3A_379 = vector.broadcast %reduce_max3A_378 : i1 to vector<16xi1>
      %reduce_max3A_380 = arith.constant -2147483648 : i32
      %reduce_max3A_381 = vector.broadcast %reduce_max3A_380 : i32 to vector<16xi32>
      %reduce_max3A_382 = arith.xori %gather3A_365, %reduce_max3A_381 : vector<16xi32>
      %reduce_max3A_383 = tpu.scan <max>, %reduce_max3A_382 masked %reduce_max3A_379 : vector<16xi32>, vector<16xi1> -> vector<16xi32>
      %reduce_max3A_384 = arith.xori %reduce_max3A_383, %reduce_max3A_381 : vector<16xi32>
      %reduce_max3A_385 = vector.extract %reduce_max3A_384[15] : i32 from vector<16xi32>
      %add3A_386 = arith.constant 16 : i32
      %add3A_387 = arith.addi %reduce_max3A_385, %add3A_386 : i32
      %sub3A_388 = arith.constant 1 : i32
      %sub3A_389 = arith.subi %add3A_387, %sub3A_388 : i32
      %jit3A_390 = arith.constant 16 : i32
      %div3A_391 = arith.divsi %sub3A_389, %jit3A_390 : i32
      %sign3A_392 = arith.constant 0 : i32
      %sign3A_393 = arith.cmpi sgt, %sub3A_389, %sign3A_392 : i32
      %sign3A_394 = arith.extui %sign3A_393 : i1 to i32
      %sign3A_395 = arith.constant 0 : i32
      %sign3A_396 = arith.cmpi slt, %sub3A_389, %sign3A_395 : i32
      %sign3A_397 = arith.extui %sign3A_396 : i1 to i32
      %sign3A_398 = arith.subi %sign3A_394, %sign3A_397 : i32
      %sign3A_399 = arith.constant 0 : i32
      %sign3A_400 = arith.cmpi sgt, %jit3A_390, %sign3A_399 : i32
      %sign3A_401 = arith.extui %sign3A_400 : i1 to i32
      %sign3A_402 = arith.constant 0 : i32
      %sign3A_403 = arith.cmpi slt, %jit3A_390, %sign3A_402 : i32
      %sign3A_404 = arith.extui %sign3A_403 : i1 to i32
      %sign3A_405 = arith.subi %sign3A_401, %sign3A_404 : i32
      %ne3A_406 = arith.cmpi ne, %sign3A_398, %sign3A_405 : i32
      %rem3A_407 = arith.remsi %sub3A_389, %jit3A_390 : i32
      %ne3A_408 = arith.constant 0 : i32
      %ne3A_409 = arith.cmpi ne, %rem3A_407, %ne3A_408 : i32
      %and3A_410 = arith.andi %ne3A_406, %ne3A_409 : i1
      %sub3A_411 = arith.constant 1 : i32
      %sub3A_412 = arith.subi %div3A_391, %sub3A_411 : i32
      %select_n3A_413 = arith.select %and3A_410, %sub3A_412, %div3A_391 : i32
      %while3A_414 = arith.constant 0 : i32
      %while3A_415 = arith.constant 0 : i32
      %while3A_416 = arith.subi %select_n3A_413, %while3A_415 : i32
      %while3A_417 = arith.addi %while3A_415, %while3A_416 : i32
      %while3A_418 = arith.constant 1 : i32
      %while3A_419 = arith.divsi %while3A_416, %while3A_418 : i32
      %while3A_420 = arith.muli %while3A_419, %while3A_418 : i32
      %while3A_421 = arith.addi %while3A_415, %while3A_420 : i32
      %while3A_422 = arith.constant 1 : i32
      scf.for %while3A_424 = %while3A_415 to %while3A_421 step %while3A_422  : i32 {
        %mul3A_425 = arith.constant 16 : i32
        %mul3A_426 = arith.muli %while3A_424, %mul3A_425 : i32
        %add3A_427 = vector.broadcast %mul3A_426 : i32 to vector<16xi32>
        %add3A_428 = arith.addi %add3A_427, %iota3A : vector<16xi32>
        %add3A_429 = vector.broadcast %reduce_max3A_377 : i32 to vector<16xi32>
        %add3A_430 = arith.addi %add3A_429, %add3A_428 : vector<16xi32>
        %gather3A_431 = tpu.vector_load_idx %arg7[%add3A_430] : memref<1040xi32, #tpu.memory_space<vmem>>[vector<16xi32>], vector<16xi32>,
        %lt3A_432 = arith.cmpi slt, %add3A_428, %gather3A_365 : vector<16xi32>
        %add3A_433 = arith.addi %gather3A_361, %add3A_428 : vector<16xi32>
        %jit3A_434 = arith.constant 16384 : i32
        %broadcast_in_dim3A_435 = vector.broadcast %jit3A_434 : i32 to vector<16xi32>
        %select_n3A_436 = arith.select %lt3A_432, %add3A_433, %broadcast_in_dim3A_435 : vector<16xi1>, vector<16xi32>
        %swap3A_437 = arith.constant 0 : index
        %swap3A_438 = tpu.vector_load %arg19[%swap3A_437] {strides = array<i32>} : memref<16xi32, #tpu.memory_space<vmem>>, vector<16xi32>,
        tpu.vector_store %arg19[%swap3A_437], %select_n3A_436 {strides = array<i32>} : memref<16xi32, #tpu.memory_space<vmem>>, vector<16xi32>,
        %swap3A_439 = arith.constant 0 : index
        %swap3A_440 = tpu.vector_load %arg20[%swap3A_439] {strides = array<i32>} : memref<16xi32, #tpu.memory_space<vmem>>, vector<16xi32>,
        tpu.vector_store %arg20[%swap3A_439], %gather3A_431 {strides = array<i32>} : memref<16xi32, #tpu.memory_space<vmem>>, vector<16xi32>,
        "tpu.region"() ({
          %run_scoped3A = tpu.sem_alloc : memref<!tpu.dma_semaphore, #tpu.memory_space<semaphore_mem>>
          %dma_start3A_441 = arith.constant 0 : i32
          %dma_start3A_442 = tpu.memref_slice %arg27[%dma_start3A_441] : memref<16400xi32, #tpu.memory_space<vmem_shared>> -> memref<16400xi32, #tpu.memory_space<vmem_shared>>
          tpu.enqueue_indirect_dma source(%arg20 : memref<16xi32, #tpu.memory_space<vmem>>) target(%dma_start3A_442 : memref<16400xi32, #tpu.memory_space<vmem_shared>>) offsets(%arg19 : memref<16xi32, #tpu.memory_space<vmem>>) semaphore(%run_scoped3A : memref<!tpu.dma_semaphore, #tpu.memory_space<semaphore_mem>>)
          %dma_wait3A = arith.constant 0 : i32
          %dma_wait3A_443 = tpu.memref_slice %arg27[%dma_wait3A] : memref<16400xi32, #tpu.memory_space<vmem_shared>> -> memref<16400xi32, #tpu.memory_space<vmem_shared>>
          tpu.wait_indirect_dma semaphore(%run_scoped3A : memref<!tpu.dma_semaphore, #tpu.memory_space<semaphore_mem>>) src(%arg20 : memref<16xi32, #tpu.memory_space<vmem>>) dst(%dma_wait3A_443 : memref<16400xi32, #tpu.memory_space<vmem_shared>>)
          tpu.yield
        }) : () -> ()
      }
      %while3A_423 = arith.constant 1 : i32
      scf.for %while3A_424 = %while3A_421 to %while3A_417 step %while3A_423  : i32 {
        %mul3A_425 = arith.constant 16 : i32
        %mul3A_426 = arith.muli %while3A_424, %mul3A_425 : i32
        %add3A_427 = vector.broadcast %mul3A_426 : i32 to vector<16xi32>
        %add3A_428 = arith.addi %add3A_427, %iota3A : vector<16xi32>
        %add3A_429 = vector.broadcast %reduce_max3A_377 : i32 to vector<16xi32>
        %add3A_430 = arith.addi %add3A_429, %add3A_428 : vector<16xi32>
        %gather3A_431 = tpu.vector_load_idx %arg7[%add3A_430] : memref<1040xi32, #tpu.memory_space<vmem>>[vector<16xi32>], vector<16xi32>,
        %lt3A_432 = arith.cmpi slt, %add3A_428, %gather3A_365 : vector<16xi32>
        %add3A_433 = arith.addi %gather3A_361, %add3A_428 : vector<16xi32>
        %jit3A_434 = arith.constant 16384 : i32
        %broadcast_in_dim3A_435 = vector.broadcast %jit3A_434 : i32 to vector<16xi32>
        %select_n3A_436 = arith.select %lt3A_432, %add3A_433, %broadcast_in_dim3A_435 : vector<16xi1>, vector<16xi32>
        %swap3A_437 = arith.constant 0 : index
        %swap3A_438 = tpu.vector_load %arg19[%swap3A_437] {strides = array<i32>} : memref<16xi32, #tpu.memory_space<vmem>>, vector<16xi32>,
        tpu.vector_store %arg19[%swap3A_437], %select_n3A_436 {strides = array<i32>} : memref<16xi32, #tpu.memory_space<vmem>>, vector<16xi32>,
        %swap3A_439 = arith.constant 0 : index
        %swap3A_440 = tpu.vector_load %arg20[%swap3A_439] {strides = array<i32>} : memref<16xi32, #tpu.memory_space<vmem>>, vector<16xi32>,
        tpu.vector_store %arg20[%swap3A_439], %gather3A_431 {strides = array<i32>} : memref<16xi32, #tpu.memory_space<vmem>>, vector<16xi32>,
        "tpu.region"() ({
          %run_scoped3A = tpu.sem_alloc : memref<!tpu.dma_semaphore, #tpu.memory_space<semaphore_mem>>
          %dma_start3A_441 = arith.constant 0 : i32
          %dma_start3A_442 = tpu.memref_slice %arg27[%dma_start3A_441] : memref<16400xi32, #tpu.memory_space<vmem_shared>> -> memref<16400xi32, #tpu.memory_space<vmem_shared>>
          tpu.enqueue_indirect_dma source(%arg20 : memref<16xi32, #tpu.memory_space<vmem>>) target(%dma_start3A_442 : memref<16400xi32, #tpu.memory_space<vmem_shared>>) offsets(%arg19 : memref<16xi32, #tpu.memory_space<vmem>>) semaphore(%run_scoped3A : memref<!tpu.dma_semaphore, #tpu.memory_space<semaphore_mem>>)
          %dma_wait3A = arith.constant 0 : i32
          %dma_wait3A_443 = tpu.memref_slice %arg27[%dma_wait3A] : memref<16400xi32, #tpu.memory_space<vmem_shared>> -> memref<16400xi32, #tpu.memory_space<vmem_shared>>
          tpu.wait_indirect_dma semaphore(%run_scoped3A : memref<!tpu.dma_semaphore, #tpu.memory_space<semaphore_mem>>) src(%arg20 : memref<16xi32, #tpu.memory_space<vmem>>) dst(%dma_wait3A_443 : memref<16400xi32, #tpu.memory_space<vmem_shared>>)
          tpu.yield
        }) : () -> ()
      }
    }
    %scan3A_118 = arith.constant 37 : i32
    %barrier3A_119 = arith.constant 0 : index
    tpu.barrier barrier_id(%barrier3A_119)
    "tpu.region"() ({
      %run_scoped3A = tpu.sem_alloc : memref<!tpu.dma_semaphore, #tpu.memory_space<semaphore_mem>>
      tpu.enqueue_dma source(%arg27 : memref<16400xi32, #tpu.memory_space<vmem_shared>>) target(%arg14 : memref<16400xi32, #tpu.memory_space<vmem>>) target_semaphore(%run_scoped3A : memref<!tpu.dma_semaphore, #tpu.memory_space<semaphore_mem>>)
      tpu.wait_dma2 semaphore(%run_scoped3A : memref<!tpu.dma_semaphore, #tpu.memory_space<semaphore_mem>>) src(%arg27 : memref<16400xi32, #tpu.memory_space<vmem_shared>>) dst(%arg14 : memref<16400xi32, #tpu.memory_space<vmem>>)
      tpu.yield
    }) : () -> ()
    %mul3A_120 = arith.constant 32 : i32
    %mul3A_121 = arith.muli %arg0, %mul3A_120 : i32
    %mul3A_122 = arith.constant 2 : i32
    %mul3A_123 = arith.muli %arg1, %mul3A_122 : i32
    %add3A_124 = arith.addi %mul3A_121, %mul3A_123 : i32
    %add3A_125 = arith.constant 0 : i32
    %add3A_126 = arith.addi %add3A_124, %add3A_125 : i32
    %jit3A_127 = arith.constant 8 : i32
    %div3A_128 = arith.divsi %add3A_126, %jit3A_127 : i32
    %sign3A_129 = arith.constant 0 : i32
    %sign3A_130 = arith.cmpi sgt, %add3A_126, %sign3A_129 : i32
    %sign3A_131 = arith.extui %sign3A_130 : i1 to i32
    %sign3A_132 = arith.constant 0 : i32
    %sign3A_133 = arith.cmpi slt, %add3A_126, %sign3A_132 : i32
    %sign3A_134 = arith.extui %sign3A_133 : i1 to i32
    %sign3A_135 = arith.subi %sign3A_131, %sign3A_134 : i32
    %sign3A_136 = arith.constant 0 : i32
    %sign3A_137 = arith.cmpi sgt, %jit3A_127, %sign3A_136 : i32
    %sign3A_138 = arith.extui %sign3A_137 : i1 to i32
    %sign3A_139 = arith.constant 0 : i32
    %sign3A_140 = arith.cmpi slt, %jit3A_127, %sign3A_139 : i32
    %sign3A_141 = arith.extui %sign3A_140 : i1 to i32
    %sign3A_142 = arith.subi %sign3A_138, %sign3A_141 : i32
    %ne3A_143 = arith.cmpi ne, %sign3A_135, %sign3A_142 : i32
    %rem3A_144 = arith.remsi %add3A_126, %jit3A_127 : i32
    %ne3A_145 = arith.constant 0 : i32
    %ne3A_146 = arith.cmpi ne, %rem3A_144, %ne3A_145 : i32
    %and3A_147 = arith.andi %ne3A_143, %ne3A_146 : i1
    %sub3A_148 = arith.constant 1 : i32
    %sub3A_149 = arith.subi %div3A_128, %sub3A_148 : i32
    %select_n3A_150 = arith.select %and3A_147, %sub3A_149, %div3A_128 : i32
    %jit3A_151 = arith.constant 8 : i32
    %eq3A_152 = arith.constant 0 : i32
    %eq3A_153 = arith.cmpi eq, %jit3A_151, %eq3A_152 : i32
    %jit3A_154 = arith.constant 1 : i32
    %select_n3A_155 = arith.select %eq3A_153, %jit3A_154, %jit3A_151 : i32
    %rem3A_156 = arith.remsi %add3A_126, %select_n3A_155 : i32
    %ne3A_157 = arith.constant 0 : i32
    %ne3A_158 = arith.cmpi ne, %rem3A_156, %ne3A_157 : i32
    %lt3A_159 = arith.constant 0 : i32
    %lt3A_160 = arith.cmpi slt, %rem3A_156, %lt3A_159 : i32
    %lt3A_161 = arith.constant 0 : i32
    %lt3A_162 = arith.cmpi slt, %select_n3A_155, %lt3A_161 : i32
    %ne3A_163 = arith.xori %lt3A_160, %lt3A_162 : i1
    %and3A_164 = arith.andi %ne3A_163, %ne3A_158 : i1
    %add3A_165 = arith.addi %rem3A_156, %select_n3A_155 : i32
    %select_n3A_166 = arith.select %and3A_164, %add3A_165, %rem3A_156 : i32
    %scan3A_167 = arith.constant 0 : i32
    %scan3A_168 = arith.constant 0 : i32
    %scan3A_169 = arith.constant 12 : i32
    %scan3A_170 = arith.addi %scan3A_168, %scan3A_169 : i32
    %scan3A_171 = arith.constant 1 : i32
    scf.for %scan3A_359 = %scan3A_168 to %scan3A_170 step %scan3A_171  : i32 {
      %mul3A_360 = arith.constant 3 : i32
      %mul3A_361 = arith.muli %scan3A_359, %mul3A_360 : i32
      %add3A_362 = arith.constant 0 : i32
      %add3A_363 = arith.addi %mul3A_361, %add3A_362 : i32
      %add3A_364 = arith.constant 2 : i32
      %add3A_365 = arith.addi %add3A_363, %add3A_364 : i32
      %lt3A_366 = arith.constant 36 : i32
      %lt3A_367 = arith.cmpi slt, %add3A_365, %lt3A_366 : i32
      %convert_element_type3A = arith.extui %lt3A_367 : i1 to i32
      %cond3A = arith.constant 0 : i32
      %cond3A_368 = arith.cmpi ne, %convert_element_type3A, %cond3A : i32
      scf.if %cond3A_368 {
        %add3A_591 = arith.constant 2 : i32
        %add3A_592 = arith.addi %add3A_363, %add3A_591 : i32
        %mul3A_593 = arith.constant 27776 : i32
        %mul3A_594 = arith.muli %add3A_592, %mul3A_593 : i32
        %dma_start3A_595 = arith.constant 0 : i32
        %dma_start3A_596 = tpu.memref_slice %arg3[%select_n3A_150, %select_n3A_166, %dma_start3A_595] : memref<8x8x1000000xf32, #tpu.memory_space<hbm>> -> memref<1x1x1000000xf32, #tpu.memory_space<hbm>>
        %dma_start3A_597 = tpu.memref_squeeze %dma_start3A_596 : memref<1x1x1000000xf32, #tpu.memory_space<hbm>> -> memref<1000000xf32, #tpu.memory_space<hbm>>
        %dma_start3A_598 = tpu.memref_slice %dma_start3A_597[%mul3A_594] : memref<1000000xf32, #tpu.memory_space<hbm>> -> memref<27776xf32, #tpu.memory_space<hbm>>
        %dma_start3A_599 = arith.constant 0 : i32
        %dma_start3A_600 = tpu.memref_slice %arg3[%select_n3A_150, %select_n3A_166, %dma_start3A_599] : memref<8x8x1000000xf32, #tpu.memory_space<hbm>> -> memref<1x1x1000000xf32, #tpu.memory_space<hbm>>
        %dma_start3A_601 = tpu.memref_squeeze %dma_start3A_600 : memref<1x1x1000000xf32, #tpu.memory_space<hbm>> -> memref<1000000xf32, #tpu.memory_space<hbm>>
        %dma_start3A_602 = tpu.memref_slice %dma_start3A_601[%mul3A_594] : memref<1000000xf32, #tpu.memory_space<hbm>> -> memref<27776xf32, #tpu.memory_space<hbm>>
        tpu.enqueue_dma source(%dma_start3A_602 : memref<27776xf32, #tpu.memory_space<hbm>>) target(%arg23 : memref<27776xf32, #tpu.memory_space<vmem>>) target_semaphore(%arg31 : memref<!tpu.dma_semaphore, #tpu.memory_space<semaphore_mem>>)
      } else {
      }
      %mul3A_369 = arith.constant 27776 : i32
      %mul3A_370 = arith.muli %add3A_363, %mul3A_369 : i32
      %dma_wait3A = arith.constant 0 : i32
      %dma_wait3A_371 = tpu.memref_slice %arg3[%select_n3A_150, %select_n3A_166, %dma_wait3A] : memref<8x8x1000000xf32, #tpu.memory_space<hbm>> -> memref<1x1x1000000xf32, #tpu.memory_space<hbm>>
      %dma_wait3A_372 = tpu.memref_squeeze %dma_wait3A_371 : memref<1x1x1000000xf32, #tpu.memory_space<hbm>> -> memref<1000000xf32, #tpu.memory_space<hbm>>
      %dma_wait3A_373 = tpu.memref_slice %dma_wait3A_372[%mul3A_370] : memref<1000000xf32, #tpu.memory_space<hbm>> -> memref<27776xf32, #tpu.memory_space<hbm>>
      %dma_wait3A_374 = arith.constant 0 : i32
      %dma_wait3A_375 = tpu.memref_slice %arg3[%select_n3A_150, %select_n3A_166, %dma_wait3A_374] : memref<8x8x1000000xf32, #tpu.memory_space<hbm>> -> memref<1x1x1000000xf32, #tpu.memory_space<hbm>>
      %dma_wait3A_376 = tpu.memref_squeeze %dma_wait3A_375 : memref<1x1x1000000xf32, #tpu.memory_space<hbm>> -> memref<1000000xf32, #tpu.memory_space<hbm>>
      %dma_wait3A_377 = tpu.memref_slice %dma_wait3A_376[%mul3A_370] : memref<1000000xf32, #tpu.memory_space<hbm>> -> memref<27776xf32, #tpu.memory_space<hbm>>
      tpu.wait_dma2 semaphore(%arg29 : memref<!tpu.dma_semaphore, #tpu.memory_space<semaphore_mem>>) src(%dma_wait3A_377 : memref<27776xf32, #tpu.memory_space<hbm>>) dst(%arg21 : memref<27776xf32, #tpu.memory_space<vmem>>)
      %broadcast_in_dim3A_378 = vector.broadcast %add3A_363 : i32 to vector<16xi32>
      %gather3A_379 = tpu.vector_load_idx %arg16[%broadcast_in_dim3A_378] : memref<48xi32, #tpu.memory_space<vmem>>[vector<16xi32>], vector<16xi32>,
      %gather3A_380 = tpu.vector_load_idx %arg17[%broadcast_in_dim3A_378] : memref<48xi32, #tpu.memory_space<vmem>>[vector<16xi32>], vector<16xi32>,
      %reduce_max3A_381 = arith.constant true
      %reduce_max3A_382 = vector.broadcast %reduce_max3A_381 : i1 to vector<16xi1>
      %reduce_max3A_383 = arith.constant -2147483648 : i32
      %reduce_max3A_384 = vector.broadcast %reduce_max3A_383 : i32 to vector<16xi32>
      %reduce_max3A_385 = arith.xori %gather3A_379, %reduce_max3A_384 : vector<16xi32>
      %reduce_max3A_386 = tpu.scan <max>, %reduce_max3A_385 masked %reduce_max3A_382 : vector<16xi32>, vector<16xi1> -> vector<16xi32>
      %reduce_max3A_387 = arith.xori %reduce_max3A_386, %reduce_max3A_384 : vector<16xi32>
      %reduce_max3A_388 = vector.extract %reduce_max3A_387[15] : i32 from vector<16xi32>
      %reduce_max3A_389 = arith.constant true
      %reduce_max3A_390 = vector.broadcast %reduce_max3A_389 : i1 to vector<16xi1>
      %reduce_max3A_391 = arith.constant -2147483648 : i32
      %reduce_max3A_392 = vector.broadcast %reduce_max3A_391 : i32 to vector<16xi32>
      %reduce_max3A_393 = arith.xori %gather3A_380, %reduce_max3A_392 : vector<16xi32>
      %reduce_max3A_394 = tpu.scan <max>, %reduce_max3A_393 masked %reduce_max3A_390 : vector<16xi32>, vector<16xi1> -> vector<16xi32>
      %reduce_max3A_395 = arith.xori %reduce_max3A_394, %reduce_max3A_392 : vector<16xi32>
      %reduce_max3A_396 = vector.extract %reduce_max3A_395[15] : i32 from vector<16xi32>
      %add3A_397 = arith.constant 16 : i32
      %add3A_398 = arith.addi %reduce_max3A_388, %add3A_397 : i32
      %sub3A_399 = arith.constant 1 : i32
      %sub3A_400 = arith.subi %add3A_398, %sub3A_399 : i32
      %jit3A_401 = arith.constant 16 : i32
      %div3A_402 = arith.divsi %sub3A_400, %jit3A_401 : i32
      %sign3A_403 = arith.constant 0 : i32
      %sign3A_404 = arith.cmpi sgt, %sub3A_400, %sign3A_403 : i32
      %sign3A_405 = arith.extui %sign3A_404 : i1 to i32
      %sign3A_406 = arith.constant 0 : i32
      %sign3A_407 = arith.cmpi slt, %sub3A_400, %sign3A_406 : i32
      %sign3A_408 = arith.extui %sign3A_407 : i1 to i32
      %sign3A_409 = arith.subi %sign3A_405, %sign3A_408 : i32
      %sign3A_410 = arith.constant 0 : i32
      %sign3A_411 = arith.cmpi sgt, %jit3A_401, %sign3A_410 : i32
      %sign3A_412 = arith.extui %sign3A_411 : i1 to i32
      %sign3A_413 = arith.constant 0 : i32
      %sign3A_414 = arith.cmpi slt, %jit3A_401, %sign3A_413 : i32
      %sign3A_415 = arith.extui %sign3A_414 : i1 to i32
      %sign3A_416 = arith.subi %sign3A_412, %sign3A_415 : i32
      %ne3A_417 = arith.cmpi ne, %sign3A_409, %sign3A_416 : i32
      %rem3A_418 = arith.remsi %sub3A_400, %jit3A_401 : i32
      %ne3A_419 = arith.constant 0 : i32
      %ne3A_420 = arith.cmpi ne, %rem3A_418, %ne3A_419 : i32
      %and3A_421 = arith.andi %ne3A_417, %ne3A_420 : i1
      %sub3A_422 = arith.constant 1 : i32
      %sub3A_423 = arith.subi %div3A_402, %sub3A_422 : i32
      %select_n3A_424 = arith.select %and3A_421, %sub3A_423, %div3A_402 : i32
      %while3A_425 = arith.constant 0 : i32
      %while3A_426 = arith.constant 0 : i32
      %while3A_427 = arith.subi %select_n3A_424, %while3A_426 : i32
      %while3A_428 = arith.addi %while3A_426, %while3A_427 : i32
      %while3A_429 = arith.constant 1 : i32
      %while3A_430 = arith.divsi %while3A_427, %while3A_429 : i32
      %while3A_431 = arith.muli %while3A_430, %while3A_429 : i32
      %while3A_432 = arith.addi %while3A_426, %while3A_431 : i32
      %while3A_433 = arith.constant 1 : i32
      scf.for %while3A_591 = %while3A_426 to %while3A_432 step %while3A_433  : i32 {
        %mul3A_592 = arith.constant 16 : i32
        %mul3A_593 = arith.muli %while3A_591, %mul3A_592 : i32
        %add3A_594 = vector.broadcast %mul3A_593 : i32 to vector<16xi32>
        %add3A_595 = arith.addi %add3A_594, %iota3A : vector<16xi32>
        %add3A_596 = vector.broadcast %reduce_max3A_396 : i32 to vector<16xi32>
        %add3A_597 = arith.addi %add3A_596, %add3A_595 : vector<16xi32>
        %gather3A_598 = tpu.vector_load_idx %arg14[%add3A_597] : memref<16400xi32, #tpu.memory_space<vmem>>[vector<16xi32>], vector<16xi32>,
        %lt3A_599 = arith.cmpi slt, %add3A_595, %gather3A_379 : vector<16xi32>
        %shift_right_logical3A = arith.constant 16 : i32
        %shift_right_logical3A_600 = vector.broadcast %shift_right_logical3A : i32 to vector<16xi32>
        %shift_right_logical3A_601 = arith.shrui %gather3A_598, %shift_right_logical3A_600 : vector<16xi32>
        %and3A_602 = arith.constant 65535 : i32
        %and3A_603 = vector.broadcast %and3A_602 : i32 to vector<16xi32>
        %and3A_604 = arith.andi %gather3A_598, %and3A_603 : vector<16xi32>
        %gather3A_605 = tpu.vector_load_idx %arg21[%shift_right_logical3A_601] masked %lt3A_599 : memref<27776xf32, #tpu.memory_space<vmem>>[vector<16xi32>], vector<16xf32>, vector<16xi1>
        tpu.vector_store_idx %arg24[%and3A_604], %gather3A_605 masked %lt3A_599 : memref<16384xf32, #tpu.memory_space<vmem>>[vector<16xi32>], vector<16xf32>, vector<16xi1>
      }
      %while3A_434 = arith.constant 1 : i32
      scf.for %while3A_591 = %while3A_432 to %while3A_428 step %while3A_434  : i32 {
        %mul3A_592 = arith.constant 16 : i32
        %mul3A_593 = arith.muli %while3A_591, %mul3A_592 : i32
        %add3A_594 = vector.broadcast %mul3A_593 : i32 to vector<16xi32>
        %add3A_595 = arith.addi %add3A_594, %iota3A : vector<16xi32>
        %add3A_596 = vector.broadcast %reduce_max3A_396 : i32 to vector<16xi32>
        %add3A_597 = arith.addi %add3A_596, %add3A_595 : vector<16xi32>
        %gather3A_598 = tpu.vector_load_idx %arg14[%add3A_597] : memref<16400xi32, #tpu.memory_space<vmem>>[vector<16xi32>], vector<16xi32>,
        %lt3A_599 = arith.cmpi slt, %add3A_595, %gather3A_379 : vector<16xi32>
        %shift_right_logical3A = arith.constant 16 : i32
        %shift_right_logical3A_600 = vector.broadcast %shift_right_logical3A : i32 to vector<16xi32>
        %shift_right_logical3A_601 = arith.shrui %gather3A_598, %shift_right_logical3A_600 : vector<16xi32>
        %and3A_602 = arith.constant 65535 : i32
        %and3A_603 = vector.broadcast %and3A_602 : i32 to vector<16xi32>
        %and3A_604 = arith.andi %gather3A_598, %and3A_603 : vector<16xi32>
        %gather3A_605 = tpu.vector_load_idx %arg21[%shift_right_logical3A_601] masked %lt3A_599 : memref<27776xf32, #tpu.memory_space<vmem>>[vector<16xi32>], vector<16xf32>, vector<16xi1>
        tpu.vector_store_idx %arg24[%and3A_604], %gather3A_605 masked %lt3A_599 : memref<16384xf32, #tpu.memory_space<vmem>>[vector<16xi32>], vector<16xf32>, vector<16xi1>
      }
      %mul3A_435 = arith.constant 3 : i32
      %mul3A_436 = arith.muli %scan3A_359, %mul3A_435 : i32
      %add3A_437 = arith.constant 1 : i32
      %add3A_438 = arith.addi %mul3A_436, %add3A_437 : i32
      %add3A_439 = arith.constant 2 : i32
      %add3A_440 = arith.addi %add3A_438, %add3A_439 : i32
      %lt3A_441 = arith.constant 36 : i32
      %lt3A_442 = arith.cmpi slt, %add3A_440, %lt3A_441 : i32
      %convert_element_type3A_443 = arith.extui %lt3A_442 : i1 to i32
      %cond3A_444 = arith.constant 0 : i32
      %cond3A_445 = arith.cmpi ne, %convert_element_type3A_443, %cond3A_444 : i32
      scf.if %cond3A_445 {
        %add3A_591 = arith.constant 2 : i32
        %add3A_592 = arith.addi %add3A_438, %add3A_591 : i32
        %mul3A_593 = arith.constant 27776 : i32
        %mul3A_594 = arith.muli %add3A_592, %mul3A_593 : i32
        %dma_start3A_595 = arith.constant 0 : i32
        %dma_start3A_596 = tpu.memref_slice %arg3[%select_n3A_150, %select_n3A_166, %dma_start3A_595] : memref<8x8x1000000xf32, #tpu.memory_space<hbm>> -> memref<1x1x1000000xf32, #tpu.memory_space<hbm>>
        %dma_start3A_597 = tpu.memref_squeeze %dma_start3A_596 : memref<1x1x1000000xf32, #tpu.memory_space<hbm>> -> memref<1000000xf32, #tpu.memory_space<hbm>>
        %dma_start3A_598 = tpu.memref_slice %dma_start3A_597[%mul3A_594] : memref<1000000xf32, #tpu.memory_space<hbm>> -> memref<27776xf32, #tpu.memory_space<hbm>>
        %dma_start3A_599 = arith.constant 0 : i32
        %dma_start3A_600 = tpu.memref_slice %arg3[%select_n3A_150, %select_n3A_166, %dma_start3A_599] : memref<8x8x1000000xf32, #tpu.memory_space<hbm>> -> memref<1x1x1000000xf32, #tpu.memory_space<hbm>>
        %dma_start3A_601 = tpu.memref_squeeze %dma_start3A_600 : memref<1x1x1000000xf32, #tpu.memory_space<hbm>> -> memref<1000000xf32, #tpu.memory_space<hbm>>
        %dma_start3A_602 = tpu.memref_slice %dma_start3A_601[%mul3A_594] : memref<1000000xf32, #tpu.memory_space<hbm>> -> memref<27776xf32, #tpu.memory_space<hbm>>
        tpu.enqueue_dma source(%dma_start3A_602 : memref<27776xf32, #tpu.memory_space<hbm>>) target(%arg21 : memref<27776xf32, #tpu.memory_space<vmem>>) target_semaphore(%arg29 : memref<!tpu.dma_semaphore, #tpu.memory_space<semaphore_mem>>)
      } else {
      }
      %mul3A_446 = arith.constant 27776 : i32
      %mul3A_447 = arith.muli %add3A_438, %mul3A_446 : i32
      %dma_wait3A_448 = arith.constant 0 : i32
      %dma_wait3A_449 = tpu.memref_slice %arg3[%select_n3A_150, %select_n3A_166, %dma_wait3A_448] : memref<8x8x1000000xf32, #tpu.memory_space<hbm>> -> memref<1x1x1000000xf32, #tpu.memory_space<hbm>>
      %dma_wait3A_450 = tpu.memref_squeeze %dma_wait3A_449 : memref<1x1x1000000xf32, #tpu.memory_space<hbm>> -> memref<1000000xf32, #tpu.memory_space<hbm>>
      %dma_wait3A_451 = tpu.memref_slice %dma_wait3A_450[%mul3A_447] : memref<1000000xf32, #tpu.memory_space<hbm>> -> memref<27776xf32, #tpu.memory_space<hbm>>
      %dma_wait3A_452 = arith.constant 0 : i32
      %dma_wait3A_453 = tpu.memref_slice %arg3[%select_n3A_150, %select_n3A_166, %dma_wait3A_452] : memref<8x8x1000000xf32, #tpu.memory_space<hbm>> -> memref<1x1x1000000xf32, #tpu.memory_space<hbm>>
      %dma_wait3A_454 = tpu.memref_squeeze %dma_wait3A_453 : memref<1x1x1000000xf32, #tpu.memory_space<hbm>> -> memref<1000000xf32, #tpu.memory_space<hbm>>
      %dma_wait3A_455 = tpu.memref_slice %dma_wait3A_454[%mul3A_447] : memref<1000000xf32, #tpu.memory_space<hbm>> -> memref<27776xf32, #tpu.memory_space<hbm>>
      tpu.wait_dma2 semaphore(%arg30 : memref<!tpu.dma_semaphore, #tpu.memory_space<semaphore_mem>>) src(%dma_wait3A_455 : memref<27776xf32, #tpu.memory_space<hbm>>) dst(%arg22 : memref<27776xf32, #tpu.memory_space<vmem>>)
      %broadcast_in_dim3A_456 = vector.broadcast %add3A_438 : i32 to vector<16xi32>
      %gather3A_457 = tpu.vector_load_idx %arg16[%broadcast_in_dim3A_456] : memref<48xi32, #tpu.memory_space<vmem>>[vector<16xi32>], vector<16xi32>,
      %gather3A_458 = tpu.vector_load_idx %arg17[%broadcast_in_dim3A_456] : memref<48xi32, #tpu.memory_space<vmem>>[vector<16xi32>], vector<16xi32>,
      %reduce_max3A_459 = arith.constant true
      %reduce_max3A_460 = vector.broadcast %reduce_max3A_459 : i1 to vector<16xi1>
      %reduce_max3A_461 = arith.constant -2147483648 : i32
      %reduce_max3A_462 = vector.broadcast %reduce_max3A_461 : i32 to vector<16xi32>
      %reduce_max3A_463 = arith.xori %gather3A_457, %reduce_max3A_462 : vector<16xi32>
      %reduce_max3A_464 = tpu.scan <max>, %reduce_max3A_463 masked %reduce_max3A_460 : vector<16xi32>, vector<16xi1> -> vector<16xi32>
      %reduce_max3A_465 = arith.xori %reduce_max3A_464, %reduce_max3A_462 : vector<16xi32>
      %reduce_max3A_466 = vector.extract %reduce_max3A_465[15] : i32 from vector<16xi32>
      %reduce_max3A_467 = arith.constant true
      %reduce_max3A_468 = vector.broadcast %reduce_max3A_467 : i1 to vector<16xi1>
      %reduce_max3A_469 = arith.constant -2147483648 : i32
      %reduce_max3A_470 = vector.broadcast %reduce_max3A_469 : i32 to vector<16xi32>
      %reduce_max3A_471 = arith.xori %gather3A_458, %reduce_max3A_470 : vector<16xi32>
      %reduce_max3A_472 = tpu.scan <max>, %reduce_max3A_471 masked %reduce_max3A_468 : vector<16xi32>, vector<16xi1> -> vector<16xi32>
      %reduce_max3A_473 = arith.xori %reduce_max3A_472, %reduce_max3A_470 : vector<16xi32>
      %reduce_max3A_474 = vector.extract %reduce_max3A_473[15] : i32 from vector<16xi32>
      %add3A_475 = arith.constant 16 : i32
      %add3A_476 = arith.addi %reduce_max3A_466, %add3A_475 : i32
      %sub3A_477 = arith.constant 1 : i32
      %sub3A_478 = arith.subi %add3A_476, %sub3A_477 : i32
      %jit3A_479 = arith.constant 16 : i32
      %div3A_480 = arith.divsi %sub3A_478, %jit3A_479 : i32
      %sign3A_481 = arith.constant 0 : i32
      %sign3A_482 = arith.cmpi sgt, %sub3A_478, %sign3A_481 : i32
      %sign3A_483 = arith.extui %sign3A_482 : i1 to i32
      %sign3A_484 = arith.constant 0 : i32
      %sign3A_485 = arith.cmpi slt, %sub3A_478, %sign3A_484 : i32
      %sign3A_486 = arith.extui %sign3A_485 : i1 to i32
      %sign3A_487 = arith.subi %sign3A_483, %sign3A_486 : i32
      %sign3A_488 = arith.constant 0 : i32
      %sign3A_489 = arith.cmpi sgt, %jit3A_479, %sign3A_488 : i32
      %sign3A_490 = arith.extui %sign3A_489 : i1 to i32
      %sign3A_491 = arith.constant 0 : i32
      %sign3A_492 = arith.cmpi slt, %jit3A_479, %sign3A_491 : i32
      %sign3A_493 = arith.extui %sign3A_492 : i1 to i32
      %sign3A_494 = arith.subi %sign3A_490, %sign3A_493 : i32
      %ne3A_495 = arith.cmpi ne, %sign3A_487, %sign3A_494 : i32
      %rem3A_496 = arith.remsi %sub3A_478, %jit3A_479 : i32
      %ne3A_497 = arith.constant 0 : i32
      %ne3A_498 = arith.cmpi ne, %rem3A_496, %ne3A_497 : i32
      %and3A_499 = arith.andi %ne3A_495, %ne3A_498 : i1
      %sub3A_500 = arith.constant 1 : i32
      %sub3A_501 = arith.subi %div3A_480, %sub3A_500 : i32
      %select_n3A_502 = arith.select %and3A_499, %sub3A_501, %div3A_480 : i32
      %while3A_503 = arith.constant 0 : i32
      %while3A_504 = arith.constant 0 : i32
      %while3A_505 = arith.subi %select_n3A_502, %while3A_504 : i32
      %while3A_506 = arith.addi %while3A_504, %while3A_505 : i32
      %while3A_507 = arith.constant 1 : i32
      %while3A_508 = arith.divsi %while3A_505, %while3A_507 : i32
      %while3A_509 = arith.muli %while3A_508, %while3A_507 : i32
      %while3A_510 = arith.addi %while3A_504, %while3A_509 : i32
      %while3A_511 = arith.constant 1 : i32
      scf.for %while3A_591 = %while3A_504 to %while3A_510 step %while3A_511  : i32 {
        %mul3A_592 = arith.constant 16 : i32
        %mul3A_593 = arith.muli %while3A_591, %mul3A_592 : i32
        %add3A_594 = vector.broadcast %mul3A_593 : i32 to vector<16xi32>
        %add3A_595 = arith.addi %add3A_594, %iota3A : vector<16xi32>
        %add3A_596 = vector.broadcast %reduce_max3A_474 : i32 to vector<16xi32>
        %add3A_597 = arith.addi %add3A_596, %add3A_595 : vector<16xi32>
        %gather3A_598 = tpu.vector_load_idx %arg14[%add3A_597] : memref<16400xi32, #tpu.memory_space<vmem>>[vector<16xi32>], vector<16xi32>,
        %lt3A_599 = arith.cmpi slt, %add3A_595, %gather3A_457 : vector<16xi32>
        %shift_right_logical3A = arith.constant 16 : i32
        %shift_right_logical3A_600 = vector.broadcast %shift_right_logical3A : i32 to vector<16xi32>
        %shift_right_logical3A_601 = arith.shrui %gather3A_598, %shift_right_logical3A_600 : vector<16xi32>
        %and3A_602 = arith.constant 65535 : i32
        %and3A_603 = vector.broadcast %and3A_602 : i32 to vector<16xi32>
        %and3A_604 = arith.andi %gather3A_598, %and3A_603 : vector<16xi32>
        %gather3A_605 = tpu.vector_load_idx %arg22[%shift_right_logical3A_601] masked %lt3A_599 : memref<27776xf32, #tpu.memory_space<vmem>>[vector<16xi32>], vector<16xf32>, vector<16xi1>
        tpu.vector_store_idx %arg24[%and3A_604], %gather3A_605 masked %lt3A_599 : memref<16384xf32, #tpu.memory_space<vmem>>[vector<16xi32>], vector<16xf32>, vector<16xi1>
      }
      %while3A_512 = arith.constant 1 : i32
      scf.for %while3A_591 = %while3A_510 to %while3A_506 step %while3A_512  : i32 {
        %mul3A_592 = arith.constant 16 : i32
        %mul3A_593 = arith.muli %while3A_591, %mul3A_592 : i32
        %add3A_594 = vector.broadcast %mul3A_593 : i32 to vector<16xi32>
        %add3A_595 = arith.addi %add3A_594, %iota3A : vector<16xi32>
        %add3A_596 = vector.broadcast %reduce_max3A_474 : i32 to vector<16xi32>
        %add3A_597 = arith.addi %add3A_596, %add3A_595 : vector<16xi32>
        %gather3A_598 = tpu.vector_load_idx %arg14[%add3A_597] : memref<16400xi32, #tpu.memory_space<vmem>>[vector<16xi32>], vector<16xi32>,
        %lt3A_599 = arith.cmpi slt, %add3A_595, %gather3A_457 : vector<16xi32>
        %shift_right_logical3A = arith.constant 16 : i32
        %shift_right_logical3A_600 = vector.broadcast %shift_right_logical3A : i32 to vector<16xi32>
        %shift_right_logical3A_601 = arith.shrui %gather3A_598, %shift_right_logical3A_600 : vector<16xi32>
        %and3A_602 = arith.constant 65535 : i32
        %and3A_603 = vector.broadcast %and3A_602 : i32 to vector<16xi32>
        %and3A_604 = arith.andi %gather3A_598, %and3A_603 : vector<16xi32>
        %gather3A_605 = tpu.vector_load_idx %arg22[%shift_right_logical3A_601] masked %lt3A_599 : memref<27776xf32, #tpu.memory_space<vmem>>[vector<16xi32>], vector<16xf32>, vector<16xi1>
        tpu.vector_store_idx %arg24[%and3A_604], %gather3A_605 masked %lt3A_599 : memref<16384xf32, #tpu.memory_space<vmem>>[vector<16xi32>], vector<16xf32>, vector<16xi1>
      }
      %mul3A_513 = arith.constant 3 : i32
      %mul3A_514 = arith.muli %scan3A_359, %mul3A_513 : i32
      %add3A_515 = arith.constant 2 : i32
      %add3A_516 = arith.addi %mul3A_514, %add3A_515 : i32
      %add3A_517 = arith.constant 2 : i32
      %add3A_518 = arith.addi %add3A_516, %add3A_517 : i32
      %lt3A_519 = arith.constant 36 : i32
      %lt3A_520 = arith.cmpi slt, %add3A_518, %lt3A_519 : i32
      %convert_element_type3A_521 = arith.extui %lt3A_520 : i1 to i32
      %cond3A_522 = arith.constant 0 : i32
      %cond3A_523 = arith.cmpi ne, %convert_element_type3A_521, %cond3A_522 : i32
      scf.if %cond3A_523 {
        %add3A_591 = arith.constant 2 : i32
        %add3A_592 = arith.addi %add3A_516, %add3A_591 : i32
        %mul3A_593 = arith.constant 27776 : i32
        %mul3A_594 = arith.muli %add3A_592, %mul3A_593 : i32
        %dma_start3A_595 = arith.constant 0 : i32
        %dma_start3A_596 = tpu.memref_slice %arg3[%select_n3A_150, %select_n3A_166, %dma_start3A_595] : memref<8x8x1000000xf32, #tpu.memory_space<hbm>> -> memref<1x1x1000000xf32, #tpu.memory_space<hbm>>
        %dma_start3A_597 = tpu.memref_squeeze %dma_start3A_596 : memref<1x1x1000000xf32, #tpu.memory_space<hbm>> -> memref<1000000xf32, #tpu.memory_space<hbm>>
        %dma_start3A_598 = tpu.memref_slice %dma_start3A_597[%mul3A_594] : memref<1000000xf32, #tpu.memory_space<hbm>> -> memref<27776xf32, #tpu.memory_space<hbm>>
        %dma_start3A_599 = arith.constant 0 : i32
        %dma_start3A_600 = tpu.memref_slice %arg3[%select_n3A_150, %select_n3A_166, %dma_start3A_599] : memref<8x8x1000000xf32, #tpu.memory_space<hbm>> -> memref<1x1x1000000xf32, #tpu.memory_space<hbm>>
        %dma_start3A_601 = tpu.memref_squeeze %dma_start3A_600 : memref<1x1x1000000xf32, #tpu.memory_space<hbm>> -> memref<1000000xf32, #tpu.memory_space<hbm>>
        %dma_start3A_602 = tpu.memref_slice %dma_start3A_601[%mul3A_594] : memref<1000000xf32, #tpu.memory_space<hbm>> -> memref<27776xf32, #tpu.memory_space<hbm>>
        tpu.enqueue_dma source(%dma_start3A_602 : memref<27776xf32, #tpu.memory_space<hbm>>) target(%arg22 : memref<27776xf32, #tpu.memory_space<vmem>>) target_semaphore(%arg30 : memref<!tpu.dma_semaphore, #tpu.memory_space<semaphore_mem>>)
      } else {
      }
      %mul3A_524 = arith.constant 27776 : i32
      %mul3A_525 = arith.muli %add3A_516, %mul3A_524 : i32
      %dma_wait3A_526 = arith.constant 0 : i32
      %dma_wait3A_527 = tpu.memref_slice %arg3[%select_n3A_150, %select_n3A_166, %dma_wait3A_526] : memref<8x8x1000000xf32, #tpu.memory_space<hbm>> -> memref<1x1x1000000xf32, #tpu.memory_space<hbm>>
      %dma_wait3A_528 = tpu.memref_squeeze %dma_wait3A_527 : memref<1x1x1000000xf32, #tpu.memory_space<hbm>> -> memref<1000000xf32, #tpu.memory_space<hbm>>
      %dma_wait3A_529 = tpu.memref_slice %dma_wait3A_528[%mul3A_525] : memref<1000000xf32, #tpu.memory_space<hbm>> -> memref<27776xf32, #tpu.memory_space<hbm>>
      %dma_wait3A_530 = arith.constant 0 : i32
      %dma_wait3A_531 = tpu.memref_slice %arg3[%select_n3A_150, %select_n3A_166, %dma_wait3A_530] : memref<8x8x1000000xf32, #tpu.memory_space<hbm>> -> memref<1x1x1000000xf32, #tpu.memory_space<hbm>>
      %dma_wait3A_532 = tpu.memref_squeeze %dma_wait3A_531 : memref<1x1x1000000xf32, #tpu.memory_space<hbm>> -> memref<1000000xf32, #tpu.memory_space<hbm>>
      %dma_wait3A_533 = tpu.memref_slice %dma_wait3A_532[%mul3A_525] : memref<1000000xf32, #tpu.memory_space<hbm>> -> memref<27776xf32, #tpu.memory_space<hbm>>
      tpu.wait_dma2 semaphore(%arg31 : memref<!tpu.dma_semaphore, #tpu.memory_space<semaphore_mem>>) src(%dma_wait3A_533 : memref<27776xf32, #tpu.memory_space<hbm>>) dst(%arg23 : memref<27776xf32, #tpu.memory_space<vmem>>)
      %broadcast_in_dim3A_534 = vector.broadcast %add3A_516 : i32 to vector<16xi32>
      %gather3A_535 = tpu.vector_load_idx %arg16[%broadcast_in_dim3A_534] : memref<48xi32, #tpu.memory_space<vmem>>[vector<16xi32>], vector<16xi32>,
      %gather3A_536 = tpu.vector_load_idx %arg17[%broadcast_in_dim3A_534] : memref<48xi32, #tpu.memory_space<vmem>>[vector<16xi32>], vector<16xi32>,
      %reduce_max3A_537 = arith.constant true
      %reduce_max3A_538 = vector.broadcast %reduce_max3A_537 : i1 to vector<16xi1>
      %reduce_max3A_539 = arith.constant -2147483648 : i32
      %reduce_max3A_540 = vector.broadcast %reduce_max3A_539 : i32 to vector<16xi32>
      %reduce_max3A_541 = arith.xori %gather3A_535, %reduce_max3A_540 : vector<16xi32>
      %reduce_max3A_542 = tpu.scan <max>, %reduce_max3A_541 masked %reduce_max3A_538 : vector<16xi32>, vector<16xi1> -> vector<16xi32>
      %reduce_max3A_543 = arith.xori %reduce_max3A_542, %reduce_max3A_540 : vector<16xi32>
      %reduce_max3A_544 = vector.extract %reduce_max3A_543[15] : i32 from vector<16xi32>
      %reduce_max3A_545 = arith.constant true
      %reduce_max3A_546 = vector.broadcast %reduce_max3A_545 : i1 to vector<16xi1>
      %reduce_max3A_547 = arith.constant -2147483648 : i32
      %reduce_max3A_548 = vector.broadcast %reduce_max3A_547 : i32 to vector<16xi32>
      %reduce_max3A_549 = arith.xori %gather3A_536, %reduce_max3A_548 : vector<16xi32>
      %reduce_max3A_550 = tpu.scan <max>, %reduce_max3A_549 masked %reduce_max3A_546 : vector<16xi32>, vector<16xi1> -> vector<16xi32>
      %reduce_max3A_551 = arith.xori %reduce_max3A_550, %reduce_max3A_548 : vector<16xi32>
      %reduce_max3A_552 = vector.extract %reduce_max3A_551[15] : i32 from vector<16xi32>
      %add3A_553 = arith.constant 16 : i32
      %add3A_554 = arith.addi %reduce_max3A_544, %add3A_553 : i32
      %sub3A_555 = arith.constant 1 : i32
      %sub3A_556 = arith.subi %add3A_554, %sub3A_555 : i32
      %jit3A_557 = arith.constant 16 : i32
      %div3A_558 = arith.divsi %sub3A_556, %jit3A_557 : i32
      %sign3A_559 = arith.constant 0 : i32
      %sign3A_560 = arith.cmpi sgt, %sub3A_556, %sign3A_559 : i32
      %sign3A_561 = arith.extui %sign3A_560 : i1 to i32
      %sign3A_562 = arith.constant 0 : i32
      %sign3A_563 = arith.cmpi slt, %sub3A_556, %sign3A_562 : i32
      %sign3A_564 = arith.extui %sign3A_563 : i1 to i32
      %sign3A_565 = arith.subi %sign3A_561, %sign3A_564 : i32
      %sign3A_566 = arith.constant 0 : i32
      %sign3A_567 = arith.cmpi sgt, %jit3A_557, %sign3A_566 : i32
      %sign3A_568 = arith.extui %sign3A_567 : i1 to i32
      %sign3A_569 = arith.constant 0 : i32
      %sign3A_570 = arith.cmpi slt, %jit3A_557, %sign3A_569 : i32
      %sign3A_571 = arith.extui %sign3A_570 : i1 to i32
      %sign3A_572 = arith.subi %sign3A_568, %sign3A_571 : i32
      %ne3A_573 = arith.cmpi ne, %sign3A_565, %sign3A_572 : i32
      %rem3A_574 = arith.remsi %sub3A_556, %jit3A_557 : i32
      %ne3A_575 = arith.constant 0 : i32
      %ne3A_576 = arith.cmpi ne, %rem3A_574, %ne3A_575 : i32
      %and3A_577 = arith.andi %ne3A_573, %ne3A_576 : i1
      %sub3A_578 = arith.constant 1 : i32
      %sub3A_579 = arith.subi %div3A_558, %sub3A_578 : i32
      %select_n3A_580 = arith.select %and3A_577, %sub3A_579, %div3A_558 : i32
      %while3A_581 = arith.constant 0 : i32
      %while3A_582 = arith.constant 0 : i32
      %while3A_583 = arith.subi %select_n3A_580, %while3A_582 : i32
      %while3A_584 = arith.addi %while3A_582, %while3A_583 : i32
      %while3A_585 = arith.constant 1 : i32
      %while3A_586 = arith.divsi %while3A_583, %while3A_585 : i32
      %while3A_587 = arith.muli %while3A_586, %while3A_585 : i32
      %while3A_588 = arith.addi %while3A_582, %while3A_587 : i32
      %while3A_589 = arith.constant 1 : i32
      scf.for %while3A_591 = %while3A_582 to %while3A_588 step %while3A_589  : i32 {
        %mul3A_592 = arith.constant 16 : i32
        %mul3A_593 = arith.muli %while3A_591, %mul3A_592 : i32
        %add3A_594 = vector.broadcast %mul3A_593 : i32 to vector<16xi32>
        %add3A_595 = arith.addi %add3A_594, %iota3A : vector<16xi32>
        %add3A_596 = vector.broadcast %reduce_max3A_552 : i32 to vector<16xi32>
        %add3A_597 = arith.addi %add3A_596, %add3A_595 : vector<16xi32>
        %gather3A_598 = tpu.vector_load_idx %arg14[%add3A_597] : memref<16400xi32, #tpu.memory_space<vmem>>[vector<16xi32>], vector<16xi32>,
        %lt3A_599 = arith.cmpi slt, %add3A_595, %gather3A_535 : vector<16xi32>
        %shift_right_logical3A = arith.constant 16 : i32
        %shift_right_logical3A_600 = vector.broadcast %shift_right_logical3A : i32 to vector<16xi32>
        %shift_right_logical3A_601 = arith.shrui %gather3A_598, %shift_right_logical3A_600 : vector<16xi32>
        %and3A_602 = arith.constant 65535 : i32
        %and3A_603 = vector.broadcast %and3A_602 : i32 to vector<16xi32>
        %and3A_604 = arith.andi %gather3A_598, %and3A_603 : vector<16xi32>
        %gather3A_605 = tpu.vector_load_idx %arg23[%shift_right_logical3A_601] masked %lt3A_599 : memref<27776xf32, #tpu.memory_space<vmem>>[vector<16xi32>], vector<16xf32>, vector<16xi1>
        tpu.vector_store_idx %arg24[%and3A_604], %gather3A_605 masked %lt3A_599 : memref<16384xf32, #tpu.memory_space<vmem>>[vector<16xi32>], vector<16xf32>, vector<16xi1>
      }
      %while3A_590 = arith.constant 1 : i32
      scf.for %while3A_591 = %while3A_588 to %while3A_584 step %while3A_590  : i32 {
        %mul3A_592 = arith.constant 16 : i32
        %mul3A_593 = arith.muli %while3A_591, %mul3A_592 : i32
        %add3A_594 = vector.broadcast %mul3A_593 : i32 to vector<16xi32>
        %add3A_595 = arith.addi %add3A_594, %iota3A : vector<16xi32>
        %add3A_596 = vector.broadcast %reduce_max3A_552 : i32 to vector<16xi32>
        %add3A_597 = arith.addi %add3A_596, %add3A_595 : vector<16xi32>
        %gather3A_598 = tpu.vector_load_idx %arg14[%add3A_597] : memref<16400xi32, #tpu.memory_space<vmem>>[vector<16xi32>], vector<16xi32>,
        %lt3A_599 = arith.cmpi slt, %add3A_595, %gather3A_535 : vector<16xi32>
        %shift_right_logical3A = arith.constant 16 : i32
        %shift_right_logical3A_600 = vector.broadcast %shift_right_logical3A : i32 to vector<16xi32>
        %shift_right_logical3A_601 = arith.shrui %gather3A_598, %shift_right_logical3A_600 : vector<16xi32>
        %and3A_602 = arith.constant 65535 : i32
        %and3A_603 = vector.broadcast %and3A_602 : i32 to vector<16xi32>
        %and3A_604 = arith.andi %gather3A_598, %and3A_603 : vector<16xi32>
        %gather3A_605 = tpu.vector_load_idx %arg23[%shift_right_logical3A_601] masked %lt3A_599 : memref<27776xf32, #tpu.memory_space<vmem>>[vector<16xi32>], vector<16xf32>, vector<16xi1>
        tpu.vector_store_idx %arg24[%and3A_604], %gather3A_605 masked %lt3A_599 : memref<16384xf32, #tpu.memory_space<vmem>>[vector<16xi32>], vector<16xf32>, vector<16xi1>
      }
    }
    %scan3A_172 = arith.constant 12 : i32
    %broadcast_in_dim3A = arith.constant 36 : i32
    %broadcast_in_dim3A_173 = vector.broadcast %broadcast_in_dim3A : i32 to vector<16xi32>
    %gather3A_174 = tpu.vector_load_idx %arg16[%broadcast_in_dim3A_173] : memref<48xi32, #tpu.memory_space<vmem>>[vector<16xi32>], vector<16xi32>,
    %gather3A_175 = tpu.vector_load_idx %arg17[%broadcast_in_dim3A_173] : memref<48xi32, #tpu.memory_space<vmem>>[vector<16xi32>], vector<16xi32>,
    %reduce_max3A = arith.constant true
    %reduce_max3A_176 = vector.broadcast %reduce_max3A : i1 to vector<16xi1>
    %reduce_max3A_177 = arith.constant -2147483648 : i32
    %reduce_max3A_178 = vector.broadcast %reduce_max3A_177 : i32 to vector<16xi32>
    %reduce_max3A_179 = arith.xori %gather3A_174, %reduce_max3A_178 : vector<16xi32>
    %reduce_max3A_180 = tpu.scan <max>, %reduce_max3A_179 masked %reduce_max3A_176 : vector<16xi32>, vector<16xi1> -> vector<16xi32>
    %reduce_max3A_181 = arith.xori %reduce_max3A_180, %reduce_max3A_178 : vector<16xi32>
    %reduce_max3A_182 = vector.extract %reduce_max3A_181[15] : i32 from vector<16xi32>
    %reduce_max3A_183 = arith.constant true
    %reduce_max3A_184 = vector.broadcast %reduce_max3A_183 : i1 to vector<16xi1>
    %reduce_max3A_185 = arith.constant -2147483648 : i32
    %reduce_max3A_186 = vector.broadcast %reduce_max3A_185 : i32 to vector<16xi32>
    %reduce_max3A_187 = arith.xori %gather3A_175, %reduce_max3A_186 : vector<16xi32>
    %reduce_max3A_188 = tpu.scan <max>, %reduce_max3A_187 masked %reduce_max3A_184 : vector<16xi32>, vector<16xi1> -> vector<16xi32>
    %reduce_max3A_189 = arith.xori %reduce_max3A_188, %reduce_max3A_186 : vector<16xi32>
    %reduce_max3A_190 = vector.extract %reduce_max3A_189[15] : i32 from vector<16xi32>
    %add3A_191 = arith.constant 16 : i32
    %add3A_192 = arith.addi %reduce_max3A_182, %add3A_191 : i32
    %sub3A_193 = arith.constant 1 : i32
    %sub3A_194 = arith.subi %add3A_192, %sub3A_193 : i32
    %jit3A_195 = arith.constant 16 : i32
    %div3A_196 = arith.divsi %sub3A_194, %jit3A_195 : i32
    %sign3A_197 = arith.constant 0 : i32
    %sign3A_198 = arith.cmpi sgt, %sub3A_194, %sign3A_197 : i32
    %sign3A_199 = arith.extui %sign3A_198 : i1 to i32
    %sign3A_200 = arith.constant 0 : i32
    %sign3A_201 = arith.cmpi slt, %sub3A_194, %sign3A_200 : i32
    %sign3A_202 = arith.extui %sign3A_201 : i1 to i32
    %sign3A_203 = arith.subi %sign3A_199, %sign3A_202 : i32
    %sign3A_204 = arith.constant 0 : i32
    %sign3A_205 = arith.cmpi sgt, %jit3A_195, %sign3A_204 : i32
    %sign3A_206 = arith.extui %sign3A_205 : i1 to i32
    %sign3A_207 = arith.constant 0 : i32
    %sign3A_208 = arith.cmpi slt, %jit3A_195, %sign3A_207 : i32
    %sign3A_209 = arith.extui %sign3A_208 : i1 to i32
    %sign3A_210 = arith.subi %sign3A_206, %sign3A_209 : i32
    %ne3A_211 = arith.cmpi ne, %sign3A_203, %sign3A_210 : i32
    %rem3A_212 = arith.remsi %sub3A_194, %jit3A_195 : i32
    %ne3A_213 = arith.constant 0 : i32
    %ne3A_214 = arith.cmpi ne, %rem3A_212, %ne3A_213 : i32
    %and3A_215 = arith.andi %ne3A_211, %ne3A_214 : i1
    %sub3A_216 = arith.constant 1 : i32
    %sub3A_217 = arith.subi %div3A_196, %sub3A_216 : i32
    %select_n3A_218 = arith.select %and3A_215, %sub3A_217, %div3A_196 : i32
    %while3A = arith.constant 0 : i32
    %while3A_219 = arith.constant 0 : i32
    %while3A_220 = arith.subi %select_n3A_218, %while3A_219 : i32
    %while3A_221 = arith.addi %while3A_219, %while3A_220 : i32
    %while3A_222 = arith.constant 1 : i32
    %while3A_223 = arith.divsi %while3A_220, %while3A_222 : i32
    %while3A_224 = arith.muli %while3A_223, %while3A_222 : i32
    %while3A_225 = arith.addi %while3A_219, %while3A_224 : i32
    %while3A_226 = arith.constant 1 : i32
    scf.for %while3A_359 = %while3A_219 to %while3A_225 step %while3A_226  : i32 {
      %mul3A_360 = arith.constant 16 : i32
      %mul3A_361 = arith.muli %while3A_359, %mul3A_360 : i32
      %add3A_362 = vector.broadcast %mul3A_361 : i32 to vector<16xi32>
      %add3A_363 = arith.addi %add3A_362, %iota3A : vector<16xi32>
      %add3A_364 = vector.broadcast %reduce_max3A_190 : i32 to vector<16xi32>
      %add3A_365 = arith.addi %add3A_364, %add3A_363 : vector<16xi32>
      %gather3A_366 = tpu.vector_load_idx %arg14[%add3A_365] : memref<16400xi32, #tpu.memory_space<vmem>>[vector<16xi32>], vector<16xi32>,
      %lt3A_367 = arith.cmpi slt, %add3A_363, %gather3A_174 : vector<16xi32>
      %shift_right_logical3A = arith.constant 16 : i32
      %shift_right_logical3A_368 = vector.broadcast %shift_right_logical3A : i32 to vector<16xi32>
      %shift_right_logical3A_369 = arith.shrui %gather3A_366, %shift_right_logical3A_368 : vector<16xi32>
      %and3A_370 = arith.constant 65535 : i32
      %and3A_371 = vector.broadcast %and3A_370 : i32 to vector<16xi32>
      %and3A_372 = arith.andi %gather3A_366, %and3A_371 : vector<16xi32>
      %gather3A_373 = tpu.vector_load_idx %arg25[%shift_right_logical3A_369] masked %lt3A_367 : memref<64xf32, #tpu.memory_space<vmem>>[vector<16xi32>], vector<16xf32>, vector<16xi1>
      tpu.vector_store_idx %arg24[%and3A_372], %gather3A_373 masked %lt3A_367 : memref<16384xf32, #tpu.memory_space<vmem>>[vector<16xi32>], vector<16xf32>, vector<16xi1>
    }
    %while3A_227 = arith.constant 1 : i32
    scf.for %while3A_359 = %while3A_225 to %while3A_221 step %while3A_227  : i32 {
      %mul3A_360 = arith.constant 16 : i32
      %mul3A_361 = arith.muli %while3A_359, %mul3A_360 : i32
      %add3A_362 = vector.broadcast %mul3A_361 : i32 to vector<16xi32>
      %add3A_363 = arith.addi %add3A_362, %iota3A : vector<16xi32>
      %add3A_364 = vector.broadcast %reduce_max3A_190 : i32 to vector<16xi32>
      %add3A_365 = arith.addi %add3A_364, %add3A_363 : vector<16xi32>
      %gather3A_366 = tpu.vector_load_idx %arg14[%add3A_365] : memref<16400xi32, #tpu.memory_space<vmem>>[vector<16xi32>], vector<16xi32>,
      %lt3A_367 = arith.cmpi slt, %add3A_363, %gather3A_174 : vector<16xi32>
      %shift_right_logical3A = arith.constant 16 : i32
      %shift_right_logical3A_368 = vector.broadcast %shift_right_logical3A : i32 to vector<16xi32>
      %shift_right_logical3A_369 = arith.shrui %gather3A_366, %shift_right_logical3A_368 : vector<16xi32>
      %and3A_370 = arith.constant 65535 : i32
      %and3A_371 = vector.broadcast %and3A_370 : i32 to vector<16xi32>
      %and3A_372 = arith.andi %gather3A_366, %and3A_371 : vector<16xi32>
      %gather3A_373 = tpu.vector_load_idx %arg25[%shift_right_logical3A_369] masked %lt3A_367 : memref<64xf32, #tpu.memory_space<vmem>>[vector<16xi32>], vector<16xf32>, vector<16xi1>
      tpu.vector_store_idx %arg24[%and3A_372], %gather3A_373 masked %lt3A_367 : memref<16384xf32, #tpu.memory_space<vmem>>[vector<16xi32>], vector<16xf32>, vector<16xi1>
    }
    "tpu.region"() ({
      %run_scoped3A = tpu.sem_alloc : memref<!tpu.dma_semaphore, #tpu.memory_space<semaphore_mem>>
      %dma_start3A_359 = arith.constant 0 : i32
      %dma_start3A_360 = tpu.memref_slice %arg5[%select_n3A_150, %select_n3A_166, %dma_start3A_359] : memref<8x8x16384xf32, #tpu.memory_space<hbm>> -> memref<1x1x16384xf32, #tpu.memory_space<hbm>>
      %dma_start3A_361 = tpu.memref_squeeze %dma_start3A_360 : memref<1x1x16384xf32, #tpu.memory_space<hbm>> -> memref<16384xf32, #tpu.memory_space<hbm>>
      %dma_start3A_362 = arith.constant 0 : i32
      %dma_start3A_363 = tpu.memref_slice %arg5[%select_n3A_150, %select_n3A_166, %dma_start3A_362] : memref<8x8x16384xf32, #tpu.memory_space<hbm>> -> memref<1x1x16384xf32, #tpu.memory_space<hbm>>
      %dma_start3A_364 = tpu.memref_squeeze %dma_start3A_363 : memref<1x1x16384xf32, #tpu.memory_space<hbm>> -> memref<16384xf32, #tpu.memory_space<hbm>>
      tpu.enqueue_dma source(%arg24 : memref<16384xf32, #tpu.memory_space<vmem>>) target(%dma_start3A_364 : memref<16384xf32, #tpu.memory_space<hbm>>) target_semaphore(%run_scoped3A : memref<!tpu.dma_semaphore, #tpu.memory_space<semaphore_mem>>)
      %dma_wait3A = arith.constant 0 : i32
      %dma_wait3A_365 = tpu.memref_slice %arg5[%select_n3A_150, %select_n3A_166, %dma_wait3A] : memref<8x8x16384xf32, #tpu.memory_space<hbm>> -> memref<1x1x16384xf32, #tpu.memory_space<hbm>>
      %dma_wait3A_366 = tpu.memref_squeeze %dma_wait3A_365 : memref<1x1x16384xf32, #tpu.memory_space<hbm>> -> memref<16384xf32, #tpu.memory_space<hbm>>
      %dma_wait3A_367 = arith.constant 0 : i32
      %dma_wait3A_368 = tpu.memref_slice %arg5[%select_n3A_150, %select_n3A_166, %dma_wait3A_367] : memref<8x8x16384xf32, #tpu.memory_space<hbm>> -> memref<1x1x16384xf32, #tpu.memory_space<hbm>>
      %dma_wait3A_369 = tpu.memref_squeeze %dma_wait3A_368 : memref<1x1x16384xf32, #tpu.memory_space<hbm>> -> memref<16384xf32, #tpu.memory_space<hbm>>
      tpu.wait_dma2 semaphore(%run_scoped3A : memref<!tpu.dma_semaphore, #tpu.memory_space<semaphore_mem>>) src(%arg24 : memref<16384xf32, #tpu.memory_space<vmem>>) dst(%dma_wait3A_369 : memref<16384xf32, #tpu.memory_space<hbm>>)
      tpu.yield
    }) : () -> ()
    %mul3A_228 = arith.constant 32 : i32
    %mul3A_229 = arith.muli %arg0, %mul3A_228 : i32
    %mul3A_230 = arith.constant 2 : i32
    %mul3A_231 = arith.muli %arg1, %mul3A_230 : i32
    %add3A_232 = arith.addi %mul3A_229, %mul3A_231 : i32
    %add3A_233 = arith.constant 1 : i32
    %add3A_234 = arith.addi %add3A_232, %add3A_233 : i32
    %jit3A_235 = arith.constant 8 : i32
    %div3A_236 = arith.divsi %add3A_234, %jit3A_235 : i32
    %sign3A_237 = arith.constant 0 : i32
    %sign3A_238 = arith.cmpi sgt, %add3A_234, %sign3A_237 : i32
    %sign3A_239 = arith.extui %sign3A_238 : i1 to i32
    %sign3A_240 = arith.constant 0 : i32
    %sign3A_241 = arith.cmpi slt, %add3A_234, %sign3A_240 : i32
    %sign3A_242 = arith.extui %sign3A_241 : i1 to i32
    %sign3A_243 = arith.subi %sign3A_239, %sign3A_242 : i32
    %sign3A_244 = arith.constant 0 : i32
    %sign3A_245 = arith.cmpi sgt, %jit3A_235, %sign3A_244 : i32
    %sign3A_246 = arith.extui %sign3A_245 : i1 to i32
    %sign3A_247 = arith.constant 0 : i32
    %sign3A_248 = arith.cmpi slt, %jit3A_235, %sign3A_247 : i32
    %sign3A_249 = arith.extui %sign3A_248 : i1 to i32
    %sign3A_250 = arith.subi %sign3A_246, %sign3A_249 : i32
    %ne3A_251 = arith.cmpi ne, %sign3A_243, %sign3A_250 : i32
    %rem3A_252 = arith.remsi %add3A_234, %jit3A_235 : i32
    %ne3A_253 = arith.constant 0 : i32
    %ne3A_254 = arith.cmpi ne, %rem3A_252, %ne3A_253 : i32
    %and3A_255 = arith.andi %ne3A_251, %ne3A_254 : i1
    %sub3A_256 = arith.constant 1 : i32
    %sub3A_257 = arith.subi %div3A_236, %sub3A_256 : i32
    %select_n3A_258 = arith.select %and3A_255, %sub3A_257, %div3A_236 : i32
    %jit3A_259 = arith.constant 8 : i32
    %eq3A_260 = arith.constant 0 : i32
    %eq3A_261 = arith.cmpi eq, %jit3A_259, %eq3A_260 : i32
    %jit3A_262 = arith.constant 1 : i32
    %select_n3A_263 = arith.select %eq3A_261, %jit3A_262, %jit3A_259 : i32
    %rem3A_264 = arith.remsi %add3A_234, %select_n3A_263 : i32
    %ne3A_265 = arith.constant 0 : i32
    %ne3A_266 = arith.cmpi ne, %rem3A_264, %ne3A_265 : i32
    %lt3A_267 = arith.constant 0 : i32
    %lt3A_268 = arith.cmpi slt, %rem3A_264, %lt3A_267 : i32
    %lt3A_269 = arith.constant 0 : i32
    %lt3A_270 = arith.cmpi slt, %select_n3A_263, %lt3A_269 : i32
    %ne3A_271 = arith.xori %lt3A_268, %lt3A_270 : i1
    %and3A_272 = arith.andi %ne3A_271, %ne3A_266 : i1
    %add3A_273 = arith.addi %rem3A_264, %select_n3A_263 : i32
    %select_n3A_274 = arith.select %and3A_272, %add3A_273, %rem3A_264 : i32
    %dma_start3A_275 = arith.constant 0 : i32
    %dma_start3A_276 = tpu.memref_slice %arg3[%select_n3A_258, %select_n3A_274, %dma_start3A_275] : memref<8x8x1000000xf32, #tpu.memory_space<hbm>> -> memref<1x1x1000000xf32, #tpu.memory_space<hbm>>
    %dma_start3A_277 = tpu.memref_squeeze %dma_start3A_276 : memref<1x1x1000000xf32, #tpu.memory_space<hbm>> -> memref<1000000xf32, #tpu.memory_space<hbm>>
    %dma_start3A_278 = arith.constant 0 : i32
    %dma_start3A_279 = tpu.memref_slice %dma_start3A_277[%dma_start3A_278] : memref<1000000xf32, #tpu.memory_space<hbm>> -> memref<27776xf32, #tpu.memory_space<hbm>>
    %dma_start3A_280 = arith.constant 0 : i32
    %dma_start3A_281 = tpu.memref_slice %arg3[%select_n3A_258, %select_n3A_274, %dma_start3A_280] : memref<8x8x1000000xf32, #tpu.memory_space<hbm>> -> memref<1x1x1000000xf32, #tpu.memory_space<hbm>>
    %dma_start3A_282 = tpu.memref_squeeze %dma_start3A_281 : memref<1x1x1000000xf32, #tpu.memory_space<hbm>> -> memref<1000000xf32, #tpu.memory_space<hbm>>
    %dma_start3A_283 = arith.constant 0 : i32
    %dma_start3A_284 = tpu.memref_slice %dma_start3A_282[%dma_start3A_283] : memref<1000000xf32, #tpu.memory_space<hbm>> -> memref<27776xf32, #tpu.memory_space<hbm>>
    tpu.enqueue_dma source(%dma_start3A_284 : memref<27776xf32, #tpu.memory_space<hbm>>) target(%arg21 : memref<27776xf32, #tpu.memory_space<vmem>>) target_semaphore(%arg29 : memref<!tpu.dma_semaphore, #tpu.memory_space<semaphore_mem>>)
    %dma_start3A_285 = arith.constant 0 : i32
    %dma_start3A_286 = tpu.memref_slice %arg3[%select_n3A_258, %select_n3A_274, %dma_start3A_285] : memref<8x8x1000000xf32, #tpu.memory_space<hbm>> -> memref<1x1x1000000xf32, #tpu.memory_space<hbm>>
    %dma_start3A_287 = tpu.memref_squeeze %dma_start3A_286 : memref<1x1x1000000xf32, #tpu.memory_space<hbm>> -> memref<1000000xf32, #tpu.memory_space<hbm>>
    %dma_start3A_288 = arith.constant 27776 : i32
    %dma_start3A_289 = tpu.memref_slice %dma_start3A_287[%dma_start3A_288] : memref<1000000xf32, #tpu.memory_space<hbm>> -> memref<27776xf32, #tpu.memory_space<hbm>>
    %dma_start3A_290 = arith.constant 0 : i32
    %dma_start3A_291 = tpu.memref_slice %arg3[%select_n3A_258, %select_n3A_274, %dma_start3A_290] : memref<8x8x1000000xf32, #tpu.memory_space<hbm>> -> memref<1x1x1000000xf32, #tpu.memory_space<hbm>>
    %dma_start3A_292 = tpu.memref_squeeze %dma_start3A_291 : memref<1x1x1000000xf32, #tpu.memory_space<hbm>> -> memref<1000000xf32, #tpu.memory_space<hbm>>
    %dma_start3A_293 = arith.constant 27776 : i32
    %dma_start3A_294 = tpu.memref_slice %dma_start3A_292[%dma_start3A_293] : memref<1000000xf32, #tpu.memory_space<hbm>> -> memref<27776xf32, #tpu.memory_space<hbm>>
    tpu.enqueue_dma source(%dma_start3A_294 : memref<27776xf32, #tpu.memory_space<hbm>>) target(%arg22 : memref<27776xf32, #tpu.memory_space<vmem>>) target_semaphore(%arg30 : memref<!tpu.dma_semaphore, #tpu.memory_space<semaphore_mem>>)
    %scan3A_295 = arith.constant 0 : i32
    %scan3A_296 = arith.constant 0 : i32
    %scan3A_297 = arith.constant 12 : i32
    %scan3A_298 = arith.addi %scan3A_296, %scan3A_297 : i32
    %scan3A_299 = arith.constant 1 : i32
    scf.for %scan3A_359 = %scan3A_296 to %scan3A_298 step %scan3A_299  : i32 {
      %mul3A_360 = arith.constant 3 : i32
      %mul3A_361 = arith.muli %scan3A_359, %mul3A_360 : i32
      %add3A_362 = arith.constant 0 : i32
      %add3A_363 = arith.addi %mul3A_361, %add3A_362 : i32
      %add3A_364 = arith.constant 2 : i32
      %add3A_365 = arith.addi %add3A_363, %add3A_364 : i32
      %lt3A_366 = arith.constant 36 : i32
      %lt3A_367 = arith.cmpi slt, %add3A_365, %lt3A_366 : i32
      %convert_element_type3A = arith.extui %lt3A_367 : i1 to i32
      %cond3A = arith.constant 0 : i32
      %cond3A_368 = arith.cmpi ne, %convert_element_type3A, %cond3A : i32
      scf.if %cond3A_368 {
        %add3A_591 = arith.constant 2 : i32
        %add3A_592 = arith.addi %add3A_363, %add3A_591 : i32
        %mul3A_593 = arith.constant 27776 : i32
        %mul3A_594 = arith.muli %add3A_592, %mul3A_593 : i32
        %dma_start3A_595 = arith.constant 0 : i32
        %dma_start3A_596 = tpu.memref_slice %arg3[%select_n3A_258, %select_n3A_274, %dma_start3A_595] : memref<8x8x1000000xf32, #tpu.memory_space<hbm>> -> memref<1x1x1000000xf32, #tpu.memory_space<hbm>>
        %dma_start3A_597 = tpu.memref_squeeze %dma_start3A_596 : memref<1x1x1000000xf32, #tpu.memory_space<hbm>> -> memref<1000000xf32, #tpu.memory_space<hbm>>
        %dma_start3A_598 = tpu.memref_slice %dma_start3A_597[%mul3A_594] : memref<1000000xf32, #tpu.memory_space<hbm>> -> memref<27776xf32, #tpu.memory_space<hbm>>
        %dma_start3A_599 = arith.constant 0 : i32
        %dma_start3A_600 = tpu.memref_slice %arg3[%select_n3A_258, %select_n3A_274, %dma_start3A_599] : memref<8x8x1000000xf32, #tpu.memory_space<hbm>> -> memref<1x1x1000000xf32, #tpu.memory_space<hbm>>
        %dma_start3A_601 = tpu.memref_squeeze %dma_start3A_600 : memref<1x1x1000000xf32, #tpu.memory_space<hbm>> -> memref<1000000xf32, #tpu.memory_space<hbm>>
        %dma_start3A_602 = tpu.memref_slice %dma_start3A_601[%mul3A_594] : memref<1000000xf32, #tpu.memory_space<hbm>> -> memref<27776xf32, #tpu.memory_space<hbm>>
        tpu.enqueue_dma source(%dma_start3A_602 : memref<27776xf32, #tpu.memory_space<hbm>>) target(%arg23 : memref<27776xf32, #tpu.memory_space<vmem>>) target_semaphore(%arg31 : memref<!tpu.dma_semaphore, #tpu.memory_space<semaphore_mem>>)
      } else {
      }
      %mul3A_369 = arith.constant 27776 : i32
      %mul3A_370 = arith.muli %add3A_363, %mul3A_369 : i32
      %dma_wait3A = arith.constant 0 : i32
      %dma_wait3A_371 = tpu.memref_slice %arg3[%select_n3A_258, %select_n3A_274, %dma_wait3A] : memref<8x8x1000000xf32, #tpu.memory_space<hbm>> -> memref<1x1x1000000xf32, #tpu.memory_space<hbm>>
      %dma_wait3A_372 = tpu.memref_squeeze %dma_wait3A_371 : memref<1x1x1000000xf32, #tpu.memory_space<hbm>> -> memref<1000000xf32, #tpu.memory_space<hbm>>
      %dma_wait3A_373 = tpu.memref_slice %dma_wait3A_372[%mul3A_370] : memref<1000000xf32, #tpu.memory_space<hbm>> -> memref<27776xf32, #tpu.memory_space<hbm>>
      %dma_wait3A_374 = arith.constant 0 : i32
      %dma_wait3A_375 = tpu.memref_slice %arg3[%select_n3A_258, %select_n3A_274, %dma_wait3A_374] : memref<8x8x1000000xf32, #tpu.memory_space<hbm>> -> memref<1x1x1000000xf32, #tpu.memory_space<hbm>>
      %dma_wait3A_376 = tpu.memref_squeeze %dma_wait3A_375 : memref<1x1x1000000xf32, #tpu.memory_space<hbm>> -> memref<1000000xf32, #tpu.memory_space<hbm>>
      %dma_wait3A_377 = tpu.memref_slice %dma_wait3A_376[%mul3A_370] : memref<1000000xf32, #tpu.memory_space<hbm>> -> memref<27776xf32, #tpu.memory_space<hbm>>
      tpu.wait_dma2 semaphore(%arg29 : memref<!tpu.dma_semaphore, #tpu.memory_space<semaphore_mem>>) src(%dma_wait3A_377 : memref<27776xf32, #tpu.memory_space<hbm>>) dst(%arg21 : memref<27776xf32, #tpu.memory_space<vmem>>)
      %broadcast_in_dim3A_378 = vector.broadcast %add3A_363 : i32 to vector<16xi32>
      %gather3A_379 = tpu.vector_load_idx %arg16[%broadcast_in_dim3A_378] : memref<48xi32, #tpu.memory_space<vmem>>[vector<16xi32>], vector<16xi32>,
      %gather3A_380 = tpu.vector_load_idx %arg17[%broadcast_in_dim3A_378] : memref<48xi32, #tpu.memory_space<vmem>>[vector<16xi32>], vector<16xi32>,
      %reduce_max3A_381 = arith.constant true
      %reduce_max3A_382 = vector.broadcast %reduce_max3A_381 : i1 to vector<16xi1>
      %reduce_max3A_383 = arith.constant -2147483648 : i32
      %reduce_max3A_384 = vector.broadcast %reduce_max3A_383 : i32 to vector<16xi32>
      %reduce_max3A_385 = arith.xori %gather3A_379, %reduce_max3A_384 : vector<16xi32>
      %reduce_max3A_386 = tpu.scan <max>, %reduce_max3A_385 masked %reduce_max3A_382 : vector<16xi32>, vector<16xi1> -> vector<16xi32>
      %reduce_max3A_387 = arith.xori %reduce_max3A_386, %reduce_max3A_384 : vector<16xi32>
      %reduce_max3A_388 = vector.extract %reduce_max3A_387[15] : i32 from vector<16xi32>
      %reduce_max3A_389 = arith.constant true
      %reduce_max3A_390 = vector.broadcast %reduce_max3A_389 : i1 to vector<16xi1>
      %reduce_max3A_391 = arith.constant -2147483648 : i32
      %reduce_max3A_392 = vector.broadcast %reduce_max3A_391 : i32 to vector<16xi32>
      %reduce_max3A_393 = arith.xori %gather3A_380, %reduce_max3A_392 : vector<16xi32>
      %reduce_max3A_394 = tpu.scan <max>, %reduce_max3A_393 masked %reduce_max3A_390 : vector<16xi32>, vector<16xi1> -> vector<16xi32>
      %reduce_max3A_395 = arith.xori %reduce_max3A_394, %reduce_max3A_392 : vector<16xi32>
      %reduce_max3A_396 = vector.extract %reduce_max3A_395[15] : i32 from vector<16xi32>
      %add3A_397 = arith.constant 16 : i32
      %add3A_398 = arith.addi %reduce_max3A_388, %add3A_397 : i32
      %sub3A_399 = arith.constant 1 : i32
      %sub3A_400 = arith.subi %add3A_398, %sub3A_399 : i32
      %jit3A_401 = arith.constant 16 : i32
      %div3A_402 = arith.divsi %sub3A_400, %jit3A_401 : i32
      %sign3A_403 = arith.constant 0 : i32
      %sign3A_404 = arith.cmpi sgt, %sub3A_400, %sign3A_403 : i32
      %sign3A_405 = arith.extui %sign3A_404 : i1 to i32
      %sign3A_406 = arith.constant 0 : i32
      %sign3A_407 = arith.cmpi slt, %sub3A_400, %sign3A_406 : i32
      %sign3A_408 = arith.extui %sign3A_407 : i1 to i32
      %sign3A_409 = arith.subi %sign3A_405, %sign3A_408 : i32
      %sign3A_410 = arith.constant 0 : i32
      %sign3A_411 = arith.cmpi sgt, %jit3A_401, %sign3A_410 : i32
      %sign3A_412 = arith.extui %sign3A_411 : i1 to i32
      %sign3A_413 = arith.constant 0 : i32
      %sign3A_414 = arith.cmpi slt, %jit3A_401, %sign3A_413 : i32
      %sign3A_415 = arith.extui %sign3A_414 : i1 to i32
      %sign3A_416 = arith.subi %sign3A_412, %sign3A_415 : i32
      %ne3A_417 = arith.cmpi ne, %sign3A_409, %sign3A_416 : i32
      %rem3A_418 = arith.remsi %sub3A_400, %jit3A_401 : i32
      %ne3A_419 = arith.constant 0 : i32
      %ne3A_420 = arith.cmpi ne, %rem3A_418, %ne3A_419 : i32
      %and3A_421 = arith.andi %ne3A_417, %ne3A_420 : i1
      %sub3A_422 = arith.constant 1 : i32
      %sub3A_423 = arith.subi %div3A_402, %sub3A_422 : i32
      %select_n3A_424 = arith.select %and3A_421, %sub3A_423, %div3A_402 : i32
      %while3A_425 = arith.constant 0 : i32
      %while3A_426 = arith.constant 0 : i32
      %while3A_427 = arith.subi %select_n3A_424, %while3A_426 : i32
      %while3A_428 = arith.addi %while3A_426, %while3A_427 : i32
      %while3A_429 = arith.constant 1 : i32
      %while3A_430 = arith.divsi %while3A_427, %while3A_429 : i32
      %while3A_431 = arith.muli %while3A_430, %while3A_429 : i32
      %while3A_432 = arith.addi %while3A_426, %while3A_431 : i32
      %while3A_433 = arith.constant 1 : i32
      scf.for %while3A_591 = %while3A_426 to %while3A_432 step %while3A_433  : i32 {
        %mul3A_592 = arith.constant 16 : i32
        %mul3A_593 = arith.muli %while3A_591, %mul3A_592 : i32
        %add3A_594 = vector.broadcast %mul3A_593 : i32 to vector<16xi32>
        %add3A_595 = arith.addi %add3A_594, %iota3A : vector<16xi32>
        %add3A_596 = vector.broadcast %reduce_max3A_396 : i32 to vector<16xi32>
        %add3A_597 = arith.addi %add3A_596, %add3A_595 : vector<16xi32>
        %gather3A_598 = tpu.vector_load_idx %arg14[%add3A_597] : memref<16400xi32, #tpu.memory_space<vmem>>[vector<16xi32>], vector<16xi32>,
        %lt3A_599 = arith.cmpi slt, %add3A_595, %gather3A_379 : vector<16xi32>
        %shift_right_logical3A = arith.constant 16 : i32
        %shift_right_logical3A_600 = vector.broadcast %shift_right_logical3A : i32 to vector<16xi32>
        %shift_right_logical3A_601 = arith.shrui %gather3A_598, %shift_right_logical3A_600 : vector<16xi32>
        %and3A_602 = arith.constant 65535 : i32
        %and3A_603 = vector.broadcast %and3A_602 : i32 to vector<16xi32>
        %and3A_604 = arith.andi %gather3A_598, %and3A_603 : vector<16xi32>
        %gather3A_605 = tpu.vector_load_idx %arg21[%shift_right_logical3A_601] masked %lt3A_599 : memref<27776xf32, #tpu.memory_space<vmem>>[vector<16xi32>], vector<16xf32>, vector<16xi1>
        tpu.vector_store_idx %arg24[%and3A_604], %gather3A_605 masked %lt3A_599 : memref<16384xf32, #tpu.memory_space<vmem>>[vector<16xi32>], vector<16xf32>, vector<16xi1>
      }
      %while3A_434 = arith.constant 1 : i32
      scf.for %while3A_591 = %while3A_432 to %while3A_428 step %while3A_434  : i32 {
        %mul3A_592 = arith.constant 16 : i32
        %mul3A_593 = arith.muli %while3A_591, %mul3A_592 : i32
        %add3A_594 = vector.broadcast %mul3A_593 : i32 to vector<16xi32>
        %add3A_595 = arith.addi %add3A_594, %iota3A : vector<16xi32>
        %add3A_596 = vector.broadcast %reduce_max3A_396 : i32 to vector<16xi32>
        %add3A_597 = arith.addi %add3A_596, %add3A_595 : vector<16xi32>
        %gather3A_598 = tpu.vector_load_idx %arg14[%add3A_597] : memref<16400xi32, #tpu.memory_space<vmem>>[vector<16xi32>], vector<16xi32>,
        %lt3A_599 = arith.cmpi slt, %add3A_595, %gather3A_379 : vector<16xi32>
        %shift_right_logical3A = arith.constant 16 : i32
        %shift_right_logical3A_600 = vector.broadcast %shift_right_logical3A : i32 to vector<16xi32>
        %shift_right_logical3A_601 = arith.shrui %gather3A_598, %shift_right_logical3A_600 : vector<16xi32>
        %and3A_602 = arith.constant 65535 : i32
        %and3A_603 = vector.broadcast %and3A_602 : i32 to vector<16xi32>
        %and3A_604 = arith.andi %gather3A_598, %and3A_603 : vector<16xi32>
        %gather3A_605 = tpu.vector_load_idx %arg21[%shift_right_logical3A_601] masked %lt3A_599 : memref<27776xf32, #tpu.memory_space<vmem>>[vector<16xi32>], vector<16xf32>, vector<16xi1>
        tpu.vector_store_idx %arg24[%and3A_604], %gather3A_605 masked %lt3A_599 : memref<16384xf32, #tpu.memory_space<vmem>>[vector<16xi32>], vector<16xf32>, vector<16xi1>
      }
      %mul3A_435 = arith.constant 3 : i32
      %mul3A_436 = arith.muli %scan3A_359, %mul3A_435 : i32
      %add3A_437 = arith.constant 1 : i32
      %add3A_438 = arith.addi %mul3A_436, %add3A_437 : i32
      %add3A_439 = arith.constant 2 : i32
      %add3A_440 = arith.addi %add3A_438, %add3A_439 : i32
      %lt3A_441 = arith.constant 36 : i32
      %lt3A_442 = arith.cmpi slt, %add3A_440, %lt3A_441 : i32
      %convert_element_type3A_443 = arith.extui %lt3A_442 : i1 to i32
      %cond3A_444 = arith.constant 0 : i32
      %cond3A_445 = arith.cmpi ne, %convert_element_type3A_443, %cond3A_444 : i32
      scf.if %cond3A_445 {
        %add3A_591 = arith.constant 2 : i32
        %add3A_592 = arith.addi %add3A_438, %add3A_591 : i32
        %mul3A_593 = arith.constant 27776 : i32
        %mul3A_594 = arith.muli %add3A_592, %mul3A_593 : i32
        %dma_start3A_595 = arith.constant 0 : i32
        %dma_start3A_596 = tpu.memref_slice %arg3[%select_n3A_258, %select_n3A_274, %dma_start3A_595] : memref<8x8x1000000xf32, #tpu.memory_space<hbm>> -> memref<1x1x1000000xf32, #tpu.memory_space<hbm>>
        %dma_start3A_597 = tpu.memref_squeeze %dma_start3A_596 : memref<1x1x1000000xf32, #tpu.memory_space<hbm>> -> memref<1000000xf32, #tpu.memory_space<hbm>>
        %dma_start3A_598 = tpu.memref_slice %dma_start3A_597[%mul3A_594] : memref<1000000xf32, #tpu.memory_space<hbm>> -> memref<27776xf32, #tpu.memory_space<hbm>>
        %dma_start3A_599 = arith.constant 0 : i32
        %dma_start3A_600 = tpu.memref_slice %arg3[%select_n3A_258, %select_n3A_274, %dma_start3A_599] : memref<8x8x1000000xf32, #tpu.memory_space<hbm>> -> memref<1x1x1000000xf32, #tpu.memory_space<hbm>>
        %dma_start3A_601 = tpu.memref_squeeze %dma_start3A_600 : memref<1x1x1000000xf32, #tpu.memory_space<hbm>> -> memref<1000000xf32, #tpu.memory_space<hbm>>
        %dma_start3A_602 = tpu.memref_slice %dma_start3A_601[%mul3A_594] : memref<1000000xf32, #tpu.memory_space<hbm>> -> memref<27776xf32, #tpu.memory_space<hbm>>
        tpu.enqueue_dma source(%dma_start3A_602 : memref<27776xf32, #tpu.memory_space<hbm>>) target(%arg21 : memref<27776xf32, #tpu.memory_space<vmem>>) target_semaphore(%arg29 : memref<!tpu.dma_semaphore, #tpu.memory_space<semaphore_mem>>)
      } else {
      }
      %mul3A_446 = arith.constant 27776 : i32
      %mul3A_447 = arith.muli %add3A_438, %mul3A_446 : i32
      %dma_wait3A_448 = arith.constant 0 : i32
      %dma_wait3A_449 = tpu.memref_slice %arg3[%select_n3A_258, %select_n3A_274, %dma_wait3A_448] : memref<8x8x1000000xf32, #tpu.memory_space<hbm>> -> memref<1x1x1000000xf32, #tpu.memory_space<hbm>>
      %dma_wait3A_450 = tpu.memref_squeeze %dma_wait3A_449 : memref<1x1x1000000xf32, #tpu.memory_space<hbm>> -> memref<1000000xf32, #tpu.memory_space<hbm>>
      %dma_wait3A_451 = tpu.memref_slice %dma_wait3A_450[%mul3A_447] : memref<1000000xf32, #tpu.memory_space<hbm>> -> memref<27776xf32, #tpu.memory_space<hbm>>
      %dma_wait3A_452 = arith.constant 0 : i32
      %dma_wait3A_453 = tpu.memref_slice %arg3[%select_n3A_258, %select_n3A_274, %dma_wait3A_452] : memref<8x8x1000000xf32, #tpu.memory_space<hbm>> -> memref<1x1x1000000xf32, #tpu.memory_space<hbm>>
      %dma_wait3A_454 = tpu.memref_squeeze %dma_wait3A_453 : memref<1x1x1000000xf32, #tpu.memory_space<hbm>> -> memref<1000000xf32, #tpu.memory_space<hbm>>
      %dma_wait3A_455 = tpu.memref_slice %dma_wait3A_454[%mul3A_447] : memref<1000000xf32, #tpu.memory_space<hbm>> -> memref<27776xf32, #tpu.memory_space<hbm>>
      tpu.wait_dma2 semaphore(%arg30 : memref<!tpu.dma_semaphore, #tpu.memory_space<semaphore_mem>>) src(%dma_wait3A_455 : memref<27776xf32, #tpu.memory_space<hbm>>) dst(%arg22 : memref<27776xf32, #tpu.memory_space<vmem>>)
      %broadcast_in_dim3A_456 = vector.broadcast %add3A_438 : i32 to vector<16xi32>
      %gather3A_457 = tpu.vector_load_idx %arg16[%broadcast_in_dim3A_456] : memref<48xi32, #tpu.memory_space<vmem>>[vector<16xi32>], vector<16xi32>,
      %gather3A_458 = tpu.vector_load_idx %arg17[%broadcast_in_dim3A_456] : memref<48xi32, #tpu.memory_space<vmem>>[vector<16xi32>], vector<16xi32>,
      %reduce_max3A_459 = arith.constant true
      %reduce_max3A_460 = vector.broadcast %reduce_max3A_459 : i1 to vector<16xi1>
      %reduce_max3A_461 = arith.constant -2147483648 : i32
      %reduce_max3A_462 = vector.broadcast %reduce_max3A_461 : i32 to vector<16xi32>
      %reduce_max3A_463 = arith.xori %gather3A_457, %reduce_max3A_462 : vector<16xi32>
      %reduce_max3A_464 = tpu.scan <max>, %reduce_max3A_463 masked %reduce_max3A_460 : vector<16xi32>, vector<16xi1> -> vector<16xi32>
      %reduce_max3A_465 = arith.xori %reduce_max3A_464, %reduce_max3A_462 : vector<16xi32>
      %reduce_max3A_466 = vector.extract %reduce_max3A_465[15] : i32 from vector<16xi32>
      %reduce_max3A_467 = arith.constant true
      %reduce_max3A_468 = vector.broadcast %reduce_max3A_467 : i1 to vector<16xi1>
      %reduce_max3A_469 = arith.constant -2147483648 : i32
      %reduce_max3A_470 = vector.broadcast %reduce_max3A_469 : i32 to vector<16xi32>
      %reduce_max3A_471 = arith.xori %gather3A_458, %reduce_max3A_470 : vector<16xi32>
      %reduce_max3A_472 = tpu.scan <max>, %reduce_max3A_471 masked %reduce_max3A_468 : vector<16xi32>, vector<16xi1> -> vector<16xi32>
      %reduce_max3A_473 = arith.xori %reduce_max3A_472, %reduce_max3A_470 : vector<16xi32>
      %reduce_max3A_474 = vector.extract %reduce_max3A_473[15] : i32 from vector<16xi32>
      %add3A_475 = arith.constant 16 : i32
      %add3A_476 = arith.addi %reduce_max3A_466, %add3A_475 : i32
      %sub3A_477 = arith.constant 1 : i32
      %sub3A_478 = arith.subi %add3A_476, %sub3A_477 : i32
      %jit3A_479 = arith.constant 16 : i32
      %div3A_480 = arith.divsi %sub3A_478, %jit3A_479 : i32
      %sign3A_481 = arith.constant 0 : i32
      %sign3A_482 = arith.cmpi sgt, %sub3A_478, %sign3A_481 : i32
      %sign3A_483 = arith.extui %sign3A_482 : i1 to i32
      %sign3A_484 = arith.constant 0 : i32
      %sign3A_485 = arith.cmpi slt, %sub3A_478, %sign3A_484 : i32
      %sign3A_486 = arith.extui %sign3A_485 : i1 to i32
      %sign3A_487 = arith.subi %sign3A_483, %sign3A_486 : i32
      %sign3A_488 = arith.constant 0 : i32
      %sign3A_489 = arith.cmpi sgt, %jit3A_479, %sign3A_488 : i32
      %sign3A_490 = arith.extui %sign3A_489 : i1 to i32
      %sign3A_491 = arith.constant 0 : i32
      %sign3A_492 = arith.cmpi slt, %jit3A_479, %sign3A_491 : i32
      %sign3A_493 = arith.extui %sign3A_492 : i1 to i32
      %sign3A_494 = arith.subi %sign3A_490, %sign3A_493 : i32
      %ne3A_495 = arith.cmpi ne, %sign3A_487, %sign3A_494 : i32
      %rem3A_496 = arith.remsi %sub3A_478, %jit3A_479 : i32
      %ne3A_497 = arith.constant 0 : i32
      %ne3A_498 = arith.cmpi ne, %rem3A_496, %ne3A_497 : i32
      %and3A_499 = arith.andi %ne3A_495, %ne3A_498 : i1
      %sub3A_500 = arith.constant 1 : i32
      %sub3A_501 = arith.subi %div3A_480, %sub3A_500 : i32
      %select_n3A_502 = arith.select %and3A_499, %sub3A_501, %div3A_480 : i32
      %while3A_503 = arith.constant 0 : i32
      %while3A_504 = arith.constant 0 : i32
      %while3A_505 = arith.subi %select_n3A_502, %while3A_504 : i32
      %while3A_506 = arith.addi %while3A_504, %while3A_505 : i32
      %while3A_507 = arith.constant 1 : i32
      %while3A_508 = arith.divsi %while3A_505, %while3A_507 : i32
      %while3A_509 = arith.muli %while3A_508, %while3A_507 : i32
      %while3A_510 = arith.addi %while3A_504, %while3A_509 : i32
      %while3A_511 = arith.constant 1 : i32
      scf.for %while3A_591 = %while3A_504 to %while3A_510 step %while3A_511  : i32 {
        %mul3A_592 = arith.constant 16 : i32
        %mul3A_593 = arith.muli %while3A_591, %mul3A_592 : i32
        %add3A_594 = vector.broadcast %mul3A_593 : i32 to vector<16xi32>
        %add3A_595 = arith.addi %add3A_594, %iota3A : vector<16xi32>
        %add3A_596 = vector.broadcast %reduce_max3A_474 : i32 to vector<16xi32>
        %add3A_597 = arith.addi %add3A_596, %add3A_595 : vector<16xi32>
        %gather3A_598 = tpu.vector_load_idx %arg14[%add3A_597] : memref<16400xi32, #tpu.memory_space<vmem>>[vector<16xi32>], vector<16xi32>,
        %lt3A_599 = arith.cmpi slt, %add3A_595, %gather3A_457 : vector<16xi32>
        %shift_right_logical3A = arith.constant 16 : i32
        %shift_right_logical3A_600 = vector.broadcast %shift_right_logical3A : i32 to vector<16xi32>
        %shift_right_logical3A_601 = arith.shrui %gather3A_598, %shift_right_logical3A_600 : vector<16xi32>
        %and3A_602 = arith.constant 65535 : i32
        %and3A_603 = vector.broadcast %and3A_602 : i32 to vector<16xi32>
        %and3A_604 = arith.andi %gather3A_598, %and3A_603 : vector<16xi32>
        %gather3A_605 = tpu.vector_load_idx %arg22[%shift_right_logical3A_601] masked %lt3A_599 : memref<27776xf32, #tpu.memory_space<vmem>>[vector<16xi32>], vector<16xf32>, vector<16xi1>
        tpu.vector_store_idx %arg24[%and3A_604], %gather3A_605 masked %lt3A_599 : memref<16384xf32, #tpu.memory_space<vmem>>[vector<16xi32>], vector<16xf32>, vector<16xi1>
      }
      %while3A_512 = arith.constant 1 : i32
      scf.for %while3A_591 = %while3A_510 to %while3A_506 step %while3A_512  : i32 {
        %mul3A_592 = arith.constant 16 : i32
        %mul3A_593 = arith.muli %while3A_591, %mul3A_592 : i32
        %add3A_594 = vector.broadcast %mul3A_593 : i32 to vector<16xi32>
        %add3A_595 = arith.addi %add3A_594, %iota3A : vector<16xi32>
        %add3A_596 = vector.broadcast %reduce_max3A_474 : i32 to vector<16xi32>
        %add3A_597 = arith.addi %add3A_596, %add3A_595 : vector<16xi32>
        %gather3A_598 = tpu.vector_load_idx %arg14[%add3A_597] : memref<16400xi32, #tpu.memory_space<vmem>>[vector<16xi32>], vector<16xi32>,
        %lt3A_599 = arith.cmpi slt, %add3A_595, %gather3A_457 : vector<16xi32>
        %shift_right_logical3A = arith.constant 16 : i32
        %shift_right_logical3A_600 = vector.broadcast %shift_right_logical3A : i32 to vector<16xi32>
        %shift_right_logical3A_601 = arith.shrui %gather3A_598, %shift_right_logical3A_600 : vector<16xi32>
        %and3A_602 = arith.constant 65535 : i32
        %and3A_603 = vector.broadcast %and3A_602 : i32 to vector<16xi32>
        %and3A_604 = arith.andi %gather3A_598, %and3A_603 : vector<16xi32>
        %gather3A_605 = tpu.vector_load_idx %arg22[%shift_right_logical3A_601] masked %lt3A_599 : memref<27776xf32, #tpu.memory_space<vmem>>[vector<16xi32>], vector<16xf32>, vector<16xi1>
        tpu.vector_store_idx %arg24[%and3A_604], %gather3A_605 masked %lt3A_599 : memref<16384xf32, #tpu.memory_space<vmem>>[vector<16xi32>], vector<16xf32>, vector<16xi1>
      }
      %mul3A_513 = arith.constant 3 : i32
      %mul3A_514 = arith.muli %scan3A_359, %mul3A_513 : i32
      %add3A_515 = arith.constant 2 : i32
      %add3A_516 = arith.addi %mul3A_514, %add3A_515 : i32
      %add3A_517 = arith.constant 2 : i32
      %add3A_518 = arith.addi %add3A_516, %add3A_517 : i32
      %lt3A_519 = arith.constant 36 : i32
      %lt3A_520 = arith.cmpi slt, %add3A_518, %lt3A_519 : i32
      %convert_element_type3A_521 = arith.extui %lt3A_520 : i1 to i32
      %cond3A_522 = arith.constant 0 : i32
      %cond3A_523 = arith.cmpi ne, %convert_element_type3A_521, %cond3A_522 : i32
      scf.if %cond3A_523 {
        %add3A_591 = arith.constant 2 : i32
        %add3A_592 = arith.addi %add3A_516, %add3A_591 : i32
        %mul3A_593 = arith.constant 27776 : i32
        %mul3A_594 = arith.muli %add3A_592, %mul3A_593 : i32
        %dma_start3A_595 = arith.constant 0 : i32
        %dma_start3A_596 = tpu.memref_slice %arg3[%select_n3A_258, %select_n3A_274, %dma_start3A_595] : memref<8x8x1000000xf32, #tpu.memory_space<hbm>> -> memref<1x1x1000000xf32, #tpu.memory_space<hbm>>
        %dma_start3A_597 = tpu.memref_squeeze %dma_start3A_596 : memref<1x1x1000000xf32, #tpu.memory_space<hbm>> -> memref<1000000xf32, #tpu.memory_space<hbm>>
        %dma_start3A_598 = tpu.memref_slice %dma_start3A_597[%mul3A_594] : memref<1000000xf32, #tpu.memory_space<hbm>> -> memref<27776xf32, #tpu.memory_space<hbm>>
        %dma_start3A_599 = arith.constant 0 : i32
        %dma_start3A_600 = tpu.memref_slice %arg3[%select_n3A_258, %select_n3A_274, %dma_start3A_599] : memref<8x8x1000000xf32, #tpu.memory_space<hbm>> -> memref<1x1x1000000xf32, #tpu.memory_space<hbm>>
        %dma_start3A_601 = tpu.memref_squeeze %dma_start3A_600 : memref<1x1x1000000xf32, #tpu.memory_space<hbm>> -> memref<1000000xf32, #tpu.memory_space<hbm>>
        %dma_start3A_602 = tpu.memref_slice %dma_start3A_601[%mul3A_594] : memref<1000000xf32, #tpu.memory_space<hbm>> -> memref<27776xf32, #tpu.memory_space<hbm>>
        tpu.enqueue_dma source(%dma_start3A_602 : memref<27776xf32, #tpu.memory_space<hbm>>) target(%arg22 : memref<27776xf32, #tpu.memory_space<vmem>>) target_semaphore(%arg30 : memref<!tpu.dma_semaphore, #tpu.memory_space<semaphore_mem>>)
      } else {
      }
      %mul3A_524 = arith.constant 27776 : i32
      %mul3A_525 = arith.muli %add3A_516, %mul3A_524 : i32
      %dma_wait3A_526 = arith.constant 0 : i32
      %dma_wait3A_527 = tpu.memref_slice %arg3[%select_n3A_258, %select_n3A_274, %dma_wait3A_526] : memref<8x8x1000000xf32, #tpu.memory_space<hbm>> -> memref<1x1x1000000xf32, #tpu.memory_space<hbm>>
      %dma_wait3A_528 = tpu.memref_squeeze %dma_wait3A_527 : memref<1x1x1000000xf32, #tpu.memory_space<hbm>> -> memref<1000000xf32, #tpu.memory_space<hbm>>
      %dma_wait3A_529 = tpu.memref_slice %dma_wait3A_528[%mul3A_525] : memref<1000000xf32, #tpu.memory_space<hbm>> -> memref<27776xf32, #tpu.memory_space<hbm>>
      %dma_wait3A_530 = arith.constant 0 : i32
      %dma_wait3A_531 = tpu.memref_slice %arg3[%select_n3A_258, %select_n3A_274, %dma_wait3A_530] : memref<8x8x1000000xf32, #tpu.memory_space<hbm>> -> memref<1x1x1000000xf32, #tpu.memory_space<hbm>>
      %dma_wait3A_532 = tpu.memref_squeeze %dma_wait3A_531 : memref<1x1x1000000xf32, #tpu.memory_space<hbm>> -> memref<1000000xf32, #tpu.memory_space<hbm>>
      %dma_wait3A_533 = tpu.memref_slice %dma_wait3A_532[%mul3A_525] : memref<1000000xf32, #tpu.memory_space<hbm>> -> memref<27776xf32, #tpu.memory_space<hbm>>
      tpu.wait_dma2 semaphore(%arg31 : memref<!tpu.dma_semaphore, #tpu.memory_space<semaphore_mem>>) src(%dma_wait3A_533 : memref<27776xf32, #tpu.memory_space<hbm>>) dst(%arg23 : memref<27776xf32, #tpu.memory_space<vmem>>)
      %broadcast_in_dim3A_534 = vector.broadcast %add3A_516 : i32 to vector<16xi32>
      %gather3A_535 = tpu.vector_load_idx %arg16[%broadcast_in_dim3A_534] : memref<48xi32, #tpu.memory_space<vmem>>[vector<16xi32>], vector<16xi32>,
      %gather3A_536 = tpu.vector_load_idx %arg17[%broadcast_in_dim3A_534] : memref<48xi32, #tpu.memory_space<vmem>>[vector<16xi32>], vector<16xi32>,
      %reduce_max3A_537 = arith.constant true
      %reduce_max3A_538 = vector.broadcast %reduce_max3A_537 : i1 to vector<16xi1>
      %reduce_max3A_539 = arith.constant -2147483648 : i32
      %reduce_max3A_540 = vector.broadcast %reduce_max3A_539 : i32 to vector<16xi32>
      %reduce_max3A_541 = arith.xori %gather3A_535, %reduce_max3A_540 : vector<16xi32>
      %reduce_max3A_542 = tpu.scan <max>, %reduce_max3A_541 masked %reduce_max3A_538 : vector<16xi32>, vector<16xi1> -> vector<16xi32>
      %reduce_max3A_543 = arith.xori %reduce_max3A_542, %reduce_max3A_540 : vector<16xi32>
      %reduce_max3A_544 = vector.extract %reduce_max3A_543[15] : i32 from vector<16xi32>
      %reduce_max3A_545 = arith.constant true
      %reduce_max3A_546 = vector.broadcast %reduce_max3A_545 : i1 to vector<16xi1>
      %reduce_max3A_547 = arith.constant -2147483648 : i32
      %reduce_max3A_548 = vector.broadcast %reduce_max3A_547 : i32 to vector<16xi32>
      %reduce_max3A_549 = arith.xori %gather3A_536, %reduce_max3A_548 : vector<16xi32>
      %reduce_max3A_550 = tpu.scan <max>, %reduce_max3A_549 masked %reduce_max3A_546 : vector<16xi32>, vector<16xi1> -> vector<16xi32>
      %reduce_max3A_551 = arith.xori %reduce_max3A_550, %reduce_max3A_548 : vector<16xi32>
      %reduce_max3A_552 = vector.extract %reduce_max3A_551[15] : i32 from vector<16xi32>
      %add3A_553 = arith.constant 16 : i32
      %add3A_554 = arith.addi %reduce_max3A_544, %add3A_553 : i32
      %sub3A_555 = arith.constant 1 : i32
      %sub3A_556 = arith.subi %add3A_554, %sub3A_555 : i32
      %jit3A_557 = arith.constant 16 : i32
      %div3A_558 = arith.divsi %sub3A_556, %jit3A_557 : i32
      %sign3A_559 = arith.constant 0 : i32
      %sign3A_560 = arith.cmpi sgt, %sub3A_556, %sign3A_559 : i32
      %sign3A_561 = arith.extui %sign3A_560 : i1 to i32
      %sign3A_562 = arith.constant 0 : i32
      %sign3A_563 = arith.cmpi slt, %sub3A_556, %sign3A_562 : i32
      %sign3A_564 = arith.extui %sign3A_563 : i1 to i32
      %sign3A_565 = arith.subi %sign3A_561, %sign3A_564 : i32
      %sign3A_566 = arith.constant 0 : i32
      %sign3A_567 = arith.cmpi sgt, %jit3A_557, %sign3A_566 : i32
      %sign3A_568 = arith.extui %sign3A_567 : i1 to i32
      %sign3A_569 = arith.constant 0 : i32
      %sign3A_570 = arith.cmpi slt, %jit3A_557, %sign3A_569 : i32
      %sign3A_571 = arith.extui %sign3A_570 : i1 to i32
      %sign3A_572 = arith.subi %sign3A_568, %sign3A_571 : i32
      %ne3A_573 = arith.cmpi ne, %sign3A_565, %sign3A_572 : i32
      %rem3A_574 = arith.remsi %sub3A_556, %jit3A_557 : i32
      %ne3A_575 = arith.constant 0 : i32
      %ne3A_576 = arith.cmpi ne, %rem3A_574, %ne3A_575 : i32
      %and3A_577 = arith.andi %ne3A_573, %ne3A_576 : i1
      %sub3A_578 = arith.constant 1 : i32
      %sub3A_579 = arith.subi %div3A_558, %sub3A_578 : i32
      %select_n3A_580 = arith.select %and3A_577, %sub3A_579, %div3A_558 : i32
      %while3A_581 = arith.constant 0 : i32
      %while3A_582 = arith.constant 0 : i32
      %while3A_583 = arith.subi %select_n3A_580, %while3A_582 : i32
      %while3A_584 = arith.addi %while3A_582, %while3A_583 : i32
      %while3A_585 = arith.constant 1 : i32
      %while3A_586 = arith.divsi %while3A_583, %while3A_585 : i32
      %while3A_587 = arith.muli %while3A_586, %while3A_585 : i32
      %while3A_588 = arith.addi %while3A_582, %while3A_587 : i32
      %while3A_589 = arith.constant 1 : i32
      scf.for %while3A_591 = %while3A_582 to %while3A_588 step %while3A_589  : i32 {
        %mul3A_592 = arith.constant 16 : i32
        %mul3A_593 = arith.muli %while3A_591, %mul3A_592 : i32
        %add3A_594 = vector.broadcast %mul3A_593 : i32 to vector<16xi32>
        %add3A_595 = arith.addi %add3A_594, %iota3A : vector<16xi32>
        %add3A_596 = vector.broadcast %reduce_max3A_552 : i32 to vector<16xi32>
        %add3A_597 = arith.addi %add3A_596, %add3A_595 : vector<16xi32>
        %gather3A_598 = tpu.vector_load_idx %arg14[%add3A_597] : memref<16400xi32, #tpu.memory_space<vmem>>[vector<16xi32>], vector<16xi32>,
        %lt3A_599 = arith.cmpi slt, %add3A_595, %gather3A_535 : vector<16xi32>
        %shift_right_logical3A = arith.constant 16 : i32
        %shift_right_logical3A_600 = vector.broadcast %shift_right_logical3A : i32 to vector<16xi32>
        %shift_right_logical3A_601 = arith.shrui %gather3A_598, %shift_right_logical3A_600 : vector<16xi32>
        %and3A_602 = arith.constant 65535 : i32
        %and3A_603 = vector.broadcast %and3A_602 : i32 to vector<16xi32>
        %and3A_604 = arith.andi %gather3A_598, %and3A_603 : vector<16xi32>
        %gather3A_605 = tpu.vector_load_idx %arg23[%shift_right_logical3A_601] masked %lt3A_599 : memref<27776xf32, #tpu.memory_space<vmem>>[vector<16xi32>], vector<16xf32>, vector<16xi1>
        tpu.vector_store_idx %arg24[%and3A_604], %gather3A_605 masked %lt3A_599 : memref<16384xf32, #tpu.memory_space<vmem>>[vector<16xi32>], vector<16xf32>, vector<16xi1>
      }
      %while3A_590 = arith.constant 1 : i32
      scf.for %while3A_591 = %while3A_588 to %while3A_584 step %while3A_590  : i32 {
        %mul3A_592 = arith.constant 16 : i32
        %mul3A_593 = arith.muli %while3A_591, %mul3A_592 : i32
        %add3A_594 = vector.broadcast %mul3A_593 : i32 to vector<16xi32>
        %add3A_595 = arith.addi %add3A_594, %iota3A : vector<16xi32>
        %add3A_596 = vector.broadcast %reduce_max3A_552 : i32 to vector<16xi32>
        %add3A_597 = arith.addi %add3A_596, %add3A_595 : vector<16xi32>
        %gather3A_598 = tpu.vector_load_idx %arg14[%add3A_597] : memref<16400xi32, #tpu.memory_space<vmem>>[vector<16xi32>], vector<16xi32>,
        %lt3A_599 = arith.cmpi slt, %add3A_595, %gather3A_535 : vector<16xi32>
        %shift_right_logical3A = arith.constant 16 : i32
        %shift_right_logical3A_600 = vector.broadcast %shift_right_logical3A : i32 to vector<16xi32>
        %shift_right_logical3A_601 = arith.shrui %gather3A_598, %shift_right_logical3A_600 : vector<16xi32>
        %and3A_602 = arith.constant 65535 : i32
        %and3A_603 = vector.broadcast %and3A_602 : i32 to vector<16xi32>
        %and3A_604 = arith.andi %gather3A_598, %and3A_603 : vector<16xi32>
        %gather3A_605 = tpu.vector_load_idx %arg23[%shift_right_logical3A_601] masked %lt3A_599 : memref<27776xf32, #tpu.memory_space<vmem>>[vector<16xi32>], vector<16xf32>, vector<16xi1>
        tpu.vector_store_idx %arg24[%and3A_604], %gather3A_605 masked %lt3A_599 : memref<16384xf32, #tpu.memory_space<vmem>>[vector<16xi32>], vector<16xf32>, vector<16xi1>
      }
    }
    %scan3A_300 = arith.constant 12 : i32
    %broadcast_in_dim3A_301 = arith.constant 36 : i32
    %broadcast_in_dim3A_302 = vector.broadcast %broadcast_in_dim3A_301 : i32 to vector<16xi32>
    %gather3A_303 = tpu.vector_load_idx %arg16[%broadcast_in_dim3A_302] : memref<48xi32, #tpu.memory_space<vmem>>[vector<16xi32>], vector<16xi32>,
    %gather3A_304 = tpu.vector_load_idx %arg17[%broadcast_in_dim3A_302] : memref<48xi32, #tpu.memory_space<vmem>>[vector<16xi32>], vector<16xi32>,
    %reduce_max3A_305 = arith.constant true
    %reduce_max3A_306 = vector.broadcast %reduce_max3A_305 : i1 to vector<16xi1>
    %reduce_max3A_307 = arith.constant -2147483648 : i32
    %reduce_max3A_308 = vector.broadcast %reduce_max3A_307 : i32 to vector<16xi32>
    %reduce_max3A_309 = arith.xori %gather3A_303, %reduce_max3A_308 : vector<16xi32>
    %reduce_max3A_310 = tpu.scan <max>, %reduce_max3A_309 masked %reduce_max3A_306 : vector<16xi32>, vector<16xi1> -> vector<16xi32>
    %reduce_max3A_311 = arith.xori %reduce_max3A_310, %reduce_max3A_308 : vector<16xi32>
    %reduce_max3A_312 = vector.extract %reduce_max3A_311[15] : i32 from vector<16xi32>
    %reduce_max3A_313 = arith.constant true
    %reduce_max3A_314 = vector.broadcast %reduce_max3A_313 : i1 to vector<16xi1>
    %reduce_max3A_315 = arith.constant -2147483648 : i32
    %reduce_max3A_316 = vector.broadcast %reduce_max3A_315 : i32 to vector<16xi32>
    %reduce_max3A_317 = arith.xori %gather3A_304, %reduce_max3A_316 : vector<16xi32>
    %reduce_max3A_318 = tpu.scan <max>, %reduce_max3A_317 masked %reduce_max3A_314 : vector<16xi32>, vector<16xi1> -> vector<16xi32>
    %reduce_max3A_319 = arith.xori %reduce_max3A_318, %reduce_max3A_316 : vector<16xi32>
    %reduce_max3A_320 = vector.extract %reduce_max3A_319[15] : i32 from vector<16xi32>
    %add3A_321 = arith.constant 16 : i32
    %add3A_322 = arith.addi %reduce_max3A_312, %add3A_321 : i32
    %sub3A_323 = arith.constant 1 : i32
    %sub3A_324 = arith.subi %add3A_322, %sub3A_323 : i32
    %jit3A_325 = arith.constant 16 : i32
    %div3A_326 = arith.divsi %sub3A_324, %jit3A_325 : i32
    %sign3A_327 = arith.constant 0 : i32
    %sign3A_328 = arith.cmpi sgt, %sub3A_324, %sign3A_327 : i32
    %sign3A_329 = arith.extui %sign3A_328 : i1 to i32
    %sign3A_330 = arith.constant 0 : i32
    %sign3A_331 = arith.cmpi slt, %sub3A_324, %sign3A_330 : i32
    %sign3A_332 = arith.extui %sign3A_331 : i1 to i32
    %sign3A_333 = arith.subi %sign3A_329, %sign3A_332 : i32
    %sign3A_334 = arith.constant 0 : i32
    %sign3A_335 = arith.cmpi sgt, %jit3A_325, %sign3A_334 : i32
    %sign3A_336 = arith.extui %sign3A_335 : i1 to i32
    %sign3A_337 = arith.constant 0 : i32
    %sign3A_338 = arith.cmpi slt, %jit3A_325, %sign3A_337 : i32
    %sign3A_339 = arith.extui %sign3A_338 : i1 to i32
    %sign3A_340 = arith.subi %sign3A_336, %sign3A_339 : i32
    %ne3A_341 = arith.cmpi ne, %sign3A_333, %sign3A_340 : i32
    %rem3A_342 = arith.remsi %sub3A_324, %jit3A_325 : i32
    %ne3A_343 = arith.constant 0 : i32
    %ne3A_344 = arith.cmpi ne, %rem3A_342, %ne3A_343 : i32
    %and3A_345 = arith.andi %ne3A_341, %ne3A_344 : i1
    %sub3A_346 = arith.constant 1 : i32
    %sub3A_347 = arith.subi %div3A_326, %sub3A_346 : i32
    %select_n3A_348 = arith.select %and3A_345, %sub3A_347, %div3A_326 : i32
    %while3A_349 = arith.constant 0 : i32
    %while3A_350 = arith.constant 0 : i32
    %while3A_351 = arith.subi %select_n3A_348, %while3A_350 : i32
    %while3A_352 = arith.addi %while3A_350, %while3A_351 : i32
    %while3A_353 = arith.constant 1 : i32
    %while3A_354 = arith.divsi %while3A_351, %while3A_353 : i32
    %while3A_355 = arith.muli %while3A_354, %while3A_353 : i32
    %while3A_356 = arith.addi %while3A_350, %while3A_355 : i32
    %while3A_357 = arith.constant 1 : i32
    scf.for %while3A_359 = %while3A_350 to %while3A_356 step %while3A_357  : i32 {
      %mul3A_360 = arith.constant 16 : i32
      %mul3A_361 = arith.muli %while3A_359, %mul3A_360 : i32
      %add3A_362 = vector.broadcast %mul3A_361 : i32 to vector<16xi32>
      %add3A_363 = arith.addi %add3A_362, %iota3A : vector<16xi32>
      %add3A_364 = vector.broadcast %reduce_max3A_320 : i32 to vector<16xi32>
      %add3A_365 = arith.addi %add3A_364, %add3A_363 : vector<16xi32>
      %gather3A_366 = tpu.vector_load_idx %arg14[%add3A_365] : memref<16400xi32, #tpu.memory_space<vmem>>[vector<16xi32>], vector<16xi32>,
      %lt3A_367 = arith.cmpi slt, %add3A_363, %gather3A_303 : vector<16xi32>
      %shift_right_logical3A = arith.constant 16 : i32
      %shift_right_logical3A_368 = vector.broadcast %shift_right_logical3A : i32 to vector<16xi32>
      %shift_right_logical3A_369 = arith.shrui %gather3A_366, %shift_right_logical3A_368 : vector<16xi32>
      %and3A_370 = arith.constant 65535 : i32
      %and3A_371 = vector.broadcast %and3A_370 : i32 to vector<16xi32>
      %and3A_372 = arith.andi %gather3A_366, %and3A_371 : vector<16xi32>
      %gather3A_373 = tpu.vector_load_idx %arg26[%shift_right_logical3A_369] masked %lt3A_367 : memref<64xf32, #tpu.memory_space<vmem>>[vector<16xi32>], vector<16xf32>, vector<16xi1>
      tpu.vector_store_idx %arg24[%and3A_372], %gather3A_373 masked %lt3A_367 : memref<16384xf32, #tpu.memory_space<vmem>>[vector<16xi32>], vector<16xf32>, vector<16xi1>
    }
    %while3A_358 = arith.constant 1 : i32
    scf.for %while3A_359 = %while3A_356 to %while3A_352 step %while3A_358  : i32 {
      %mul3A_360 = arith.constant 16 : i32
      %mul3A_361 = arith.muli %while3A_359, %mul3A_360 : i32
      %add3A_362 = vector.broadcast %mul3A_361 : i32 to vector<16xi32>
      %add3A_363 = arith.addi %add3A_362, %iota3A : vector<16xi32>
      %add3A_364 = vector.broadcast %reduce_max3A_320 : i32 to vector<16xi32>
      %add3A_365 = arith.addi %add3A_364, %add3A_363 : vector<16xi32>
      %gather3A_366 = tpu.vector_load_idx %arg14[%add3A_365] : memref<16400xi32, #tpu.memory_space<vmem>>[vector<16xi32>], vector<16xi32>,
      %lt3A_367 = arith.cmpi slt, %add3A_363, %gather3A_303 : vector<16xi32>
      %shift_right_logical3A = arith.constant 16 : i32
      %shift_right_logical3A_368 = vector.broadcast %shift_right_logical3A : i32 to vector<16xi32>
      %shift_right_logical3A_369 = arith.shrui %gather3A_366, %shift_right_logical3A_368 : vector<16xi32>
      %and3A_370 = arith.constant 65535 : i32
      %and3A_371 = vector.broadcast %and3A_370 : i32 to vector<16xi32>
      %and3A_372 = arith.andi %gather3A_366, %and3A_371 : vector<16xi32>
      %gather3A_373 = tpu.vector_load_idx %arg26[%shift_right_logical3A_369] masked %lt3A_367 : memref<64xf32, #tpu.memory_space<vmem>>[vector<16xi32>], vector<16xf32>, vector<16xi1>
      tpu.vector_store_idx %arg24[%and3A_372], %gather3A_373 masked %lt3A_367 : memref<16384xf32, #tpu.memory_space<vmem>>[vector<16xi32>], vector<16xf32>, vector<16xi1>
    }
    "tpu.region"() ({
      %run_scoped3A = tpu.sem_alloc : memref<!tpu.dma_semaphore, #tpu.memory_space<semaphore_mem>>
      %dma_start3A_359 = arith.constant 0 : i32
      %dma_start3A_360 = tpu.memref_slice %arg5[%select_n3A_258, %select_n3A_274, %dma_start3A_359] : memref<8x8x16384xf32, #tpu.memory_space<hbm>> -> memref<1x1x16384xf32, #tpu.memory_space<hbm>>
      %dma_start3A_361 = tpu.memref_squeeze %dma_start3A_360 : memref<1x1x16384xf32, #tpu.memory_space<hbm>> -> memref<16384xf32, #tpu.memory_space<hbm>>
      %dma_start3A_362 = arith.constant 0 : i32
      %dma_start3A_363 = tpu.memref_slice %arg5[%select_n3A_258, %select_n3A_274, %dma_start3A_362] : memref<8x8x16384xf32, #tpu.memory_space<hbm>> -> memref<1x1x16384xf32, #tpu.memory_space<hbm>>
      %dma_start3A_364 = tpu.memref_squeeze %dma_start3A_363 : memref<1x1x16384xf32, #tpu.memory_space<hbm>> -> memref<16384xf32, #tpu.memory_space<hbm>>
      tpu.enqueue_dma source(%arg24 : memref<16384xf32, #tpu.memory_space<vmem>>) target(%dma_start3A_364 : memref<16384xf32, #tpu.memory_space<hbm>>) target_semaphore(%run_scoped3A : memref<!tpu.dma_semaphore, #tpu.memory_space<semaphore_mem>>)
      %dma_wait3A = arith.constant 0 : i32
      %dma_wait3A_365 = tpu.memref_slice %arg5[%select_n3A_258, %select_n3A_274, %dma_wait3A] : memref<8x8x16384xf32, #tpu.memory_space<hbm>> -> memref<1x1x16384xf32, #tpu.memory_space<hbm>>
      %dma_wait3A_366 = tpu.memref_squeeze %dma_wait3A_365 : memref<1x1x16384xf32, #tpu.memory_space<hbm>> -> memref<16384xf32, #tpu.memory_space<hbm>>
      %dma_wait3A_367 = arith.constant 0 : i32
      %dma_wait3A_368 = tpu.memref_slice %arg5[%select_n3A_258, %select_n3A_274, %dma_wait3A_367] : memref<8x8x16384xf32, #tpu.memory_space<hbm>> -> memref<1x1x16384xf32, #tpu.memory_space<hbm>>
      %dma_wait3A_369 = tpu.memref_squeeze %dma_wait3A_368 : memref<1x1x16384xf32, #tpu.memory_space<hbm>> -> memref<16384xf32, #tpu.memory_space<hbm>>
      tpu.wait_dma2 semaphore(%run_scoped3A : memref<!tpu.dma_semaphore, #tpu.memory_space<semaphore_mem>>) src(%arg24 : memref<16384xf32, #tpu.memory_space<vmem>>) dst(%dma_wait3A_369 : memref<16384xf32, #tpu.memory_space<hbm>>)
      tpu.yield
    }) : () -> ()
    return
  }
}

</mosaic_0001>

<sc_bundles>
// kernel: kernel.3.cloned.1.call-start
scs
__scs_entry_jumppad:
0x0: {  	(pc) =	sbr.rel $0x88, $3  }
0x1: {  	(tag) =	ssettag $0x0;
	lr =	simm.s32 $0x1  }
0x2: {  	[smem:$0x3F9F] =	sst lr;
	_ =	strace $0xD0000000  }
0x3: {  	_ = 	snop  }
0x4: {  	_ = 	snop  }
0x5: {  	_ = 	snop  }
0x6: {  	_ = 	snop  }
0x7: {  	_ = 	snop  }
__scs_overlays_trampoline_lowered:
0x8: {  	[smem:$0x3FAE] =	sst s0  }
0x9: {  	[smem:$0x3FAF] =	sst s1  }
0xa: {  	[smem:$0x3FB0] =	sst s2  }
0xb: {  	[smem:$0x3FB1] =	sst s3  }
0xc: {  	[smem:$0x3FB2] =	sst s4  }
0xd: {  	[smem:$0x3FB3] =	sst s5  }
0xe: {  	[smem:$0x3FB4] =	sst s6  }
0xf: {  	[smem:$0x3FB5] =	sst s7  }
0x10: {  	[smem:$0x3FB6] =	sst s8  }
0x11: {  	[smem:$0x3FB7] =	sst s9;
	s0 =	simm.s32 @!p0 $0x0  }
0x12: {  	s1 =	sld [smem:$0x3F9D];
	s0 =	simm.s32 @p0 $0x1  }
0x13: {  	[smem:$0x3FB8] =	sst s0;
	s0 =	simm.s32 @!p1 $0x0  }
0x14: {  	s2 =	sld [smem:$0x3F9C];
	s0 =	simm.s32 @p1 $0x1  }
0x15: {  	[smem:$0x3FB9] =	sst s0;
	s0 =	simm.s32 @!p2 $0x0  }
0x16: {  	s3 =	sld [smem:$0x3FDB];
	s0 =	simm.s32 @p2 $0x1  }
0x17: {  	s4 =	simm.s32 $0x1BF5;
	[smem:$0x3FBB] =	sst s0  }
0x18: {  	s0 =	sld [smem:$0x3F9E];
	_ =	swait.ge [sflag:s4], $0x0  }
0x19: {  	s7 =	sld [smem:$0x3F9F]  }
0x1a: {  	s8 =	sadd.s32 $0xFFFFE003, lr  }
0x1b: {  	s9 =	sadd.s32 $0xFFFFFEF7, lr;
	s5 =	simm.s32 $0xFFFFFFFF;
	p2 =	slt.u32 s8, $0xFFFFF086  }
0x1c: {  	p1 =	slt.u32 s9, $0xF7A;
	s5 =	simm.s32 @!p2 $0x0  }
0x1d: {  	s5 =	simm.s32 @p1 $0x1;
	p0 =	seq.s32 s7, s2  }
0x1e: {  	s7 =	smul.u32 @!p0 $0xF7A, s2;
	p2 =	seq.s32 @!p0 s5, $0x0  }
0x1f: {  	s9 =	smul.u32 $0xF7A, s1;
	s8 =	simm.s32 @!p0 $0x1BF5;
	p2 =	por !p2, p0  }
0x20: {  	[sflag:s8] =	ssyncset.s32 @!p0 $0xFFFFF086;
	s6 =	sadd.s32 @!p0 s3, s7;
	s7 =	simm.s32 @!p0 $0x108  }
0x21: {  	s3 =	sadd.s32 s3, s9;
	s6 =	sadd.s32 @!p0 $0x88, s6;
	s7 =	simm.s32 @p2 $0x1082  }
0x22: {  	[simem:s7], [sflag:s8] =	dma.local @!p0 [hbm:s6], $0xF7A  }
0x23: {  	s9 =	sor.u32 $0xD0000000, s2;
	s6 =	simm.s32 $0x108;
	_ =	swait.ge @!p0 [sflag:s8], $0x0  }
0x24: {  	s3 =	sadd.s32 $0x88, s3;
	s6 =	simm.s32 @!p1 $0x1082;
	[sflag:s4] =	ssyncset.s32 $0xFFFFF086  }
0x25: {  	[simem:s6], [sflag:s4] =	dma.local [hbm:s3], $0xF7A  }
0x26: {  	[smem:$0x3F9F] =	sst s1;
	(tag) =	ssettag s2;
	_ =	strace s9  }
0x27: {  	s1 =	sld [smem:$0x3FAF]  }
0x28: {  	s2 =	sld [smem:$0x3FB0]  }
0x29: {  	s4 =	sld [smem:$0x3FB2]  }
0x2a: {  	p0 =	seq.s32 s5, $0x0;
	s5 =	sld [smem:$0x3FB3]  }
0x2b: {  	s6 =	sld [smem:$0x3FB4]  }
0x2c: {  	s7 =	sld [smem:$0x3FB5]  }
0x2d: {  	s3 =	simm.s32 $0x108;
	s8 =	sld [smem:$0x3FB6]  }
0x2e: {  	s3 =	simm.s32 @!p0 $0x1082;
	s9 =	sld [smem:$0x3FB7]  }
0x2f: {  	lr =	sadd.s32 s0, s3;
	s0 =	sld [smem:$0x3FAE]  }
0x30: {  	s3 =	sld [smem:$0x3FB1]  }
0x31: {  	[smem:$0x3FBA] =	sst s10  }
0x32: {  	s10 =	sld [smem:$0x3FB8];
	_ =	sdelay $0x3  }
0x33: {  	p0 =	seq.s32 s10, $0x1;
	s10 =	sld [smem:$0x3FBA];
	_ =	sdelay $0x3  }
0x34: {  	[smem:$0x3FBA] =	sst s10  }
0x35: {  	s10 =	sld [smem:$0x3FB9];
	_ =	sdelay $0x3  }
0x36: {  	p1 =	seq.s32 s10, $0x1;
	s10 =	sld [smem:$0x3FBA];
	_ =	sdelay $0x3  }
0x37: {  	[smem:$0x3FBA] =	sst s10  }
0x38: {  	s10 =	sld [smem:$0x3FBB]  }
0x39: {  	_ = 	snop;
	(pc) =	sbr.ind lr, $3  }
0x3a: {  	_ = 	snop  }
0x3b: {  	_ = 	snop  }
0x3c: {  	p2 =	seq.s32 s10, $0x1;
	s10 =	sld [smem:$0x3FBA]  }
0x3d: {  	_ =	shalt  }
0x3e: {  	_ =	shalt  }
0x3f: {  	_ =	shalt  }
0x40: {  	_ =	shalt  }
0x41: {  	_ =	shalt  }
0x42: {  	_ =	shalt  }
0x43: {  	_ =	shalt  }
0x44: {  	_ =	shalt  }
0x45: {  	_ =	shalt  }
0x46: {  	_ =	shalt  }
0x47: {  	_ =	shalt  }
0x48: {  	_ =	shalt  }
0x49: {  	_ =	shalt  }
0x4a: {  	_ =	shalt  }
0x4b: {  	_ =	shalt  }
0x4c: {  	_ =	shalt  }
0x4d: {  	_ =	shalt  }
0x4e: {  	_ =	shalt  }
0x4f: {  	_ =	shalt  }
0x50: {  	_ =	shalt  }
0x51: {  	_ =	shalt  }
0x52: {  	_ =	shalt  }
0x53: {  	_ =	shalt  }
0x54: {  	_ =	shalt  }
0x55: {  	_ =	shalt  }
0x56: {  	_ =	shalt  }
0x57: {  	_ =	shalt  }
0x58: {  	_ =	shalt  }
0x59: {  	_ =	shalt  }
0x5a: {  	_ =	shalt  }
0x5b: {  	_ =	shalt  }
0x5c: {  	_ =	shalt  }
0x5d: {  	_ =	shalt  }
0x5e: {  	_ =	shalt  }
0x5f: {  	_ =	shalt  }
0x60: {  	_ =	shalt  }
0x61: {  	_ =	shalt  }
0x62: {  	_ =	shalt  }
0x63: {  	_ =	shalt  }
0x64: {  	_ =	shalt  }
0x65: {  	_ =	shalt  }
0x66: {  	_ =	shalt  }
0x67: {  	_ =	shalt  }
0x68: {  	_ =	shalt  }
0x69: {  	_ =	shalt  }
0x6a: {  	_ =	shalt  }
0x6b: {  	_ =	shalt  }
0x6c: {  	_ =	shalt  }
0x6d: {  	_ =	shalt  }
0x6e: {  	_ =	shalt  }
0x6f: {  	_ =	shalt  }
0x70: {  	_ =	shalt  }
0x71: {  	_ =	shalt  }
0x72: {  	_ =	shalt  }
0x73: {  	_ =	shalt  }
0x74: {  	_ =	shalt  }
0x75: {  	_ =	shalt  }
0x76: {  	_ =	shalt  }
0x77: {  	_ =	shalt  }
0x78: {  	_ =	shalt  }
0x79: {  	_ =	shalt  }
0x7a: {  	_ =	shalt  }
0x7b: {  	_ =	shalt  }
0x7c: {  	_ =	shalt  }
0x7d: {  	_ =	shalt  }
0x7e: {  	_ =	shalt  }
0x7f: {  	_ =	shalt  }
0x80: {  	_ =	shalt  }
0x81: {  	_ =	shalt  }
0x82: {  	_ =	shalt  }
0x83: {  	_ =	shalt  }
0x84: {  	_ =	shalt  }
0x85: {  	_ =	shalt  }
0x86: {  	_ =	shalt  }
0x87: {  	_ =	shalt  }
.Lfunc_end0:
.L_simem_size_0:
called_computation_lowered:
.L_overlay_start_0:
0x88: {  	s2 =	sld [smem:$0x3FD9]  }
0x89: {  	s3 =	sld [smem:$0x3FFE];
	_ =	sdelay $0x1  }
0x8a: {  	s1 =	srdreg.scid  }
0x8b: {  	s0 =	sand.u32 $0x1, s1  }
0x8c: {  	s17 =	sshll.u32 s0, $0xA;
	s2 =	sadd.s32 s3, s2  }
0x8d: {  	s2 =	sadd.s32 s2, s17  }
0x8e: {  	[smem:$0x3FC6] =	sst s2  }
0x8f: {  	_ = 	snop  }
0x90: {  	s2 =	sld [smem:$0x3FC8]  }
0x91: {  	s18 =	sld [smem:$0x3FD0];
	(tm) =	ssettm $0x1  }
0x92: {  	s4 =	sld [smem:$0x3FFB];
	_ =	sdelay $0x3  }
0x93: {  	_ =	strace s4  }
0x94: {  	s4 =	sld [smem:$0x3FFC];
	_ =	sdelay $0x3  }
0x95: {  	_ =	strace s4  }
0x96: {  	s4 =	sld [smem:$0x3FFD];
	_ =	sdelay $0x3  }
0x97: {  	_ =	strace s4  }
0x98: {  	_ =	strace $0x8FFFFFFF  }
0x99: {  	s19 =	sld [smem:$0x3FDB];
	_ =	sdelay $0x1  }
0x9a: {  	s5 =	simm.s32 $_scs_section_size  }
0x9b: {  	s6 =	simm.s32 $_size__tile_overlayer_lowered;
	s7 =	simm.s32 $_tile_overlayer_lowered  }
0x9c: {  	s22 =	simm.s32 $0x1BFF;
	s21 =	sshll.u32 s7, $0x1;
	s4 =	sadd.s32 s5, s19  }
0x9d: {  	s8 =	simm.s32 $0x0;
	s20 =	sshll.u32 s6, $0x1;
	s6 =	sadd.s32 s21, s4  }
0x9e: {  	[timem:s8], [sflag:s22] =	dma.local [hbm:s6], s20  }
0x9f: {  	_ =	swait.ge [sflag:s22], s20  }
0xa0: {  	s5 =	ssub.s32 $0x0, s20;
	[sflag:s22] =	ssyncset.done $0x0  }
0xa1: {  	[sflag:s22] =	ssyncadd.s32 s5;
	_ =	sdelay $0x1  }
0xa2: {  	s23 =	simm.s32 $0x1B8B  }
0xa3: {  	_ =	swait.ge [sflag:s23], $0x1  }
0xa4: {  	[sflag:s23] =	ssyncset.done $0x0  }
0xa5: {  	s25 =	simm.s32 $0x1B8E;
	s24 =	sld [smem:$0x3FFE];
	[sflag:s23] =	ssyncadd.s32 $0xFFFFFFFF  }
0xa6: {  	s26 =	simm.s32 $execute0_lowered;
	[smem:$0x3FD2] =	sst s25  }
0xa7: {  	s6 =	sshll.u32 s26, $0x1;
	_ =	strace $0x80000046;
	[dreg:$0x1] =	wrdreg $0xFFFFFFFF  }
0xa8: {  	s28 =	simm.s32 $_size_execute0_lowered;
	s4 =	sadd.s32 s4, s6;
	[dreg:$0x0] =	wrdreg $0x0  }
0xa9: {  	s6 =	sshll.u32 s28, $0x1;
	[dreg:$0x2] =	wrdreg s4  }
0xaa: {  	[dreg:$0x3] =	wrdreg s6  }
0xab: {  	[dreg:$0x4] =	wrdreg $0xC0  }
0xac: {  	_ =	task [dreg:s8], $0x5FFFF  }
0xad: {  	[dreg:$0x1] =	wrdreg $0xFFFFFFFF  }
0xae: {  	[dreg:$0x0] =	wrdreg $0x60  }
0xaf: {  	[dreg:$0x2] =	wrdreg s24  }
0xb0: {  	[dreg:$0x3] =	wrdreg s2  }
0xb1: {  	[dreg:$0x4] =	wrdreg s18  }
0xb2: {  	[dreg:$0x5] =	wrdreg $0x1E4080  }
0xb3: {  	[dreg:$0x6] =	wrdreg $0x1E0000  }
0xb4: {  	[dreg:$0x7] =	wrdreg $0x9  }
0xb5: {  	_ =	task.clear_ibuf [dreg:s8], $0x8FFFF;
	_ =	strace $0x90000046  }
0xb6: {  	s29 =	simm.s32 $0x9;
	_ =	strace $0x80000048  }
0xb7: {  	_ =	swait.ge [sflag:s29], $0x1  }
0xb8: {  	[sflag:s29] =	ssyncadd.s32 $0xFFFFFFFF  }
0xb9: {  	_ =	strace $0x90000048  }
0xba: {  	_ =	sfence  }
0xbb: {  	s30 =	sld [smem:$0x0];
	_ =	sdelay $0x2  }
0xbc: {  	s31 =	sshll.u32 s1, $0xD;
	s1 =	sshrl.u32 s1, $0x2  }
0xbd: {  	s3 =	sand.u32 $0x4000, s31;
	s1 =	sadd.s32 s1, s30  }
0xbe: {  	s0 =	sor.u32 s3, s0;
	s1 =	sshll.u32 s1, $0x11  }
0xbf: {  	s0 =	sor.u32 s1, s0  }
0xc0: {  	s0 =	sadd.s32 $0x8F2B, s0  }
0xc1: {  	[sflag:s0] =	ssyncadd.remote.s32 $0x1  }
0xc2: {  	_ =	sfence.sel $0xFFFF  }
0xc3: {  	[dreg:$0x0] =	wrdreg $0xFFFFFFFF;
	(pc) =	sbr.abs _section_cstart, $3  }
0xc4: {  	[dreg:$0x1] =	wrdreg $0xFFFFFFFF  }
0xc5: {  	_ =	task.clear_ibuf [dreg:s8], $0x2FFFF;
	_ =	strace $0x9FFFFFFF  }
0xc6: {  	(tm) =	ssettm $0x7FFFFFFF  }
0xc7: {  	_ =	shalt  }
tec
execute0_lowered:
.L_overlay_start_1:
0x0: {  	(tag) =	ssettag $0x1  }
0x1: {  	s0 =	rddreg [dreg:$0x0]  }
0x2: {  	s2 =	rddreg [dreg:$0x1]  }
0x3: {  	s1 =	srdreg.scid;
	s4 =	rddreg [dreg:$0x2]  }
0x4: {  	s14 =	stileid.u32;
	s15 =	rddreg [dreg:$0x3];
	s8 =	simm.s32 $0x0  }
0x5: {  	s7 =	simm.s32 $0x1;
	s28 =	simm.s32 $0x5400;
	s29 =	simm.s32 $0x5700  }
0x6: {  	s30 =	simm.s32 $0x5780;
	s31 =	simm.s32 $0x5800;
	s1 =	sand.u32 $0x1, s1  }
0x7: {  	s5 =	sshll.u32 s14, $0x1;
	[smem:$0x7FF] =	sst s8;
	s9 =	sshll.u32 s14, $0x7  }
0x8: {  	s25 =	sshll.u32 s14, $0x8;
	s3 =	sshll.u32 s1, $0x5;
	s1 =	ssub.s32 $0x2, s1  }
0x9: {  	s9 =	sadd.s32 s9, s0;
	s0 =	sadd.s32 $0x400, s0;
	s26 =	sand.u32 $0x300, s25  }
0xa: {  	s6 =	sor.u32 s5, s3;
	s5 =	sand.u32 $0x6, s5;
	s3 =	rddreg [dreg:$0x4]  }
0xb: {  	_ =	strace $0x80000047;
	s11 =	sshrl.u32 s1, $0x1;
	s9 =	sadd.s32 $0x800, s9  }
0xc: {  	p0 =	seq.s32 s6, $0x0;
	p1 =	sne.s32 s5, $0x0;
	s24 =	sshrl.u32 s6, $0x3  }
0xd: {  	s12 =	sshll.u32 s5, $0x7;
	s1 =	ssub.s32 s1, s11;
	s6 =	sshll.u32 s6, $0x7  }
0xe: {  	s11 =	sor.u32 $0x80, s26;
	s5 =	sshll.u32 s14, $0xA;
	p0 =	por !p0, !p1  }
0xf: {  	[dreg:$0x9] =	wrdreg s9;
	s9 =	simm.s32 $0x13280;
	p0 =	por !p0, !p0  }
0x10: {  	s6 =	sand.u32 $0x1C00, s6;
	s20 =	smul.u32 $0x7A1400, s24;
	s7 =	simm.s32 @!p0 $0x0  }
0x11: {  	s22 =	sshll.u32 s24, $0x11;
	[dreg:$0x8] =	wrdreg s5;
	s7 =	ssub.s32 s24, s7  }
0x12: {  	s10 =	smul.u32 $0x7A1400, s7;
	s19 =	sshll.u32 s7, $0x11;
	s7 =	sor.u32 s11, s20  }
0x13: {  	s20 =	simm.s32 $0xC600;
	s21 =	sor.u32 s12, s19;
	s23 =	sshrl.u32 s7, $0x3  }
0x14: {  	s19 =	simm.s32 $0x5980;
	s7 =	simm.s32 $0x1380;
	s10 =	sor.u32 s12, s10  }
0x15: {  	s25 =	sadd.s32 s2, s23;
	s23 =	simm.s32 $0x1DF80;
	s10 =	sshrl.u32 s10, $0x3  }
0x16: {  	s12 =	simm.s32 $0x3;
	[dreg:$0xe] =	wrdreg s25;
	s17 =	sadd.s32 s2, s10  }
0x17: {  	s10 =	sor.u32 s26, s6;
	s6 =	sor.u32 s11, s6;
	s26 =	smax.u32 s1, $0x1  }
0x18: {  	s2 =	simm.s32 $0x5880;
	s13 =	sadd.s32 $0x6C80, s17;
	[dreg:$0x10] =	wrdreg s26  }
0x19: {  	s10 =	sshrl.u32 s10, $0x3;
	s6 =	sshrl.u32 s6, $0x3;
	[dreg:$0x6] =	wrdreg s17  }
0x1a: {  	s26 =	simm.s32 $0x5900;
	[dreg:$0x7] =	wrdreg s13;
	s13 =	smul.u32 $0xC0, s14  }
0x1b: {  	s16 =	sadd.s32 s0, s10;
	s0 =	sadd.s32 s0, s6;
	s6 =	sor.u32 s11, s22  }
0x1c: {  	s22 =	simm.s32 $0x1DF00;
	s10 =	simm.s32 $0x19F00;
	[dreg:$0xa] =	wrdreg s16  }
0x1d: {  	v1 =	vimm.s32 $0x240;
	vm0 =	vcmask $0x300;
	s11 =	simm.s32 $0x2;
	[dreg:$0xb] =	wrdreg s0;
	s6 =	sshrl.u32 s6, $0x3  }
.Ltmp0:
0x1e: {  	v0 =	vlaneseq.u32;
	v2 =	vsel vm0, $0x200, v1;
	vm0 =	vcmask $0x704;
	s18 =	sshrl.u32 s13, $0x2;
	s24 =	sadd.s32 s4, s6;
	(pc) =	sbr.rel .LBB2_1-.Ltmp0, $4  }
0x1f: {  	v1 =	vmul.u32 $0x10, v0;
	v2 =	vsel vm0, $0x210, v2;
	vm0 =	vcmask $0xB08;
	s6 =	simm.s32 $0x80;
	s0 =	sadd.s32 s18, s15;
	[dreg:$0xf] =	wrdreg s24  }
0x20: {  	v6 =	vimm.s32 $0x24;
	v5 =	vmov s14;
	v4 =	vsel vm0, $0x220, v2;
	s18 =	simm.s32 $0x400;
	[dreg:$0xc] =	wrdreg s0;
	s0 =	sshrl.u32 s21, $0x3  }
0x21: {  	vm0 =	vcmask $0xF0C;
	v2 =	vimm.s32 $0x0;
	v3 =	vor.u32 $0x100, v1;
	s24 =	simm.s32 $0x880;
	s21 =	simm.s32 $0x4;
	s0 =	sadd.s32 s4, s0  }
0x22: {  	v4 =	vsel vm0, $0x230, v4;
	vm0 =	vgt.u32 v5, v0;
	v5 =	vmul.u32 $0x30, v0;
	s4 =	simm.s32 $0x0;
	[dreg:$0xd] =	wrdreg s0;
	s0 =	simm.s32 $0x10  }
.LBB2_73:
0x23: {  	_ = 	snop  }
.LBB2_76:
0x24: {  	_ = 	snop  }
0x25: {  	v8 =	vadd.s32 v8, v9;
	_ =	sdelay $0x3  }
0x26: {  	[tilespmem:v11+s10+$0x0] =	vst.idx.msk @p0 vm1, v10  }
0x27: {  	v8 =	vld.idx.msk [tilespmem:v8+s7+$0x0], $0xffff;
	_ =	sdelay $0x3  }
0x28: {  	vm1 =	vlt.s32 v9, v7  }
0x29: {  	v7 =	vshrl.u32 v8, $0x10;
	_ =	sdelay $0x4  }
0x2a: {  	v8 =	vand.u32 $0xFFFF, v8;
	v7 =	vld.idx.msk [tilespmem:v7+s23+$0x0], vm1;
	_ =	sdelay $0x4  }
0x2b: {  	s4 =	rddreg [dreg:$0x11];
	[tilespmem:v8+s10+$0x0] =	vst.idx.msk vm1, v7  }
.LBB2_77:
0x2c: {  	s1 =	rddreg [dreg:$0xf]  }
0x2d: {  	[hbm4b:s1+s6] =	stream.strided.scatter [tilespmem:s10], [sflag:$0x4], $0x4000, s18, s6, $0x38;
	[tilespmem:$0x1E438] =	vst v63  }
0x2e: {  	_ =	swait.ge [sflag:s21], $0x4000  }
0x2f: {  	s4 =	sadd.s32 $0x1, s4;
	s25 =	rddreg [dreg:$0x10]  }
0x30: {  	p0 =	sne.s32 s4, s25  }
.Ltmp1:
0x31: {  	_ = 	snop;
	(pc) =	sbr.rel @!p0 .LBB2_78-.Ltmp1, $3  }
0x32: {  	_ =	sdelay $0x1  }
0x33: {  	[sflag:s21] =	ssyncset.done $0x0  }
0x34: {  	s5 =	rddreg [dreg:$0x8];
	[sflag:s21] =	ssyncadd.s32 $0xFFFFC000  }
.LBB2_1:
0x35: {  	[dreg:$0x11] =	wrdreg s4  }
0x36: {  	[tilespmem:s19], [sflag:$0x1] =	stream.strided.gather [hbm4b:s17+s6], $0x6C80, s18, s6, $0x38;
	[tilespmem:$0x1E438] =	vst v63  }
0x37: {  	s1 =	rddreg [dreg:$0x7]  }
0x38: {  	[tilespmem:s20], [sflag:$0x2] =	stream.strided.gather [hbm4b:s1+s6], $0x6C80, s18, s6, $0x38;
	[tilespmem:$0x1E438] =	vst v63  }
0x39: {  	s15 =	simm.s32 $0x0;
	s16 =	rddreg [dreg:$0x9]  }
0x3a: {  	[tilespmem:s15], [sflag:$0x4] =	stream.linear.gather [hbm4b:s16+s15], $0x400, $0x38;
	[tilespmem:$0x1E438] =	vst v63  }
0x3b: {  	_ =	swait.ge [sflag:s21], $0x400  }
0x3c: {  	[sflag:s21] =	ssyncset.done $0x0  }
0x3d: {  	s17 =	rddreg [dreg:$0xa];
	[sflag:s21] =	ssyncadd.s32 $0xFFFFFC00  }
0x3e: {  	[tilespmem:s22], [sflag:$0x4] =	stream.linear.gather [hbm4b:s17+s15], $0x80, $0x38;
	[tilespmem:$0x1E438] =	vst v63  }
0x3f: {  	_ =	swait.ge [sflag:s21], $0x80  }
0x40: {  	[sflag:s21] =	ssyncset.done $0x0  }
0x41: {  	s25 =	rddreg [dreg:$0xb];
	[sflag:s21] =	ssyncadd.s32 $0xFFFFFF80  }
0x42: {  	[tilespmem:s23], [sflag:$0x4] =	stream.linear.gather [hbm4b:s25+s15], $0x80, $0x38;
	[tilespmem:$0x1E438] =	vst v63  }
0x43: {  	_ =	swait.ge [sflag:s21], $0x80  }
0x44: {  	[sflag:s21] =	ssyncset.done $0x0  }
0x45: {  	s4 =	simm.s32 $0x0;
	s1 =	simm.s32 $0x0;
	[sflag:s21] =	ssyncadd.s32 $0xFFFFFF80  }
.LBB2_2:
0x46: {  	s6 =	smul.u32 $0x21E80, s1;
	s8 =	simm.s32 $0x0  }
0x47: {  	v10 =	vld [tilespmem:s8+$0x0]  }
0x48: {  	v8 =	vmov s6  }
0x49: {  	vm1 =	vlt.s32 v8, $0xD23C0  }
0x4a: {  	v7 =	vnsel vm1, $0xD23C0, v8  }
0x4b: {  	v9 =	vadd.s32 $0x21E80, v7  }
0x4c: {  	vm1 =	vge.s32 v10, v8;
	vm2 =	vlt.s32 v10, v9  }
0x4d: {  	vm1 =	vmand vm1, vm2  }
0x4e: {  	v7 =	vsel vm1, $0x1, v2  }
0x4f: {  	(xrf0) =	vadd.scan.msk.s32 $0xffff, v7;
	_ =	sdelay $0x5  }
0x50: {  	v11, _, _ =	vpop (xrf0)  }
0x51: {  	v12 =	vxor.u32 $0x80000000, v11  }
0x52: {  	v7 =	vmov s4;
	(xrf0) =	vmax.scan.msk.u32 $0xffff, v12  }
0x53: {  	v13 =	vadd.s32 $0xFFFFFFFF, v7  }
0x54: {  	v62 =	vbroadcast v13, $0x0;
	_ =	sdelay $0x1  }
0x55: {  	v11 =	vadd.s32 v11, v62  }
0x56: {  	v10 =	vsub.s32 v10, v8  }
0x57: {  	v10 =	vshll.u32 v10, $0xE;
	v63, _, _ =	vpop (xrf0)  }
0x58: {  	v10 =	vadd.s32 s5, v10;
	(v2sf) =	vpush v63, $0xF  }
0x59: {  	s14 =	simm.s32 $0x10;
	v10 =	vadd.s32 v0, v10  }
0x5a: {  	s13 =	simm.s32 $0x80;
	s8 =	smov.u32 s5;
	s6 =	smov.u32 s4;
	[tilespmem:v11+s24+$0x0] =	vst.idx.msk vm1, v10  }
.LBB2_3:
0x5b: {  	p0 =	sne.s32 s13, $0xFC0;
	v10 =	vld [tilespmem:s14+$0x0];
	_ =	sdelay $0x4  }
0x5c: {  	vm1 =	vge.s32 v10, v8;
	vm2 =	vlt.s32 v10, v9;
	v10 =	vsub.s32 v10, v8  }
0x5d: {  	vm1 =	vmand vm1, vm2  }
0x5e: {  	v11 =	vsel vm1, $0x1, v2  }
0x5f: {  	(xrf0) =	vadd.scan.msk.s32 $0xffff, v11;
	_ =	sdelay $0x3  }
0x60: {  	s14 =	spop (v2sf)  }
0x61: {  	s6 =	sadd.s32 s14, s6  }
0x62: {  	v11, _, _ =	vpop (xrf0);
	s6 =	sadd.s32 $0x80000000, s6  }
0x63: {  	v12 =	vmov s6;
	v13 =	vxor.u32 $0x80000000, v11  }
0x64: {  	v12 =	vadd.s32 $0xFFFFFFFF, v12;
	(xrf0) =	vmax.scan.msk.u32 $0xffff, v13  }
0x65: {  	v12 =	vbroadcast v12, $0x0;
	_ =	sdelay $0x1  }
0x66: {  	v11 =	vadd.s32 v11, v12;
	_ =	sdelay $0x1  }
.Ltmp2:
0x67: {  	s8 =	sadd.s32 $0x10, s8;
	v10 =	vshll.u32 v10, $0xE;
	(pc) =	sbr.rel @p0 .LBB2_3-.Ltmp2, $4  }
0x68: {  	v10 =	vadd.s32 s8, v10;
	v12, _, _ =	vpop (xrf0)  }
0x69: {  	v10 =	vadd.s32 v0, v10;
	(v2sf) =	vpush v12, $0xF  }
0x6a: {  	[tilespmem:v11+s24+$0x0] =	vst.idx.msk vm1, v10  }
0x6b: {  	s14 =	sshra.s32 s13, $0x2;
	s13 =	sadd.s32 $0x40, s13  }
0x6c: {  	v10 =	vld [tilespmem:s14+$0x0];
	_ =	sdelay $0x4  }
0x6d: {  	vm1 =	vge.s32 v10, v8;
	vm2 =	vlt.s32 v10, v9  }
0x6e: {  	vm1 =	vmand vm1, vm2  }
0x6f: {  	v62 =	vsel vm1, $0x1, v2  }
0x70: {  	(xrf0) =	vadd.scan.msk.s32 $0xffff, v62;
	_ =	sdelay $0x5  }
0x71: {  	v9, _, _ =	vpop (xrf0)  }
0x72: {  	v11 =	vxor.u32 $0x80000000, v9  }
0x73: {  	(xrf0) =	vmax.scan.msk.u32 $0xffff, v11;
	_ =	sdelay $0x5  }
0x74: {  	v11, _, _ =	vpop (xrf0)  }
0x75: {  	(v2sf) =	vpush v11, $0xF;
	_ =	sdelay $0x5  }
0x76: {  	s13 =	spop (v2sf)  }
0x77: {  	s6 =	sadd.s32 s13, s6  }
0x78: {  	s6 =	sadd.s32 $0x80000000, s6  }
0x79: {  	v63 =	vmov s6  }
0x7a: {  	v11 =	vadd.s32 $0xFFFFFFFF, v63  }
0x7b: {  	v11 =	vbroadcast v11, $0x0;
	_ =	sdelay $0x1  }
0x7c: {  	v9 =	vadd.s32 v9, v11  }
0x7d: {  	s25 =	sshll.u32 s1, $0x4;
	s1 =	sadd.s32 $0x1, s1;
	v8 =	vsub.s32 v10, v8  }
0x7e: {  	s8 =	sadd.s32 $0x10, s8;
	p0 =	sne.s32 s1, $0x8;
	v8 =	vshll.u32 v8, $0xE;
	s17 =	spop (v2sf)  }
.Ltmp3:
0x7f: {  	v8 =	vadd.s32 s8, v8;
	s6 =	sadd.s32 s17, s6;
	(pc) =	sbr.rel @p0 .LBB2_2-.Ltmp3, $4  }
0x80: {  	v8 =	vadd.s32 v0, v8;
	s6 =	sadd.s32 $0x80000000, s6  }
0x81: {  	[tilespmem:v9+s24+$0x0] =	vst.idx.msk vm1, v8;
	s4 =	ssub.s32 s6, s4  }
0x82: {  	[tilespmem:s25+$0xD80] =	vst v7;
	v8 =	vmov s4  }
0x83: {  	s4 =	smov.u32 s6;
	[tilespmem:s25+$0xD00] =	vst v8  }
.Ltmp4:
0x84: {  	(pc) =	sbr.rel .LBB2_6-.Ltmp4, $2  }
0x85: {  	_ =	sdelay $0x2  }
0x86: {  	s6 =	simm.s32 $0x0;
	s15 =	simm.s32 $0x25;
	s16 =	simm.s32 $0x0  }
.LBB2_15:
0x87: {  	s16 =	sadd.s32 $0x1, s16  }
0x88: {  	p0 =	sne.s32 s16, $0x8  }
.Ltmp5:
0x89: {  	_ = 	snop;
	(pc) =	sbr.rel @!p0 .LBB2_16-.Ltmp5, $2  }
0x8a: {  	_ =	sdelay $0x2  }
0x8b: {  	s15 =	sadd.s32 $0xFFFFFFFB, s15  }
.LBB2_6:
0x8c: {  	s1 =	sshll.u32 s16, $0x4  }
0x8d: {  	v7 =	vld [tilespmem:s1+$0xD00];
	_ =	sdelay $0x4  }
0x8e: {  	v8 =	vxor.u32 $0x80000000, v7  }
0x8f: {  	(xrf0) =	vmax.scan.msk.u32 $0xffff, v8;
	v8 =	vld [tilespmem:s1+$0xD80];
	_ =	sdelay $0x4  }
0x90: {  	v8 =	vxor.u32 $0x80000000, v8  }
0x91: {  	v9, _, _ =	vpop (xrf0);
	(xrf0) =	vmax.scan.msk.u32 $0xffff, v8  }
0x92: {  	(v2sf) =	vpush v9, $0xF;
	_ =	sdelay $0x4  }
0x93: {  	v8, _, _ =	vpop (xrf0)  }
0x94: {  	(v2sf) =	vpush v8, $0xF;
	_ =	sdelay $0x8  }
0x95: {  	s14 =	smul.u32 $0xFFFDE180, s16;
	s17 =	spop (v2sf)  }
0x96: {  	s1 =	sadd.s32 $0x8000000F, s17  }
0x97: {  	s14 =	sadd.s32 $0xF4240, s14;
	s4 =	sshra.s32 s1, $0x1F;
	s8 =	sand.u32 $0xF, s1  }
0x98: {  	p0 =	slt.s32 s1, $0x1;
	s13 =	sshrl.u32 s4, $0x1C;
	p1 =	sne.s32 s8, $0x0  }
.Ltmp6:
0x99: {  	s4 =	smin.u32 s15, $0x5;
	p0 =	por !p0, !p1;
	(pc) =	sbr.rel .LBB2_7-.Ltmp6, $4  }
0x9a: {  	s8 =	simm.s32 $0x1;
	s1 =	sadd.s32 s13, s1;
	p0 =	por !p0, !p0  }
0x9b: {  	s1 =	sshra.s32 s1, $0x4;
	s8 =	simm.s32 @!p0 $0x0;
	s17 =	spop (v2sf)  }
0x9c: {  	s13 =	ssub.s32 s1, s8;
	s25 =	sxor.u32 $0x80000000, s17;
	s1 =	smul.u32 $0x5, s16  }
0x9d: {  	v8 =	vmov s14;
	s8 =	smov.u32 s6;
	v9 =	vmov s25;
	p0 =	slt.s32 s13, $0x1;
	s25 =	simm.s32 $0x0  }
.LBB2_9:
0x9e: {  	s17 =	smov.u32 s8  }
.LBB2_13:
0x9f: {  	_ = 	snop  }
0xa0: {  	v16 =	vadd.s32 v9, v13;
	_ =	sdelay $0x1  }
0xa1: {  	v14 =	vshll.u32 @p1 v14, $0x10  }
0xa2: {  	v12 =	vor.u32 @p1 v12, v14  }
0xa3: {  	[tilespmem:v15+s18+$0x0] =	vst.idx.msk @p1 vm1, v12  }
0xa4: {  	v12 =	vld.idx.msk [tilespmem:v16+s24+$0x0], $0xffff;
	_ =	sdelay $0x4  }
0xa5: {  	v61 =	vshrl.u32 v12, $0xE  }
0xa6: {  	vm1 =	vlt.s32 v13, v7;
	vm2 =	vlt.s32 v61, v11  }
0xa7: {  	vm3 =	vge.u32 v61, v10;
	vm1 =	vmand vm1, vm2  }
0xa8: {  	vm1 =	vmand vm1, vm3  }
0xa9: {  	v11 =	vsel vm1, $0x1, v2  }
0xaa: {  	(xrf0) =	vadd.scan.msk.s32 $0xffff, v11;
	_ =	sdelay $0x2  }
0xab: {  	v11, _, _ =	vpop @p1 (xrf0)  }
0xac: {  	(v2sf) =	vpush @p1 v11, $0xF;
	_ =	sdelay $0x1  }
0xad: {  	v11, _, _ =	vpop (xrf0)  }
0xae: {  	v62 =	vxor.u32 $0x80000000, v11  }
0xaf: {  	(xrf0) =	vmax.scan.msk.u32 $0xffff, v62;
	_ =	sdelay $0x5  }
0xb0: {  	v13, _, _ =	vpop (xrf0)  }
0xb1: {  	(v2sf) =	vpush v13, $0xF;
	_ =	sdelay $0x3  }
0xb2: {  	s5 =	spop @p1 (v2sf)  }
0xb3: {  	s5 =	sadd.s32 @p1 s5, s17  }
0xb4: {  	s6 =	smov.u32 s8;
	s5 =	sadd.s32 @p1 $0x80000000, s5  }
0xb5: {  	s6 =	smov.u32 @p1 s5  }
0xb6: {  	v63 =	vmov s6  }
0xb7: {  	v13 =	vadd.s32 $0xFFFFFFFF, v63  }
0xb8: {  	v13 =	vbroadcast v13, $0x0;
	_ =	sdelay $0x1  }
0xb9: {  	v11 =	vadd.s32 v11, v13;
	_ =	sdelay $0x1  }
0xba: {  	v10 =	vsub.s32 v61, v10  }
0xbb: {  	v12 =	vand.u32 $0x3FFF, v12;
	v10 =	vshll.u32 v10, $0x10;
	s17 =	spop (v2sf)  }
0xbc: {  	v10 =	vor.u32 v12, v10;
	s5 =	sadd.s32 s17, s6  }
0xbd: {  	[tilespmem:v11+s18+$0x0] =	vst.idx.msk vm1, v10;
	s6 =	sadd.s32 $0x80000000, s5  }
.LBB2_14:
0xbe: {  	s5 =	sadd.s32 s1, s25;
	s25 =	sadd.s32 $0x1, s25  }
0xbf: {  	p1 =	sne.s32 s25, s4  }
.Ltmp7:
0xc0: {  	_ = 	snop;
	(pc) =	sbr.rel @!p1 .LBB2_15-.Ltmp7, $4  }
0xc1: {  	s14 =	ssub.s32 s6, s8  }
0xc2: {  	v10 =	vmov s14;
	s5 =	sshll.u32 s5, $0x4  }
0xc3: {  	[tilespmem:s5+$0xE00] =	vst v10;
	v10 =	vmov s8  }
0xc4: {  	s8 =	smov.u32 s6;
	[tilespmem:s5+$0x1080] =	vst v10  }
.LBB2_7:
.Ltmp8:
0xc5: {  	(pc) =	sbr.rel @p0 .LBB2_14-.Ltmp8, $1  }
0xc6: {  	_ =	sdelay $0x3  }
0xc7: {  	s6 =	smul.u32 $0x6C80, s25;
	p2 =	sne.s32 s13, $0x1  }
.Ltmp9:
0xc8: {  	_ = 	snop;
	(pc) =	sbr.rel @!p2 .LBB2_9-.Ltmp9, $4  }
0xc9: {  	v10 =	vmov s6  }
0xca: {  	v11 =	vadd.s32 $0x6C80, v10  }
0xcb: {  	s17 =	simm.s32 $0x0;
	vm1 =	vlt.s32 v11, v8  }
0xcc: {  	s14 =	sadd.s32 $0xFFFFFFFF, s13;
	p1 =	por $0x0, $0x0;
	v13 =	vor.u32 s17, v0;
	v11 =	vsel vm1, v11, v8  }
0xcd: {  	v12 =	vadd.s32 v9, v13;
	_ =	sdelay $0x4  }
0xce: {  	v12 =	vld.idx.msk [tilespmem:v12+s24+$0x0], $0xffff;
	_ =	sdelay $0x4  }
0xcf: {  	v14 =	vshrl.u32 v12, $0xE  }
0xd0: {  	vm1 =	vlt.s32 v13, v7;
	vm2 =	vlt.s32 v14, v11  }
0xd1: {  	vm3 =	vge.u32 v14, v10;
	vm1 =	vmand vm1, vm2  }
0xd2: {  	vm1 =	vmand vm1, vm3  }
0xd3: {  	v13 =	vsel vm1, $0x1, v2  }
0xd4: {  	(xrf0) =	vadd.scan.msk.s32 $0xffff, v13;
	_ =	sdelay $0x4  }
0xd5: {  	p2 =	sne.s32 s14, $0x1;
	v13 =	vmov s8  }
.Ltmp10:
0xd6: {  	v13 =	vadd.s32 $0xFFFFFFFF, v13;
	v15, _, _ =	vpop (xrf0);
	(pc) =	sbr.rel @!p2 .LBB2_11-.Ltmp10, $4  }
0xd7: {  	v16 =	vbroadcast v13, $0x0;
	v13 =	vxor.u32 $0x80000000, v15  }
0xd8: {  	(xrf0) =	vmax.scan.msk.u32 $0xffff, v13  }
0xd9: {  	s6 =	simm.s32 $0x10;
	v12 =	vand.u32 $0x3FFF, v12  }
0xda: {  	s14 =	sadd.s32 $0xFFFFFFFF, s14;
	p1 =	por $0x1, $0x1;
	s17 =	smov.u32 s8;
	v14 =	vsub.s32 v14, v10;
	v15 =	vadd.s32 v15, v16;
	v13 =	vor.u32 s6, v0  }
.LBB2_12:
0xdb: {  	p2 =	sne.s32 s14, $0x1;
	v16 =	vadd.s32 v9, v13;
	_ =	sdelay $0x1  }
0xdc: {  	v17 =	vshll.u32 v14, $0x10  }
0xdd: {  	v12 =	vor.u32 v12, v17;
	v14, _, _ =	vpop (xrf0)  }
0xde: {  	[tilespmem:v15+s18+$0x0] =	vst.idx.msk vm1, v12;
	(v2sf) =	vpush v14, $0xF  }
0xdf: {  	v12 =	vld.idx.msk [tilespmem:v16+s24+$0x0], $0xffff;
	_ =	sdelay $0x5  }
0xe0: {  	v15 =	vshrl.u32 v12, $0xE;
	v12 =	vand.u32 $0x3FFF, v12  }
0xe1: {  	vm1 =	vlt.s32 v13, v7;
	vm2 =	vlt.s32 v15, v11;
	v14 =	vsub.s32 v15, v10  }
0xe2: {  	vm3 =	vge.u32 v15, v10;
	vm1 =	vmand vm1, vm2  }
0xe3: {  	vm1 =	vmand vm1, vm3  }
0xe4: {  	v13 =	vsel vm1, $0x1, v2  }
0xe5: {  	(xrf0) =	vadd.scan.msk.s32 $0xffff, v13;
	_ =	sdelay $0x2  }
0xe6: {  	s5 =	spop (v2sf)  }
0xe7: {  	s5 =	sadd.s32 s5, s17  }
0xe8: {  	s17 =	sadd.s32 $0x80000000, s5  }
.Ltmp11:
0xe9: {  	v13 =	vmov s17;
	v15, _, _ =	vpop (xrf0);
	(pc) =	sbr.rel @p2 .LBB2_12-.Ltmp11, $4  }
0xea: {  	v13 =	vadd.s32 $0xFFFFFFFF, v13;
	v16 =	vxor.u32 $0x80000000, v15  }
0xeb: {  	v17 =	vbroadcast v13, $0x0;
	(xrf0) =	vmax.scan.msk.u32 $0xffff, v16  }
0xec: {  	s6 =	sadd.s32 $0x10, s6  }
0xed: {  	s14 =	sadd.s32 $0xFFFFFFFF, s14;
	v13 =	vor.u32 s6, v0;
	v15 =	vadd.s32 v15, v17  }
.Ltmp12:
0xee: {  	_ = 	snop;
	(pc) =	sbr.rel .LBB2_13-.Ltmp12, $1  }
0xef: {  	_ =	sdelay $0x3  }
.LBB2_11:
.Ltmp13:
0xf0: {  	(pc) =	sbr.rel .LBB2_13-.Ltmp13, $2  }
0xf1: {  	_ =	sdelay $0x2  }
0xf2: {  	s17 =	smov.u32 s8  }
.LBB2_16:
0xf3: {  	_ =	sdelay $0x2  }
0xf4: {  	s8 =	simm.s32 $0xE00  }
0xf5: {  	v7 =	vld.idx.msk [tilespmem:v1+s8+$0x0], $0xffff;
	_ =	sdelay $0x4  }
0xf6: {  	[tilespmem:$0x1300] =	vst v7  }
0xf7: {  	v7 =	vld.idx.msk [tilespmem:v3+s8+$0x0], $0xffff;
	_ =	sdelay $0x4  }
0xf8: {  	[tilespmem:$0x1310] =	vst v7  }
0xf9: {  	v7 =	vld.idx.msk [tilespmem:v4+s8+$0x0], $0xffff;
	_ =	sdelay $0x4  }
0xfa: {  	s1 =	rddreg [dreg:$0xc];
	s4 =	simm.s32 $0x1300;
	[tilespmem:$0x1320] =	vst v7  }
0xfb: {  	[spmem:s1] =	stream.linear.scatter [tilespmem:s4], [sflag:$0x4], $0x30, $0x38;
	[tilespmem:$0x1E438] =	vst v63  }
0xfc: {  	_ =	swait.ge [sflag:s21], $0x30  }
0xfd: {  	[sflag:s21] =	ssyncset.done $0x0  }
0xfe: {  	[sflag:s21] =	ssyncadd.s32 $0xFFFFFFD0  }
0xff: {  	s15 =	simm.s32 $0x0;
	[bflag:$0x0] =	sbarrier.arrive $0xFFFF  }
0x100: {  	v7 =	vadd.s32 s15, v5;
	s25 =	rddreg [dreg:$0x3]  }
0x101: {  	[tilespmem:s28], [sflag:$0x4] =	stream.linear.gather [spmem:s25], $0x300, $0x38;
	[tilespmem:$0x1E438] =	vst v63  }
0x102: {  	_ =	swait.ge [sflag:s21], $0x300  }
0x103: {  	[sflag:s21] =	ssyncset.done $0x0  }
0x104: {  	[sflag:s21] =	ssyncadd.s32 $0xFFFFFD00  }
0x105: {  	v7 =	vld.idx.msk [tilespmem:v7+s28+$0x0], $0xffff;
	_ =	sdelay $0x4  }
0x106: {  	v8 =	vnsel vm0, $0x0, v7  }
0x107: {  	(xrf0) =	vadd.scan.msk.s32 $0xffff, v8;
	_ =	sdelay $0x5  }
0x108: {  	(xrf0) =	vadd.scan.msk.s32 $0xffff, v7;
	v7, _, _ =	vpop (xrf0)  }
0x109: {  	(v2sf) =	vpush v7, $0xF;
	_ =	sdelay $0xa  }
0x10a: {  	v7 =	vmov s15;
	_ =	sdelay $0x1  }
0x10b: {  	s1 =	simm.s32 $0x1;
	v10, _, _ =	vpop (xrf0)  }
0x10c: {  	s6 =	simm.s32 $0x2;
	s13 =	simm.s32 $0x1080;
	s4 =	simm.s32 $0x0;
	v8 =	vadd.s32 s1, v5;
	v9 =	vbroadcast v10, $0xF;
	(v2sf) =	vpush v10, $0xF  }
.LBB2_17:
0x10d: {  	p0 =	sne.s32 s6, $0x24;
	s5 =	spop (v2sf)  }
0x10e: {  	[tilespmem:v7+s29+$0x0] =	vst.idx.msk $0xffff, v9;
	v9 =	vmov s4;
	s5 =	sadd.s32 s4, s5  }
0x10f: {  	[tilespmem:v7+s30+$0x0] =	vst.idx.msk $0xffff, v9;
	v9 =	vmov s5  }
0x110: {  	[tilespmem:v7+s31+$0x0] =	vst.idx.msk $0xffff, v9  }
0x111: {  	v7 =	vld.idx.msk [tilespmem:v8+s28+$0x0], $0xffff;
	_ =	sdelay $0x5  }
0x112: {  	v8 =	vnsel vm0, $0x0, v7  }
0x113: {  	(xrf0) =	vadd.scan.msk.s32 $0xffff, v8;
	_ =	sdelay $0x2  }
0x114: {  	s5 =	spop (v2sf)  }
0x115: {  	s4 =	sadd.s32 s4, s5;
	_ =	sdelay $0x1  }
0x116: {  	v8, _, _ =	vpop (xrf0)  }
0x117: {  	(v2sf) =	vpush v8, $0xF;
	_ =	sdelay $0x6  }
0x118: {  	(xrf0) =	vadd.scan.msk.s32 $0xffff, v7;
	_ =	sdelay $0x2  }
.Ltmp14:
0x119: {  	(pc) =	sbr.rel @p0 .LBB2_17-.Ltmp14, $3  }
0x11a: {  	v7 =	vmov s1;
	s1 =	smov.u32 s6;
	_ =	sdelay $0x1  }
0x11b: {  	v10, _, _ =	vpop (xrf0)  }
0x11c: {  	s6 =	sadd.s32 $0x1, s6;
	v8 =	vadd.s32 s1, v5;
	v9 =	vbroadcast v10, $0xF;
	(v2sf) =	vpush v10, $0xF  }
0x11d: {  	_ =	sdelay $0x2  }
0x11e: {  	s5 =	spop (v2sf)  }
0x11f: {  	v62 =	vmov s4;
	[tilespmem:v7+s29+$0x0] =	vst.idx.msk $0xffff, v9;
	s5 =	sadd.s32 s4, s5  }
0x120: {  	[tilespmem:v7+s30+$0x0] =	vst.idx.msk $0xffff, v62;
	v63 =	vmov s5  }
0x121: {  	[tilespmem:v7+s31+$0x0] =	vst.idx.msk $0xffff, v63  }
0x122: {  	v7 =	vld.idx.msk [tilespmem:v8+s28+$0x0], $0xffff;
	_ =	sdelay $0x4  }
0x123: {  	v8 =	vnsel vm0, $0x0, v7  }
0x124: {  	(xrf0) =	vadd.scan.msk.s32 $0xffff, v8;
	_ =	sdelay $0x1  }
0x125: {  	(xrf0) =	vadd.scan.msk.s32 $0xffff, v7;
	_ =	sdelay $0x3  }
0x126: {  	v7, _, _ =	vpop (xrf0)  }
0x127: {  	(v2sf) =	vpush v7, $0xF  }
0x128: {  	v7, _, _ =	vpop (xrf0)  }
0x129: {  	(v2sf) =	vpush v7, $0xF;
	_ =	sdelay $0x8  }
0x12a: {  	v8 =	vmov s1;
	_ =	sdelay $0x2  }
.Ltmp15:
0x12b: {  	s16 =	spop (v2sf);
	v7 =	vbroadcast v7, $0xF;
	(pc) =	sbr.rel .LBB2_19-.Ltmp15, $4  }
0x12c: {  	s1 =	sadd.s32 s4, s16;
	s17 =	spop (v2sf)  }
0x12d: {  	[tilespmem:v8+s29+$0x0] =	vst.idx.msk $0xffff, v7;
	v7 =	vmov s1;
	s1 =	sadd.s32 s1, s17  }
0x12e: {  	[tilespmem:v8+s30+$0x0] =	vst.idx.msk $0xffff, v7;
	s25 =	spop (v2sf);
	s17 =	rddreg [dreg:$0x6];
	v7 =	vmov s1  }
0x12f: {  	s14 =	simm.s32 $0x1;
	s6 =	simm.s32 $0x80;
	s25 =	rddreg [dreg:$0xe];
	[tilespmem:v8+s31+$0x0] =	vst.idx.msk $0xffff, v7  }
.LBB2_23:
0x130: {  	_ =	sdelay $0x2  }
0x131: {  	[sflag:s21] =	ssyncadd.s32 @p0 $0xFFFFFFF0  }
0x132: {  	v7 =	vld.idx.msk [tilespmem:v11+s18+$0x0], $0xffff;
	_ =	sdelay $0x3  }
0x133: {  	[tilespmem:$0x5880] =	vst v10  }
0x134: {  	[tilespmem:$0x5900] =	vst v7  }
0x135: {  	[spmem:s3] =	stream.indirect.scatter [tilespmem:s26], [sflag:$0x4], $0x1, s2, s0, $0xb8;
	[tilespmem:$0x1E438] =	vst v63  }
0x136: {  	_ =	swait.ge [sflag:s21], $0x10  }
0x137: {  	[sflag:s21] =	ssyncset.done $0x0  }
0x138: {  	[sflag:s21] =	ssyncadd.s32 $0xFFFFFFF0  }
.LBB2_24:
0x139: {  	s15 =	sadd.s32 $0x1, s15  }
0x13a: {  	p0 =	sne.s32 s15, $0x25  }
.Ltmp16:
0x13b: {  	_ = 	snop;
	(pc) =	sbr.rel @!p0 .LBB2_25-.Ltmp16, $1  }
0x13c: {  	_ =	sdelay $0x3  }
.LBB2_19:
0x13d: {  	v8 =	vmov s15  }
0x13e: {  	v9 =	vshll.u32 v8, $0x4;
	_ =	sdelay $0x4  }
0x13f: {  	v7 =	vld.idx.msk [tilespmem:v9+s8+$0x0], $0xffff;
	_ =	sdelay $0x4  }
0x140: {  	v10 =	vxor.u32 $0x80000000, v7  }
0x141: {  	(xrf0) =	vmax.scan.msk.u32 $0xffff, v10;
	_ =	sdelay $0x5  }
0x142: {  	v10, _, _ =	vpop (xrf0)  }
0x143: {  	(v2sf) =	vpush v10, $0xF;
	_ =	sdelay $0xe  }
0x144: {  	s1 =	spop (v2sf)  }
0x145: {  	s1 =	sadd.s32 $0x8000000F, s1  }
0x146: {  	s4 =	sand.u32 $0xF, s1  }
0x147: {  	s16 =	sshra.s32 s1, $0x1F;
	p1 =	slt.s32 s1, $0x1;
	p0 =	sne.s32 s4, $0x0  }
0x148: {  	s4 =	sshrl.u32 s16, $0x1C;
	p0 =	por !p1, !p0  }
0x149: {  	s1 =	sadd.s32 s4, s1;
	s4 =	simm.s32 $0x1;
	p0 =	por !p0, !p0  }
0x14a: {  	s1 =	sshra.s32 s1, $0x4;
	s4 =	simm.s32 @!p0 $0x0  }
0x14b: {  	s1 =	ssub.s32 s1, s4  }
0x14c: {  	p0 =	slt.s32 s1, $0x1  }
.Ltmp17:
0x14d: {  	_ = 	snop;
	(pc) =	sbr.rel @p0 .LBB2_24-.Ltmp17, $3  }
0x14e: {  	_ =	sdelay $0x1  }
0x14f: {  	v8 =	vld.idx.msk [tilespmem:v8+s31+$0x0], $0xffff  }
0x150: {  	v9 =	vld.idx.msk [tilespmem:v9+s13+$0x0], $0xffff  }
0x151: {  	_ =	sdelay $0x3  }
0x152: {  	v9 =	vxor.u32 $0x80000000, v9  }
0x153: {  	(xrf0) =	vmax.scan.msk.u32 $0xffff, v9;
	_ =	sdelay $0x5  }
0x154: {  	v9, _, _ =	vpop (xrf0)  }
0x155: {  	(v2sf) =	vpush v9, $0xF;
	_ =	sdelay $0xc  }
0x156: {  	p1 =	sne.s32 s1, $0x1  }
.Ltmp18:
0x157: {  	_ = 	snop;
	(pc) =	sbr.rel @!p1 .LBB2_23-.Ltmp18, $4  }
0x158: {  	s5 =	simm.s32 $0x0;
	s4 =	spop (v2sf)  }
0x159: {  	v10 =	vor.u32 s5, v0;
	s4 =	sxor.u32 $0x80000000, s4  }
0x15a: {  	vm1 =	vlt.s32 v10, v7;
	v12 =	vadd.s32 v8, v10;
	v9 =	vmov s4  }
0x15b: {  	p0 =	por $0x0, $0x0;
	s4 =	sadd.s32 $0xFFFFFFFF, s1;
	v11 =	vadd.s32 v9, v10;
	v10 =	vnsel vm1, $0x4000, v12  }
0x15c: {  	_ =	sdelay $0x3  }
0x15d: {  	v11 =	vld.idx.msk [tilespmem:v11+s18+$0x0], $0xffff;
	_ =	sdelay $0x2  }
0x15e: {  	s1 =	simm.s32 $0x10;
	p1 =	sne.s32 s4, $0x1  }
.Ltmp19:
0x15f: {  	[tilespmem:$0x5880] =	vst v10;
	v10 =	vor.u32 s1, v0;
	(pc) =	sbr.rel @!p1 .LBB2_23-.Ltmp19, $4  }
0x160: {  	[tilespmem:$0x5900] =	vst v11;
	v11 =	vadd.s32 v9, v10  }
0x161: {  	[spmem:s3] =	stream.indirect.scatter [tilespmem:s26], [sflag:$0x4], $0x1, s2, s0, $0xb8;
	[tilespmem:$0x1E438] =	vst v63  }
0x162: {  	vm1 =	vlt.s32 v10, v7;
	v12 =	vadd.s32 v8, v10;
	_ =	swait.ge [sflag:s21], $0x10  }
0x163: {  	s4 =	sadd.s32 $0xFFFFFFFF, s4;
	p0 =	por $0x1, $0x1;
	v10 =	vnsel vm1, $0x4000, v12;
	[sflag:s21] =	ssyncset.done $0x0  }
.LBB2_22:
0x164: {  	p1 =	sne.s32 s4, $0x1;
	s4 =	sadd.s32 $0xFFFFFFFF, s4;
	[sflag:s21] =	ssyncadd.s32 $0xFFFFFFF0  }
0x165: {  	v12 =	vld.idx.msk [tilespmem:v11+s18+$0x0], $0xffff;
	_ =	sdelay $0x3  }
0x166: {  	s1 =	sadd.s32 $0x10, s1  }
.Ltmp20:
0x167: {  	v13 =	vor.u32 s1, v0;
	[tilespmem:$0x5880] =	vst v10;
	(pc) =	sbr.rel @p1 .LBB2_22-.Ltmp20, $4  }
0x168: {  	v11 =	vadd.s32 v9, v13;
	vm1 =	vlt.s32 v13, v7;
	v10 =	vadd.s32 v8, v13;
	[tilespmem:$0x5900] =	vst v12  }
0x169: {  	v10 =	vnsel vm1, $0x4000, v10;
	[spmem:s3] =	stream.indirect.scatter [tilespmem:s26], [sflag:$0x4], $0x1, s2, s0, $0xb8;
	[tilespmem:$0x1E438] =	vst v63  }
0x16a: {  	_ =	swait.ge [sflag:s21], $0x10  }
0x16b: {  	[sflag:s21] =	ssyncset.done $0x0  }
.Ltmp21:
0x16c: {  	_ = 	snop;
	(pc) =	sbr.rel .LBB2_23-.Ltmp21, $1  }
0x16d: {  	_ =	sdelay $0x3  }
.LBB2_25:
.Ltmp22:
0x16e: {  	[bflag:$0x0] =	sbarrier.arrive $0xFFFF;
	(pc) =	sbr.rel .LBB2_26-.Ltmp22, $4  }
0x16f: {  	[tilespmem:s7], [sflag:$0x4] =	stream.linear.gather [spmem:s3], $0x4080, $0x38;
	[tilespmem:$0x1E438] =	vst v63  }
0x170: {  	_ =	swait.ge [sflag:s21], $0x4080  }
0x171: {  	[sflag:s21] =	ssyncset.done $0x0  }
0x172: {  	s15 =	simm.s32 $0x0;
	[sflag:s21] =	ssyncadd.s32 $0xFFFFBF80  }
.LBB2_40:
0x173: {  	_ = 	snop  }
.LBB2_43:
0x174: {  	_ = 	snop  }
0x175: {  	v8 =	vadd.s32 v8, v9;
	_ =	sdelay $0x3  }
0x176: {  	[tilespmem:v11+s10+$0x0] =	vst.idx.msk @p0 vm1, v10  }
0x177: {  	v8 =	vld.idx.msk [tilespmem:v8+s7+$0x0], $0xffff;
	_ =	sdelay $0x3  }
0x178: {  	vm1 =	vlt.s32 v9, v7  }
0x179: {  	v7 =	vshrl.u32 v8, $0x10;
	_ =	sdelay $0x4  }
0x17a: {  	v8 =	vand.u32 $0xFFFF, v8;
	v7 =	vld.idx.msk [tilespmem:v7+s9+$0x0], vm1;
	_ =	sdelay $0x4  }
0x17b: {  	[tilespmem:v8+s10+$0x0] =	vst.idx.msk vm1, v7  }
.LBB2_44:
0x17c: {  	s15 =	sadd.s32 $0x1, s15  }
0x17d: {  	p0 =	sne.s32 s15, $0xC  }
.Ltmp23:
0x17e: {  	_ = 	snop;
	(pc) =	sbr.rel @!p0 .LBB2_45-.Ltmp23, $1  }
0x17f: {  	_ =	sdelay $0x3  }
.LBB2_26:
0x180: {  	s1 =	smul.u32 $0x3, s15;
	_ =	sdelay $0x1  }
0x181: {  	s16 =	sadd.s32 $0x2, s1  }
0x182: {  	s4 =	smul.u32 $0x6C80, s16;
	_ =	sdelay $0x1  }
0x183: {  	v8 =	vmov s1;
	s4 =	sadd.s32 s17, s4  }
0x184: {  	[tilespmem:s9], [sflag:$0x3] =	stream.strided.gather [hbm4b:s4+s6], $0x6C80, s18, s6, $0x38;
	[tilespmem:$0x1E438] =	vst v63  }
0x185: {  	_ =	swait.ge [sflag:s14], $0x6C80  }
0x186: {  	[sflag:s14] =	ssyncset.done $0x0  }
0x187: {  	[sflag:s14] =	ssyncadd.s32 $0xFFFF9380  }
0x188: {  	v7 =	vld.idx.msk [tilespmem:v8+s29+$0x0], $0xffff;
	_ =	sdelay $0x4  }
0x189: {  	v9 =	vxor.u32 $0x80000000, v7  }
0x18a: {  	(xrf0) =	vmax.scan.msk.u32 $0xffff, v9;
	_ =	sdelay $0x5  }
0x18b: {  	v9, _, _ =	vpop (xrf0)  }
0x18c: {  	(v2sf) =	vpush v9, $0xF;
	_ =	sdelay $0xe  }
0x18d: {  	s8 =	spop (v2sf)  }
0x18e: {  	s4 =	sadd.s32 $0x8000000F, s8  }
0x18f: {  	s5 =	sand.u32 $0xF, s4  }
0x190: {  	s13 =	sshra.s32 s4, $0x1F;
	p1 =	slt.s32 s4, $0x1;
	p0 =	sne.s32 s5, $0x0  }
0x191: {  	s5 =	sshrl.u32 s13, $0x1C;
	p0 =	por !p1, !p0  }
0x192: {  	s4 =	sadd.s32 s5, s4;
	s5 =	simm.s32 $0x1;
	p0 =	por !p0, !p0  }
0x193: {  	s4 =	sshra.s32 s4, $0x4;
	s5 =	simm.s32 @!p0 $0x0  }
0x194: {  	s4 =	ssub.s32 s4, s5  }
0x195: {  	p0 =	slt.s32 s4, $0x1  }
.Ltmp24:
0x196: {  	_ = 	snop;
	(pc) =	sbr.rel @p0 .LBB2_32-.Ltmp24, $2  }
0x197: {  	_ =	sdelay $0x2  }
0x198: {  	v8 =	vld.idx.msk [tilespmem:v8+s30+$0x0], $0xffff  }
0x199: {  	_ =	sdelay $0x3  }
0x19a: {  	v8 =	vxor.u32 $0x80000000, v8  }
0x19b: {  	(xrf0) =	vmax.scan.msk.u32 $0xffff, v8;
	_ =	sdelay $0x5  }
0x19c: {  	v8, _, _ =	vpop (xrf0)  }
0x19d: {  	(v2sf) =	vpush v8, $0xF;
	_ =	sdelay $0xb  }
0x19e: {  	p1 =	sne.s32 s4, $0x1  }
.Ltmp25:
0x19f: {  	_ = 	snop;
	(pc) =	sbr.rel @!p1 .LBB2_28-.Ltmp25, $4  }
0x1a0: {  	_ = 	snop  }
0x1a1: {  	s5 =	spop (v2sf)  }
0x1a2: {  	s6 =	simm.s32 $0x0;
	s5 =	sxor.u32 $0x80000000, s5  }
0x1a3: {  	p0 =	por $0x0, $0x0;
	v9 =	vor.u32 s6, v0;
	s6 =	sadd.s32 $0xFFFFFFFF, s4;
	v8 =	vmov s5  }
0x1a4: {  	v10 =	vadd.s32 v8, v9;
	_ =	sdelay $0x4  }
0x1a5: {  	v11 =	vld.idx.msk [tilespmem:v10+s7+$0x0], $0xffff;
	_ =	sdelay $0x3  }
0x1a6: {  	vm1 =	vlt.s32 v9, v7  }
0x1a7: {  	p1 =	sne.s32 s6, $0x1;
	v9 =	vshrl.u32 v11, $0x10  }
.Ltmp26:
0x1a8: {  	_ = 	snop;
	(pc) =	sbr.rel @!p1 .LBB2_31-.Ltmp26, $3  }
0x1a9: {  	_ =	sdelay $0x1  }
0x1aa: {  	s4 =	simm.s32 $0x10  }
0x1ab: {  	s6 =	sadd.s32 $0xFFFFFFFF, s6;
	p0 =	por $0x1, $0x1;
	v11 =	vand.u32 $0xFFFF, v11;
	v10 =	vld.idx.msk [tilespmem:v9+s19+$0x0], vm1;
	v9 =	vor.u32 s4, v0  }
.LBB2_30:
0x1ac: {  	p1 =	sne.s32 s6, $0x1;
	v12 =	vadd.s32 v8, v9;
	_ =	sdelay $0x3  }
0x1ad: {  	[tilespmem:v11+s10+$0x0] =	vst.idx.msk vm1, v10  }
0x1ae: {  	v11 =	vld.idx.msk [tilespmem:v12+s7+$0x0], $0xffff;
	_ =	sdelay $0x4  }
0x1af: {  	vm1 =	vlt.s32 v9, v7  }
0x1b0: {  	v9 =	vshrl.u32 v11, $0x10;
	_ =	sdelay $0x1  }
.Ltmp27:
0x1b1: {  	(pc) =	sbr.rel @p1 .LBB2_30-.Ltmp27, $3  }
0x1b2: {  	_ =	sdelay $0x1  }
0x1b3: {  	s4 =	sadd.s32 $0x10, s4;
	v10 =	vld.idx.msk [tilespmem:v9+s19+$0x0], vm1  }
0x1b4: {  	s6 =	sadd.s32 $0xFFFFFFFF, s6;
	v11 =	vand.u32 $0xFFFF, v11;
	v9 =	vor.u32 s4, v0  }
.LBB2_31:
0x1b5: {  	_ = 	snop  }
0x1b6: {  	v8 =	vadd.s32 v8, v9;
	_ =	sdelay $0x3  }
0x1b7: {  	[tilespmem:v11+s10+$0x0] =	vst.idx.msk @p0 vm1, v10  }
0x1b8: {  	v8 =	vld.idx.msk [tilespmem:v8+s7+$0x0], $0xffff;
	_ =	sdelay $0x3  }
0x1b9: {  	vm1 =	vlt.s32 v9, v7  }
0x1ba: {  	v7 =	vshrl.u32 v8, $0x10;
	_ =	sdelay $0x4  }
0x1bb: {  	v8 =	vand.u32 $0xFFFF, v8;
	v7 =	vld.idx.msk [tilespmem:v7+s19+$0x0], vm1;
	_ =	sdelay $0x4  }
0x1bc: {  	[tilespmem:v8+s10+$0x0] =	vst.idx.msk vm1, v7  }
.LBB2_32:
0x1bd: {  	p0 =	seq.s32 s15, $0xB  }
0x1be: {  	s4 =	smul.u32 @!p0 $0xA2C00, s15;
	_ =	sdelay $0x1  }
0x1bf: {  	s4 =	sshrl.u32 @!p0 s4, $0x3  }
0x1c0: {  	s5 =	sadd.s32 $0x1, s1;
	s1 =	simm.s32 @!p0 $0x80;
	s4 =	sadd.s32 @!p0 s17, s4  }
0x1c1: {  	s13 =	simm.s32 @!p0 $0x400;
	s8 =	simm.s32 @!p0 $0x5980;
	v8 =	vmov s5;
	s6 =	sadd.s32 @!p0 $0x14580, s4  }
0x1c2: {  	[tilespmem:s8], [sflag:$0x1] =	stream.strided.gather @!p0 [hbm4b:s6+s1], $0x6C80, s13, s1, $0x38;
	[tilespmem:$0x1E438] =	vst v63  }
0x1c3: {  	_ =	swait.ge [sflag:s11], $0x6C80  }
0x1c4: {  	[sflag:s11] =	ssyncset.done $0x0  }
0x1c5: {  	[sflag:s11] =	ssyncadd.s32 $0xFFFF9380  }
0x1c6: {  	v7 =	vld.idx.msk [tilespmem:v8+s29+$0x0], $0xffff;
	_ =	sdelay $0x4  }
0x1c7: {  	v9 =	vxor.u32 $0x80000000, v7  }
0x1c8: {  	(xrf0) =	vmax.scan.msk.u32 $0xffff, v9;
	_ =	sdelay $0x5  }
0x1c9: {  	v9, _, _ =	vpop (xrf0)  }
0x1ca: {  	(v2sf) =	vpush v9, $0xF;
	_ =	sdelay $0xe  }
0x1cb: {  	s6 =	spop (v2sf)  }
0x1cc: {  	s5 =	sadd.s32 $0x8000000F, s6  }
0x1cd: {  	s6 =	sand.u32 $0xF, s5  }
0x1ce: {  	s8 =	sshra.s32 s5, $0x1F;
	p1 =	slt.s32 s5, $0x1;
	p2 =	sne.s32 s6, $0x0  }
0x1cf: {  	s8 =	sshrl.u32 s8, $0x1C;
	p1 =	por !p1, !p2  }
0x1d0: {  	s6 =	simm.s32 $0x1;
	s5 =	sadd.s32 s8, s5;
	p1 =	por !p1, !p1  }
0x1d1: {  	s5 =	sshra.s32 s5, $0x4;
	s6 =	simm.s32 @!p1 $0x0  }
0x1d2: {  	s6 =	ssub.s32 s5, s6  }
0x1d3: {  	p1 =	slt.s32 s6, $0x1  }
.Ltmp28:
0x1d4: {  	_ = 	snop;
	(pc) =	sbr.rel @p1 .LBB2_38-.Ltmp28, $2  }
0x1d5: {  	_ =	sdelay $0x2  }
0x1d6: {  	v8 =	vld.idx.msk [tilespmem:v8+s30+$0x0], $0xffff  }
0x1d7: {  	_ =	sdelay $0x3  }
0x1d8: {  	v8 =	vxor.u32 $0x80000000, v8  }
0x1d9: {  	(xrf0) =	vmax.scan.msk.u32 $0xffff, v8;
	_ =	sdelay $0x5  }
0x1da: {  	v8, _, _ =	vpop (xrf0)  }
0x1db: {  	(v2sf) =	vpush v8, $0xF;
	_ =	sdelay $0xb  }
0x1dc: {  	p2 =	sne.s32 s6, $0x1  }
.Ltmp29:
0x1dd: {  	_ = 	snop;
	(pc) =	sbr.rel @!p2 .LBB2_34-.Ltmp29, $4  }
0x1de: {  	_ = 	snop  }
0x1df: {  	s5 =	spop (v2sf)  }
0x1e0: {  	s8 =	simm.s32 $0x0;
	s5 =	sxor.u32 $0x80000000, s5  }
0x1e1: {  	p1 =	por $0x0, $0x0;
	v9 =	vor.u32 s8, v0;
	s8 =	sadd.s32 $0xFFFFFFFF, s6;
	v8 =	vmov s5  }
0x1e2: {  	v10 =	vadd.s32 v8, v9;
	_ =	sdelay $0x4  }
0x1e3: {  	v11 =	vld.idx.msk [tilespmem:v10+s7+$0x0], $0xffff;
	_ =	sdelay $0x3  }
0x1e4: {  	vm1 =	vlt.s32 v9, v7  }
0x1e5: {  	p2 =	sne.s32 s8, $0x1;
	v9 =	vshrl.u32 v11, $0x10  }
.Ltmp30:
0x1e6: {  	_ = 	snop;
	(pc) =	sbr.rel @!p2 .LBB2_37-.Ltmp30, $3  }
0x1e7: {  	_ =	sdelay $0x1  }
0x1e8: {  	s6 =	simm.s32 $0x10  }
0x1e9: {  	s8 =	sadd.s32 $0xFFFFFFFF, s8;
	p1 =	por $0x1, $0x1;
	v11 =	vand.u32 $0xFFFF, v11;
	v10 =	vld.idx.msk [tilespmem:v9+s20+$0x0], vm1;
	v9 =	vor.u32 s6, v0  }
.LBB2_36:
0x1ea: {  	p2 =	sne.s32 s8, $0x1;
	v12 =	vadd.s32 v8, v9;
	_ =	sdelay $0x3  }
0x1eb: {  	[tilespmem:v11+s10+$0x0] =	vst.idx.msk vm1, v10  }
0x1ec: {  	v11 =	vld.idx.msk [tilespmem:v12+s7+$0x0], $0xffff;
	_ =	sdelay $0x4  }
0x1ed: {  	vm1 =	vlt.s32 v9, v7  }
0x1ee: {  	v9 =	vshrl.u32 v11, $0x10;
	_ =	sdelay $0x1  }
.Ltmp31:
0x1ef: {  	(pc) =	sbr.rel @p2 .LBB2_36-.Ltmp31, $3  }
0x1f0: {  	_ =	sdelay $0x1  }
0x1f1: {  	s6 =	sadd.s32 $0x10, s6;
	v10 =	vld.idx.msk [tilespmem:v9+s20+$0x0], vm1  }
0x1f2: {  	s8 =	sadd.s32 $0xFFFFFFFF, s8;
	v11 =	vand.u32 $0xFFFF, v11;
	v9 =	vor.u32 s6, v0  }
.LBB2_37:
0x1f3: {  	_ = 	snop  }
0x1f4: {  	v8 =	vadd.s32 v8, v9;
	_ =	sdelay $0x3  }
0x1f5: {  	[tilespmem:v11+s10+$0x0] =	vst.idx.msk @p1 vm1, v10  }
0x1f6: {  	v8 =	vld.idx.msk [tilespmem:v8+s7+$0x0], $0xffff;
	_ =	sdelay $0x3  }
0x1f7: {  	vm1 =	vlt.s32 v9, v7  }
0x1f8: {  	v7 =	vshrl.u32 v8, $0x10;
	_ =	sdelay $0x4  }
0x1f9: {  	v8 =	vand.u32 $0xFFFF, v8;
	v7 =	vld.idx.msk [tilespmem:v7+s20+$0x0], vm1;
	_ =	sdelay $0x4  }
0x1fa: {  	[tilespmem:v8+s10+$0x0] =	vst.idx.msk vm1, v7  }
.LBB2_38:
0x1fb: {  	s4 =	sadd.s32 @!p0 $0x1B200, s4;
	s5 =	simm.s32 @!p0 $0xC600;
	v8 =	vmov s16  }
0x1fc: {  	[tilespmem:s5], [sflag:$0x2] =	stream.strided.gather @!p0 [hbm4b:s4+s1], $0x6C80, s13, s1, $0x38;
	[tilespmem:$0x1E438] =	vst v63  }
0x1fd: {  	_ =	swait.ge [sflag:s12], $0x6C80  }
0x1fe: {  	[sflag:s12] =	ssyncset.done $0x0  }
0x1ff: {  	[sflag:s12] =	ssyncadd.s32 $0xFFFF9380  }
0x200: {  	v7 =	vld.idx.msk [tilespmem:v8+s29+$0x0], $0xffff;
	_ =	sdelay $0x4  }
0x201: {  	v9 =	vxor.u32 $0x80000000, v7  }
0x202: {  	(xrf0) =	vmax.scan.msk.u32 $0xffff, v9;
	_ =	sdelay $0x5  }
0x203: {  	v9, _, _ =	vpop (xrf0)  }
0x204: {  	(v2sf) =	vpush v9, $0xF;
	_ =	sdelay $0xe  }
0x205: {  	s6 =	spop (v2sf)  }
0x206: {  	s1 =	sadd.s32 $0x8000000F, s6  }
0x207: {  	s8 =	sand.u32 $0xF, s1  }
0x208: {  	s13 =	sshra.s32 s1, $0x1F;
	p6 =	slt.s32 s1, $0x1;
	p1 =	sne.s32 s8, $0x0  }
0x209: {  	s16 =	sshrl.u32 s13, $0x1C;
	p0 =	por !p6, !p1  }
0x20a: {  	s4 =	simm.s32 $0x1;
	s1 =	sadd.s32 s16, s1;
	p0 =	por !p0, !p0  }
0x20b: {  	s1 =	sshra.s32 s1, $0x4;
	s4 =	simm.s32 @!p0 $0x0  }
0x20c: {  	s1 =	ssub.s32 s1, s4  }
0x20d: {  	p0 =	slt.s32 s1, $0x1  }
.Ltmp32:
0x20e: {  	_ = 	snop;
	(pc) =	sbr.rel @p0 .LBB2_44-.Ltmp32, $2  }
0x20f: {  	_ =	sdelay $0x2  }
0x210: {  	v8 =	vld.idx.msk [tilespmem:v8+s30+$0x0], $0xffff;
	s6 =	simm.s32 $0x80  }
0x211: {  	_ =	sdelay $0x3  }
0x212: {  	v8 =	vxor.u32 $0x80000000, v8  }
0x213: {  	(xrf0) =	vmax.scan.msk.u32 $0xffff, v8;
	_ =	sdelay $0x5  }
0x214: {  	v8, _, _ =	vpop (xrf0)  }
0x215: {  	(v2sf) =	vpush v8, $0xF;
	_ =	sdelay $0xb  }
0x216: {  	p1 =	sne.s32 s1, $0x1  }
.Ltmp33:
0x217: {  	_ = 	snop;
	(pc) =	sbr.rel @!p1 .LBB2_40-.Ltmp33, $4  }
0x218: {  	_ = 	snop  }
0x219: {  	s4 =	spop (v2sf)  }
0x21a: {  	s5 =	simm.s32 $0x0;
	s4 =	sxor.u32 $0x80000000, s4  }
0x21b: {  	p0 =	por $0x0, $0x0;
	v9 =	vor.u32 s5, v0;
	v8 =	vmov s4;
	s4 =	sadd.s32 $0xFFFFFFFF, s1  }
0x21c: {  	v10 =	vadd.s32 v8, v9;
	_ =	sdelay $0x4  }
0x21d: {  	v11 =	vld.idx.msk [tilespmem:v10+s7+$0x0], $0xffff;
	_ =	sdelay $0x3  }
0x21e: {  	vm1 =	vlt.s32 v9, v7  }
0x21f: {  	p1 =	sne.s32 s4, $0x1;
	v9 =	vshrl.u32 v11, $0x10  }
.Ltmp34:
0x220: {  	_ = 	snop;
	(pc) =	sbr.rel @!p1 .LBB2_43-.Ltmp34, $3  }
0x221: {  	_ =	sdelay $0x1  }
0x222: {  	s1 =	simm.s32 $0x10  }
0x223: {  	s4 =	sadd.s32 $0xFFFFFFFF, s4;
	p0 =	por $0x1, $0x1;
	v11 =	vand.u32 $0xFFFF, v11;
	v10 =	vld.idx.msk [tilespmem:v9+s9+$0x0], vm1;
	v9 =	vor.u32 s1, v0  }
.LBB2_42:
0x224: {  	p1 =	sne.s32 s4, $0x1;
	v12 =	vadd.s32 v8, v9;
	_ =	sdelay $0x3  }
0x225: {  	[tilespmem:v11+s10+$0x0] =	vst.idx.msk vm1, v10  }
0x226: {  	v11 =	vld.idx.msk [tilespmem:v12+s7+$0x0], $0xffff;
	_ =	sdelay $0x4  }
0x227: {  	vm1 =	vlt.s32 v9, v7  }
0x228: {  	v9 =	vshrl.u32 v11, $0x10;
	_ =	sdelay $0x1  }
.Ltmp35:
0x229: {  	(pc) =	sbr.rel @p1 .LBB2_42-.Ltmp35, $3  }
0x22a: {  	_ =	sdelay $0x1  }
0x22b: {  	s1 =	sadd.s32 $0x10, s1;
	v10 =	vld.idx.msk [tilespmem:v9+s9+$0x0], vm1  }
0x22c: {  	s4 =	sadd.s32 $0xFFFFFFFF, s4;
	v11 =	vand.u32 $0xFFFF, v11;
	v9 =	vor.u32 s1, v0  }
.Ltmp36:
0x22d: {  	_ = 	snop;
	(pc) =	sbr.rel .LBB2_43-.Ltmp36, $1  }
0x22e: {  	_ =	sdelay $0x3  }
.LBB2_28:
.Ltmp37:
0x22f: {  	(pc) =	sbr.rel .LBB2_31-.Ltmp37, $2  }
0x230: {  	_ =	sdelay $0x2  }
0x231: {  	_ = 	snop  }
.LBB2_34:
.Ltmp38:
0x232: {  	(pc) =	sbr.rel .LBB2_37-.Ltmp38, $2  }
0x233: {  	_ =	sdelay $0x2  }
0x234: {  	_ = 	snop  }
.LBB2_45:
0x235: {  	_ =	sdelay $0x3  }
0x236: {  	v7 =	vld.idx.msk [tilespmem:v6+s29+$0x0], $0xffff;
	_ =	sdelay $0x4  }
0x237: {  	v8 =	vxor.u32 $0x80000000, v7  }
0x238: {  	(xrf0) =	vmax.scan.msk.u32 $0xffff, v8;
	_ =	sdelay $0x5  }
0x239: {  	v8, _, _ =	vpop (xrf0)  }
0x23a: {  	(v2sf) =	vpush v8, $0xF;
	_ =	sdelay $0xe  }
0x23b: {  	s1 =	spop (v2sf)  }
0x23c: {  	s1 =	sadd.s32 $0x8000000F, s1  }
0x23d: {  	s4 =	sand.u32 $0xF, s1  }
0x23e: {  	s16 =	sshra.s32 s1, $0x1F;
	p1 =	slt.s32 s1, $0x1;
	p0 =	sne.s32 s4, $0x0  }
0x23f: {  	s4 =	sshrl.u32 s16, $0x1C;
	p0 =	por !p1, !p0  }
0x240: {  	s1 =	sadd.s32 s4, s1;
	s4 =	simm.s32 $0x1;
	p0 =	por !p0, !p0  }
0x241: {  	s1 =	sshra.s32 s1, $0x4;
	s4 =	simm.s32 @!p0 $0x0  }
0x242: {  	s1 =	ssub.s32 s1, s4  }
0x243: {  	p0 =	slt.s32 s1, $0x1  }
.Ltmp39:
0x244: {  	_ = 	snop;
	(pc) =	sbr.rel @p0 .LBB2_51-.Ltmp39, $2  }
0x245: {  	_ =	sdelay $0x2  }
0x246: {  	v8 =	vld.idx.msk [tilespmem:v6+s30+$0x0], $0xffff  }
0x247: {  	_ =	sdelay $0x3  }
0x248: {  	v8 =	vxor.u32 $0x80000000, v8  }
0x249: {  	(xrf0) =	vmax.scan.msk.u32 $0xffff, v8;
	_ =	sdelay $0x5  }
0x24a: {  	v8, _, _ =	vpop (xrf0)  }
0x24b: {  	(v2sf) =	vpush v8, $0xF;
	_ =	sdelay $0xb  }
0x24c: {  	p1 =	sne.s32 s1, $0x1  }
.Ltmp40:
0x24d: {  	_ = 	snop;
	(pc) =	sbr.rel @!p1 .LBB2_47-.Ltmp40, $4  }
0x24e: {  	_ = 	snop  }
0x24f: {  	s4 =	spop (v2sf)  }
0x250: {  	s5 =	simm.s32 $0x0;
	s4 =	sxor.u32 $0x80000000, s4  }
0x251: {  	p0 =	por $0x0, $0x0;
	v9 =	vor.u32 s5, v0;
	v8 =	vmov s4;
	s4 =	sadd.s32 $0xFFFFFFFF, s1  }
0x252: {  	v10 =	vadd.s32 v8, v9;
	_ =	sdelay $0x4  }
0x253: {  	v11 =	vld.idx.msk [tilespmem:v10+s7+$0x0], $0xffff;
	_ =	sdelay $0x3  }
0x254: {  	vm1 =	vlt.s32 v9, v7  }
0x255: {  	p1 =	sne.s32 s4, $0x1;
	v9 =	vshrl.u32 v11, $0x10  }
.Ltmp41:
0x256: {  	_ = 	snop;
	(pc) =	sbr.rel @!p1 .LBB2_50-.Ltmp41, $3  }
0x257: {  	_ =	sdelay $0x1  }
0x258: {  	s1 =	simm.s32 $0x10  }
0x259: {  	s4 =	sadd.s32 $0xFFFFFFFF, s4;
	p0 =	por $0x1, $0x1;
	v11 =	vand.u32 $0xFFFF, v11;
	v10 =	vld.idx.msk [tilespmem:v9+s22+$0x0], vm1;
	v9 =	vor.u32 s1, v0  }
.LBB2_49:
0x25a: {  	p1 =	sne.s32 s4, $0x1;
	v12 =	vadd.s32 v8, v9;
	_ =	sdelay $0x3  }
0x25b: {  	[tilespmem:v11+s10+$0x0] =	vst.idx.msk vm1, v10  }
0x25c: {  	v11 =	vld.idx.msk [tilespmem:v12+s7+$0x0], $0xffff;
	_ =	sdelay $0x4  }
0x25d: {  	vm1 =	vlt.s32 v9, v7  }
0x25e: {  	v9 =	vshrl.u32 v11, $0x10;
	_ =	sdelay $0x1  }
.Ltmp42:
0x25f: {  	(pc) =	sbr.rel @p1 .LBB2_49-.Ltmp42, $3  }
0x260: {  	_ =	sdelay $0x1  }
0x261: {  	s1 =	sadd.s32 $0x10, s1;
	v10 =	vld.idx.msk [tilespmem:v9+s22+$0x0], vm1  }
0x262: {  	s4 =	sadd.s32 $0xFFFFFFFF, s4;
	v11 =	vand.u32 $0xFFFF, v11;
	v9 =	vor.u32 s1, v0  }
.LBB2_50:
0x263: {  	_ = 	snop  }
0x264: {  	v8 =	vadd.s32 v8, v9;
	_ =	sdelay $0x3  }
0x265: {  	[tilespmem:v11+s10+$0x0] =	vst.idx.msk @p0 vm1, v10  }
0x266: {  	v8 =	vld.idx.msk [tilespmem:v8+s7+$0x0], $0xffff;
	_ =	sdelay $0x3  }
0x267: {  	vm1 =	vlt.s32 v9, v7  }
0x268: {  	v7 =	vshrl.u32 v8, $0x10;
	_ =	sdelay $0x4  }
0x269: {  	v8 =	vand.u32 $0xFFFF, v8;
	v7 =	vld.idx.msk [tilespmem:v7+s22+$0x0], vm1;
	_ =	sdelay $0x4  }
0x26a: {  	[tilespmem:v8+s10+$0x0] =	vst.idx.msk vm1, v7  }
.LBB2_51:
0x26b: {  	s1 =	rddreg [dreg:$0xd]  }
0x26c: {  	[hbm4b:s1+s6] =	stream.strided.scatter [tilespmem:s10], [sflag:$0x4], $0x4000, s18, s6, $0x38;
	[tilespmem:$0x1E438] =	vst v63  }
0x26d: {  	_ =	swait.ge [sflag:s21], $0x4000  }
.Ltmp43:
0x26e: {  	[sflag:s21] =	ssyncset.done $0x0;
	(pc) =	sbr.rel .LBB2_52-.Ltmp43, $4  }
0x26f: {  	[sflag:s21] =	ssyncadd.s32 $0xFFFFC000  }
0x270: {  	[tilespmem:s19], [sflag:$0x1] =	stream.strided.gather [hbm4b:s25+s6], $0x6C80, s18, s6, $0x38;
	[tilespmem:$0x1E438] =	vst v63  }
0x271: {  	s16 =	sadd.s32 $0x6C80, s25;
	s15 =	simm.s32 $0x0  }
0x272: {  	[tilespmem:s20], [sflag:$0x2] =	stream.strided.gather [hbm4b:s16+s6], $0x6C80, s18, s6, $0x38;
	[tilespmem:$0x1E438] =	vst v63  }
.LBB2_66:
0x273: {  	_ = 	snop  }
.LBB2_69:
0x274: {  	_ = 	snop  }
0x275: {  	v8 =	vadd.s32 v8, v9;
	_ =	sdelay $0x3  }
0x276: {  	[tilespmem:v11+s10+$0x0] =	vst.idx.msk @p0 vm1, v10  }
0x277: {  	v8 =	vld.idx.msk [tilespmem:v8+s7+$0x0], $0xffff;
	_ =	sdelay $0x3  }
0x278: {  	vm1 =	vlt.s32 v9, v7  }
0x279: {  	v7 =	vshrl.u32 v8, $0x10;
	_ =	sdelay $0x4  }
0x27a: {  	v8 =	vand.u32 $0xFFFF, v8;
	v7 =	vld.idx.msk [tilespmem:v7+s9+$0x0], vm1;
	_ =	sdelay $0x4  }
0x27b: {  	[tilespmem:v8+s10+$0x0] =	vst.idx.msk vm1, v7  }
.LBB2_70:
0x27c: {  	s15 =	sadd.s32 $0x1, s15  }
0x27d: {  	p0 =	sne.s32 s15, $0xC  }
.Ltmp44:
0x27e: {  	_ = 	snop;
	(pc) =	sbr.rel @!p0 .LBB2_71-.Ltmp44, $1  }
0x27f: {  	_ =	sdelay $0x3  }
.LBB2_52:
0x280: {  	s1 =	smul.u32 $0x3, s15;
	_ =	sdelay $0x1  }
0x281: {  	s16 =	sadd.s32 $0x2, s1  }
0x282: {  	s4 =	smul.u32 $0x6C80, s16;
	_ =	sdelay $0x1  }
0x283: {  	v8 =	vmov s1;
	s4 =	sadd.s32 s25, s4  }
0x284: {  	[tilespmem:s9], [sflag:$0x3] =	stream.strided.gather [hbm4b:s4+s6], $0x6C80, s18, s6, $0x38;
	[tilespmem:$0x1E438] =	vst v63  }
0x285: {  	_ =	swait.ge [sflag:s14], $0x6C80  }
0x286: {  	[sflag:s14] =	ssyncset.done $0x0  }
0x287: {  	[sflag:s14] =	ssyncadd.s32 $0xFFFF9380  }
0x288: {  	v7 =	vld.idx.msk [tilespmem:v8+s29+$0x0], $0xffff;
	_ =	sdelay $0x4  }
0x289: {  	v9 =	vxor.u32 $0x80000000, v7  }
0x28a: {  	(xrf0) =	vmax.scan.msk.u32 $0xffff, v9;
	_ =	sdelay $0x5  }
0x28b: {  	v9, _, _ =	vpop (xrf0)  }
0x28c: {  	(v2sf) =	vpush v9, $0xF;
	_ =	sdelay $0xe  }
0x28d: {  	s8 =	spop (v2sf)  }
0x28e: {  	s4 =	sadd.s32 $0x8000000F, s8  }
0x28f: {  	s5 =	sand.u32 $0xF, s4  }
0x290: {  	s13 =	sshra.s32 s4, $0x1F;
	p1 =	slt.s32 s4, $0x1;
	p0 =	sne.s32 s5, $0x0  }
0x291: {  	s5 =	sshrl.u32 s13, $0x1C;
	p0 =	por !p1, !p0  }
0x292: {  	s4 =	sadd.s32 s5, s4;
	s5 =	simm.s32 $0x1;
	p0 =	por !p0, !p0  }
0x293: {  	s4 =	sshra.s32 s4, $0x4;
	s5 =	simm.s32 @!p0 $0x0  }
0x294: {  	s4 =	ssub.s32 s4, s5  }
0x295: {  	p0 =	slt.s32 s4, $0x1  }
.Ltmp45:
0x296: {  	_ = 	snop;
	(pc) =	sbr.rel @p0 .LBB2_58-.Ltmp45, $2  }
0x297: {  	_ =	sdelay $0x2  }
0x298: {  	v8 =	vld.idx.msk [tilespmem:v8+s30+$0x0], $0xffff  }
0x299: {  	_ =	sdelay $0x3  }
0x29a: {  	v8 =	vxor.u32 $0x80000000, v8  }
0x29b: {  	(xrf0) =	vmax.scan.msk.u32 $0xffff, v8;
	_ =	sdelay $0x5  }
0x29c: {  	v8, _, _ =	vpop (xrf0)  }
0x29d: {  	(v2sf) =	vpush v8, $0xF;
	_ =	sdelay $0xb  }
0x29e: {  	p1 =	sne.s32 s4, $0x1  }
.Ltmp46:
0x29f: {  	_ = 	snop;
	(pc) =	sbr.rel @!p1 .LBB2_54-.Ltmp46, $4  }
0x2a0: {  	_ = 	snop  }
0x2a1: {  	s5 =	spop (v2sf)  }
0x2a2: {  	s6 =	simm.s32 $0x0;
	s5 =	sxor.u32 $0x80000000, s5  }
0x2a3: {  	p0 =	por $0x0, $0x0;
	v9 =	vor.u32 s6, v0;
	s6 =	sadd.s32 $0xFFFFFFFF, s4;
	v8 =	vmov s5  }
0x2a4: {  	v10 =	vadd.s32 v8, v9;
	_ =	sdelay $0x4  }
0x2a5: {  	v11 =	vld.idx.msk [tilespmem:v10+s7+$0x0], $0xffff;
	_ =	sdelay $0x3  }
0x2a6: {  	vm1 =	vlt.s32 v9, v7  }
0x2a7: {  	p1 =	sne.s32 s6, $0x1;
	v9 =	vshrl.u32 v11, $0x10  }
.Ltmp47:
0x2a8: {  	_ = 	snop;
	(pc) =	sbr.rel @!p1 .LBB2_57-.Ltmp47, $3  }
0x2a9: {  	_ =	sdelay $0x1  }
0x2aa: {  	s4 =	simm.s32 $0x10  }
0x2ab: {  	s6 =	sadd.s32 $0xFFFFFFFF, s6;
	p0 =	por $0x1, $0x1;
	v11 =	vand.u32 $0xFFFF, v11;
	v10 =	vld.idx.msk [tilespmem:v9+s19+$0x0], vm1;
	v9 =	vor.u32 s4, v0  }
.LBB2_56:
0x2ac: {  	p1 =	sne.s32 s6, $0x1;
	v12 =	vadd.s32 v8, v9;
	_ =	sdelay $0x3  }
0x2ad: {  	[tilespmem:v11+s10+$0x0] =	vst.idx.msk vm1, v10  }
0x2ae: {  	v11 =	vld.idx.msk [tilespmem:v12+s7+$0x0], $0xffff;
	_ =	sdelay $0x4  }
0x2af: {  	vm1 =	vlt.s32 v9, v7  }
0x2b0: {  	v9 =	vshrl.u32 v11, $0x10;
	_ =	sdelay $0x1  }
.Ltmp48:
0x2b1: {  	(pc) =	sbr.rel @p1 .LBB2_56-.Ltmp48, $3  }
0x2b2: {  	_ =	sdelay $0x1  }
0x2b3: {  	s4 =	sadd.s32 $0x10, s4;
	v10 =	vld.idx.msk [tilespmem:v9+s19+$0x0], vm1  }
0x2b4: {  	s6 =	sadd.s32 $0xFFFFFFFF, s6;
	v11 =	vand.u32 $0xFFFF, v11;
	v9 =	vor.u32 s4, v0  }
.LBB2_57:
0x2b5: {  	_ = 	snop  }
0x2b6: {  	v8 =	vadd.s32 v8, v9;
	_ =	sdelay $0x3  }
0x2b7: {  	[tilespmem:v11+s10+$0x0] =	vst.idx.msk @p0 vm1, v10  }
0x2b8: {  	v8 =	vld.idx.msk [tilespmem:v8+s7+$0x0], $0xffff;
	_ =	sdelay $0x3  }
0x2b9: {  	vm1 =	vlt.s32 v9, v7  }
0x2ba: {  	v7 =	vshrl.u32 v8, $0x10;
	_ =	sdelay $0x4  }
0x2bb: {  	v8 =	vand.u32 $0xFFFF, v8;
	v7 =	vld.idx.msk [tilespmem:v7+s19+$0x0], vm1;
	_ =	sdelay $0x4  }
0x2bc: {  	[tilespmem:v8+s10+$0x0] =	vst.idx.msk vm1, v7  }
.LBB2_58:
0x2bd: {  	p0 =	seq.s32 s15, $0xB  }
0x2be: {  	s4 =	smul.u32 @!p0 $0xA2C00, s15;
	_ =	sdelay $0x1  }
0x2bf: {  	s4 =	sshrl.u32 @!p0 s4, $0x3  }
0x2c0: {  	s5 =	sadd.s32 $0x1, s1;
	s1 =	simm.s32 @!p0 $0x80;
	s4 =	sadd.s32 @!p0 s25, s4  }
0x2c1: {  	s13 =	simm.s32 @!p0 $0x400;
	s8 =	simm.s32 @!p0 $0x5980;
	v8 =	vmov s5;
	s6 =	sadd.s32 @!p0 $0x14580, s4  }
0x2c2: {  	[tilespmem:s8], [sflag:$0x1] =	stream.strided.gather @!p0 [hbm4b:s6+s1], $0x6C80, s13, s1, $0x38;
	[tilespmem:$0x1E438] =	vst v63  }
0x2c3: {  	_ =	swait.ge [sflag:s11], $0x6C80  }
0x2c4: {  	[sflag:s11] =	ssyncset.done $0x0  }
0x2c5: {  	[sflag:s11] =	ssyncadd.s32 $0xFFFF9380  }
0x2c6: {  	v7 =	vld.idx.msk [tilespmem:v8+s29+$0x0], $0xffff;
	_ =	sdelay $0x4  }
0x2c7: {  	v9 =	vxor.u32 $0x80000000, v7  }
0x2c8: {  	(xrf0) =	vmax.scan.msk.u32 $0xffff, v9;
	_ =	sdelay $0x5  }
0x2c9: {  	v9, _, _ =	vpop (xrf0)  }
0x2ca: {  	(v2sf) =	vpush v9, $0xF;
	_ =	sdelay $0xe  }
0x2cb: {  	s6 =	spop (v2sf)  }
0x2cc: {  	s5 =	sadd.s32 $0x8000000F, s6  }
0x2cd: {  	s6 =	sand.u32 $0xF, s5  }
0x2ce: {  	s8 =	sshra.s32 s5, $0x1F;
	p1 =	slt.s32 s5, $0x1;
	p2 =	sne.s32 s6, $0x0  }
0x2cf: {  	s8 =	sshrl.u32 s8, $0x1C;
	p1 =	por !p1, !p2  }
0x2d0: {  	s6 =	simm.s32 $0x1;
	s5 =	sadd.s32 s8, s5;
	p1 =	por !p1, !p1  }
0x2d1: {  	s5 =	sshra.s32 s5, $0x4;
	s6 =	simm.s32 @!p1 $0x0  }
0x2d2: {  	s6 =	ssub.s32 s5, s6  }
0x2d3: {  	p1 =	slt.s32 s6, $0x1  }
.Ltmp49:
0x2d4: {  	_ = 	snop;
	(pc) =	sbr.rel @p1 .LBB2_64-.Ltmp49, $2  }
0x2d5: {  	_ =	sdelay $0x2  }
0x2d6: {  	v8 =	vld.idx.msk [tilespmem:v8+s30+$0x0], $0xffff  }
0x2d7: {  	_ =	sdelay $0x3  }
0x2d8: {  	v8 =	vxor.u32 $0x80000000, v8  }
0x2d9: {  	(xrf0) =	vmax.scan.msk.u32 $0xffff, v8;
	_ =	sdelay $0x5  }
0x2da: {  	v8, _, _ =	vpop (xrf0)  }
0x2db: {  	(v2sf) =	vpush v8, $0xF;
	_ =	sdelay $0xb  }
0x2dc: {  	p2 =	sne.s32 s6, $0x1  }
.Ltmp50:
0x2dd: {  	_ = 	snop;
	(pc) =	sbr.rel @!p2 .LBB2_60-.Ltmp50, $4  }
0x2de: {  	_ = 	snop  }
0x2df: {  	s5 =	spop (v2sf)  }
0x2e0: {  	s8 =	simm.s32 $0x0;
	s5 =	sxor.u32 $0x80000000, s5  }
0x2e1: {  	p1 =	por $0x0, $0x0;
	v9 =	vor.u32 s8, v0;
	s8 =	sadd.s32 $0xFFFFFFFF, s6;
	v8 =	vmov s5  }
0x2e2: {  	v10 =	vadd.s32 v8, v9;
	_ =	sdelay $0x4  }
0x2e3: {  	v11 =	vld.idx.msk [tilespmem:v10+s7+$0x0], $0xffff;
	_ =	sdelay $0x3  }
0x2e4: {  	vm1 =	vlt.s32 v9, v7  }
0x2e5: {  	p2 =	sne.s32 s8, $0x1;
	v9 =	vshrl.u32 v11, $0x10  }
.Ltmp51:
0x2e6: {  	_ = 	snop;
	(pc) =	sbr.rel @!p2 .LBB2_63-.Ltmp51, $3  }
0x2e7: {  	_ =	sdelay $0x1  }
0x2e8: {  	s6 =	simm.s32 $0x10  }
0x2e9: {  	s8 =	sadd.s32 $0xFFFFFFFF, s8;
	p1 =	por $0x1, $0x1;
	v11 =	vand.u32 $0xFFFF, v11;
	v10 =	vld.idx.msk [tilespmem:v9+s20+$0x0], vm1;
	v9 =	vor.u32 s6, v0  }
.LBB2_62:
0x2ea: {  	p2 =	sne.s32 s8, $0x1;
	v12 =	vadd.s32 v8, v9;
	_ =	sdelay $0x3  }
0x2eb: {  	[tilespmem:v11+s10+$0x0] =	vst.idx.msk vm1, v10  }
0x2ec: {  	v11 =	vld.idx.msk [tilespmem:v12+s7+$0x0], $0xffff;
	_ =	sdelay $0x4  }
0x2ed: {  	vm1 =	vlt.s32 v9, v7  }
0x2ee: {  	v9 =	vshrl.u32 v11, $0x10;
	_ =	sdelay $0x1  }
.Ltmp52:
0x2ef: {  	(pc) =	sbr.rel @p2 .LBB2_62-.Ltmp52, $3  }
0x2f0: {  	_ =	sdelay $0x1  }
0x2f1: {  	s6 =	sadd.s32 $0x10, s6;
	v10 =	vld.idx.msk [tilespmem:v9+s20+$0x0], vm1  }
0x2f2: {  	s8 =	sadd.s32 $0xFFFFFFFF, s8;
	v11 =	vand.u32 $0xFFFF, v11;
	v9 =	vor.u32 s6, v0  }
.LBB2_63:
0x2f3: {  	_ = 	snop  }
0x2f4: {  	v8 =	vadd.s32 v8, v9;
	_ =	sdelay $0x3  }
0x2f5: {  	[tilespmem:v11+s10+$0x0] =	vst.idx.msk @p1 vm1, v10  }
0x2f6: {  	v8 =	vld.idx.msk [tilespmem:v8+s7+$0x0], $0xffff;
	_ =	sdelay $0x3  }
0x2f7: {  	vm1 =	vlt.s32 v9, v7  }
0x2f8: {  	v7 =	vshrl.u32 v8, $0x10;
	_ =	sdelay $0x4  }
0x2f9: {  	v8 =	vand.u32 $0xFFFF, v8;
	v7 =	vld.idx.msk [tilespmem:v7+s20+$0x0], vm1;
	_ =	sdelay $0x4  }
0x2fa: {  	[tilespmem:v8+s10+$0x0] =	vst.idx.msk vm1, v7  }
.LBB2_64:
0x2fb: {  	s4 =	sadd.s32 @!p0 $0x1B200, s4;
	s5 =	simm.s32 @!p0 $0xC600;
	v8 =	vmov s16  }
0x2fc: {  	[tilespmem:s5], [sflag:$0x2] =	stream.strided.gather @!p0 [hbm4b:s4+s1], $0x6C80, s13, s1, $0x38;
	[tilespmem:$0x1E438] =	vst v63  }
0x2fd: {  	_ =	swait.ge [sflag:s12], $0x6C80  }
0x2fe: {  	[sflag:s12] =	ssyncset.done $0x0  }
0x2ff: {  	[sflag:s12] =	ssyncadd.s32 $0xFFFF9380  }
0x300: {  	v7 =	vld.idx.msk [tilespmem:v8+s29+$0x0], $0xffff;
	_ =	sdelay $0x4  }
0x301: {  	v9 =	vxor.u32 $0x80000000, v7  }
0x302: {  	(xrf0) =	vmax.scan.msk.u32 $0xffff, v9;
	_ =	sdelay $0x5  }
0x303: {  	v9, _, _ =	vpop (xrf0)  }
0x304: {  	(v2sf) =	vpush v9, $0xF;
	_ =	sdelay $0xe  }
0x305: {  	s6 =	spop (v2sf)  }
0x306: {  	s1 =	sadd.s32 $0x8000000F, s6  }
0x307: {  	s8 =	sand.u32 $0xF, s1  }
0x308: {  	s13 =	sshra.s32 s1, $0x1F;
	p6 =	slt.s32 s1, $0x1;
	p1 =	sne.s32 s8, $0x0  }
0x309: {  	s16 =	sshrl.u32 s13, $0x1C;
	p0 =	por !p6, !p1  }
0x30a: {  	s4 =	simm.s32 $0x1;
	s1 =	sadd.s32 s16, s1;
	p0 =	por !p0, !p0  }
0x30b: {  	s1 =	sshra.s32 s1, $0x4;
	s4 =	simm.s32 @!p0 $0x0  }
0x30c: {  	s1 =	ssub.s32 s1, s4  }
0x30d: {  	p0 =	slt.s32 s1, $0x1  }
.Ltmp53:
0x30e: {  	_ = 	snop;
	(pc) =	sbr.rel @p0 .LBB2_70-.Ltmp53, $2  }
0x30f: {  	_ =	sdelay $0x2  }
0x310: {  	v8 =	vld.idx.msk [tilespmem:v8+s30+$0x0], $0xffff;
	s6 =	simm.s32 $0x80  }
0x311: {  	_ =	sdelay $0x3  }
0x312: {  	v8 =	vxor.u32 $0x80000000, v8  }
0x313: {  	(xrf0) =	vmax.scan.msk.u32 $0xffff, v8;
	_ =	sdelay $0x5  }
0x314: {  	v8, _, _ =	vpop (xrf0)  }
0x315: {  	(v2sf) =	vpush v8, $0xF;
	_ =	sdelay $0xb  }
0x316: {  	p1 =	sne.s32 s1, $0x1  }
.Ltmp54:
0x317: {  	_ = 	snop;
	(pc) =	sbr.rel @!p1 .LBB2_66-.Ltmp54, $4  }
0x318: {  	_ = 	snop  }
0x319: {  	s4 =	spop (v2sf)  }
0x31a: {  	s5 =	simm.s32 $0x0;
	s4 =	sxor.u32 $0x80000000, s4  }
0x31b: {  	p0 =	por $0x0, $0x0;
	v9 =	vor.u32 s5, v0;
	v8 =	vmov s4;
	s4 =	sadd.s32 $0xFFFFFFFF, s1  }
0x31c: {  	v10 =	vadd.s32 v8, v9;
	_ =	sdelay $0x4  }
0x31d: {  	v11 =	vld.idx.msk [tilespmem:v10+s7+$0x0], $0xffff;
	_ =	sdelay $0x3  }
0x31e: {  	vm1 =	vlt.s32 v9, v7  }
0x31f: {  	p1 =	sne.s32 s4, $0x1;
	v9 =	vshrl.u32 v11, $0x10  }
.Ltmp55:
0x320: {  	_ = 	snop;
	(pc) =	sbr.rel @!p1 .LBB2_69-.Ltmp55, $3  }
0x321: {  	_ =	sdelay $0x1  }
0x322: {  	s1 =	simm.s32 $0x10  }
0x323: {  	s4 =	sadd.s32 $0xFFFFFFFF, s4;
	p0 =	por $0x1, $0x1;
	v11 =	vand.u32 $0xFFFF, v11;
	v10 =	vld.idx.msk [tilespmem:v9+s9+$0x0], vm1;
	v9 =	vor.u32 s1, v0  }
.LBB2_68:
0x324: {  	p1 =	sne.s32 s4, $0x1;
	v12 =	vadd.s32 v8, v9;
	_ =	sdelay $0x3  }
0x325: {  	[tilespmem:v11+s10+$0x0] =	vst.idx.msk vm1, v10  }
0x326: {  	v11 =	vld.idx.msk [tilespmem:v12+s7+$0x0], $0xffff;
	_ =	sdelay $0x4  }
0x327: {  	vm1 =	vlt.s32 v9, v7  }
0x328: {  	v9 =	vshrl.u32 v11, $0x10;
	_ =	sdelay $0x1  }
.Ltmp56:
0x329: {  	(pc) =	sbr.rel @p1 .LBB2_68-.Ltmp56, $3  }
0x32a: {  	_ =	sdelay $0x1  }
0x32b: {  	s1 =	sadd.s32 $0x10, s1;
	v10 =	vld.idx.msk [tilespmem:v9+s9+$0x0], vm1  }
0x32c: {  	s4 =	sadd.s32 $0xFFFFFFFF, s4;
	v11 =	vand.u32 $0xFFFF, v11;
	v9 =	vor.u32 s1, v0  }
.Ltmp57:
0x32d: {  	_ = 	snop;
	(pc) =	sbr.rel .LBB2_69-.Ltmp57, $1  }
0x32e: {  	_ =	sdelay $0x3  }
.LBB2_54:
.Ltmp58:
0x32f: {  	(pc) =	sbr.rel .LBB2_57-.Ltmp58, $2  }
0x330: {  	_ =	sdelay $0x2  }
0x331: {  	_ = 	snop  }
.LBB2_60:
.Ltmp59:
0x332: {  	(pc) =	sbr.rel .LBB2_63-.Ltmp59, $2  }
0x333: {  	_ =	sdelay $0x2  }
0x334: {  	_ = 	snop  }
.LBB2_71:
0x335: {  	_ =	sdelay $0x3  }
0x336: {  	v7 =	vld.idx.msk [tilespmem:v6+s29+$0x0], $0xffff;
	_ =	sdelay $0x4  }
0x337: {  	v8 =	vxor.u32 $0x80000000, v7  }
0x338: {  	(xrf0) =	vmax.scan.msk.u32 $0xffff, v8;
	_ =	sdelay $0x5  }
0x339: {  	v8, _, _ =	vpop (xrf0)  }
0x33a: {  	(v2sf) =	vpush v8, $0xF;
	_ =	sdelay $0xe  }
0x33b: {  	s1 =	spop (v2sf)  }
0x33c: {  	s1 =	sadd.s32 $0x8000000F, s1  }
0x33d: {  	s4 =	sand.u32 $0xF, s1  }
0x33e: {  	s25 =	sshra.s32 s1, $0x1F;
	p1 =	slt.s32 s1, $0x1;
	p0 =	sne.s32 s4, $0x0  }
0x33f: {  	s4 =	sshrl.u32 s25, $0x1C;
	p0 =	por !p1, !p0  }
0x340: {  	s1 =	sadd.s32 s4, s1;
	s4 =	simm.s32 $0x1;
	p0 =	por !p0, !p0  }
0x341: {  	s1 =	sshra.s32 s1, $0x4;
	s4 =	simm.s32 @!p0 $0x0  }
0x342: {  	s1 =	ssub.s32 s1, s4  }
0x343: {  	p0 =	slt.s32 s1, $0x1  }
.Ltmp60:
0x344: {  	_ = 	snop;
	(pc) =	sbr.rel @p0 .LBB2_77-.Ltmp60, $2  }
0x345: {  	_ =	sdelay $0x2  }
0x346: {  	v8 =	vld.idx.msk [tilespmem:v6+s30+$0x0], $0xffff;
	s4 =	rddreg [dreg:$0x11]  }
0x347: {  	_ =	sdelay $0x3  }
0x348: {  	v8 =	vxor.u32 $0x80000000, v8  }
0x349: {  	(xrf0) =	vmax.scan.msk.u32 $0xffff, v8;
	_ =	sdelay $0x5  }
0x34a: {  	v8, _, _ =	vpop (xrf0)  }
0x34b: {  	(v2sf) =	vpush v8, $0xF;
	_ =	sdelay $0xb  }
0x34c: {  	p1 =	sne.s32 s1, $0x1  }
.Ltmp61:
0x34d: {  	_ = 	snop;
	(pc) =	sbr.rel @!p1 .LBB2_73-.Ltmp61, $4  }
0x34e: {  	_ = 	snop  }
0x34f: {  	s4 =	spop (v2sf)  }
0x350: {  	s5 =	simm.s32 $0x0;
	s4 =	sxor.u32 $0x80000000, s4  }
0x351: {  	p0 =	por $0x0, $0x0;
	v9 =	vor.u32 s5, v0;
	v8 =	vmov s4;
	s4 =	sadd.s32 $0xFFFFFFFF, s1  }
0x352: {  	v10 =	vadd.s32 v8, v9;
	_ =	sdelay $0x4  }
0x353: {  	v11 =	vld.idx.msk [tilespmem:v10+s7+$0x0], $0xffff;
	_ =	sdelay $0x3  }
0x354: {  	vm1 =	vlt.s32 v9, v7  }
0x355: {  	p1 =	sne.s32 s4, $0x1;
	v9 =	vshrl.u32 v11, $0x10  }
.Ltmp62:
0x356: {  	_ = 	snop;
	(pc) =	sbr.rel @!p1 .LBB2_76-.Ltmp62, $3  }
0x357: {  	_ =	sdelay $0x1  }
0x358: {  	s1 =	simm.s32 $0x10  }
0x359: {  	s4 =	sadd.s32 $0xFFFFFFFF, s4;
	p0 =	por $0x1, $0x1;
	v11 =	vand.u32 $0xFFFF, v11;
	v10 =	vld.idx.msk [tilespmem:v9+s23+$0x0], vm1;
	v9 =	vor.u32 s1, v0  }
.LBB2_75:
0x35a: {  	p1 =	sne.s32 s4, $0x1;
	v12 =	vadd.s32 v8, v9;
	_ =	sdelay $0x3  }
0x35b: {  	[tilespmem:v11+s10+$0x0] =	vst.idx.msk vm1, v10  }
0x35c: {  	v11 =	vld.idx.msk [tilespmem:v12+s7+$0x0], $0xffff;
	_ =	sdelay $0x4  }
0x35d: {  	vm1 =	vlt.s32 v9, v7  }
0x35e: {  	v9 =	vshrl.u32 v11, $0x10;
	_ =	sdelay $0x1  }
.Ltmp63:
0x35f: {  	(pc) =	sbr.rel @p1 .LBB2_75-.Ltmp63, $3  }
0x360: {  	_ =	sdelay $0x1  }
0x361: {  	s1 =	sadd.s32 $0x10, s1;
	v10 =	vld.idx.msk [tilespmem:v9+s23+$0x0], vm1  }
0x362: {  	s4 =	sadd.s32 $0xFFFFFFFF, s4;
	v11 =	vand.u32 $0xFFFF, v11;
	v9 =	vor.u32 s1, v0  }
.Ltmp64:
0x363: {  	_ = 	snop;
	(pc) =	sbr.rel .LBB2_76-.Ltmp64, $1  }
0x364: {  	_ =	sdelay $0x3  }
.LBB2_47:
.Ltmp65:
0x365: {  	(pc) =	sbr.rel .LBB2_50-.Ltmp65, $2  }
0x366: {  	_ =	sdelay $0x2  }
0x367: {  	_ = 	snop  }
.LBB2_78:
0x368: {  	_ =	sfence.sel $0x180000  }
0x369: {  	[bflag:$0x0] =	sbarrier.arrive $0xFFFF  }
0x36a: {  	_ =	strace $0x90000047  }
0x36b: {  	s0 =	stileid.u32;
	[bflag:$0x2] =	sbarrier.arrive $0xFFFF  }
0x36c: {  	p0 =	sne.s32 s0, $0x0;
	s0 =	rddreg [dreg:$0x5]  }
0x36d: {  	s0 =	sadd.s32 @!p0 $0x100000, s0  }
0x36e: {  	[sflag:s0] =	ssyncadd.tile.s32 @!p0 $0x1;
	_ =	shalt  }
.Lfunc_end2:
_tile_overlayer_lowered:
.L_overlay_start_2:
0x36f: {  	(tag) =	ssettag $0x2  }
0x370: {  	s0 =	rddreg [dreg:$0x0];
	s2 =	stileid.u32  }
0x371: {  	s1 =	rddreg [dreg:$0x1];
	p0 =	sne.s32 s2, $0x0  }
0x372: {  	s3 =	rddreg [dreg:$0x2];
	[bflag:$0x3] =	sbarrier.arrive $0xFFFF;
	s2 =	simm.s32 @!p0 $0x1C04  }
0x373: {  	[timem:s3], [sflag:s2] =	dma.local @!p0 [hbm:s0], s1  }
0x374: {  	s0 =	simm.s32 @!p0 $0x4  }
0x375: {  	_ =	swait.ge @!p0 [sflag:s0], s1  }
0x376: {  	s1 =	ssub.s32 @!p0 $0x0, s1;
	[sflag:s0] =	ssyncset.done @!p0 $0x0  }
0x377: {  	[sflag:s0] =	ssyncadd.s32 @!p0 s1  }
0x378: {  	[bflag:$0x3] =	sbarrier.arrive $0xFFFF  }
0x379: {  	_ =	shalt  }

</sc_bundles>
